<compile_context>
chip_gen: v7x
topology: tpu7x:2x2x1
jax: 0.10.2.dev20260603
libtpu: 0.0.44.dev20260713+nightly
codegen_flags: <defaults>
</compile_context>

<pallas_src>
import functools

import jax
import jax.numpy as jnp
from jax import lax
from jax.experimental import pallas as pl
from jax.experimental.pallas import tpu as pltpu
from jax.experimental.pallas import tpu_sc as plsc

N = 10000
D = 128
H = 128
NPAD = 10240
ROW_BLK = 1000
ROW_BLK2 = 1024
C = 128

NC, NS = 2, 16
NW = NC * NS
CHUNKS = 80
T = CHUNKS * C
EPAD = NW * T
ROWS_PER_TILE = NPAD // NS


def _tc1_body(x_ref, w1_ref, asv_ref, adv_ref, h_ref, as_ref, ad_ref):
    h = jnp.dot(x_ref[...], w1_ref[...], preferred_element_type=jnp.float32)
    h_ref[...] = h
    as_ref[...] = jnp.sum(h * asv_ref[...][None, :], axis=1, keepdims=True)
    ad_ref[...] = jnp.sum(h * adv_ref[...][None, :], axis=1, keepdims=True)


def _tc1(x, W1, att_src, att_dst):
    grid = (N // ROW_BLK,)
    return pl.pallas_call(
        _tc1_body,
        grid=grid,
        in_specs=[
            pl.BlockSpec((ROW_BLK, D), lambda i: (i, 0)),
            pl.BlockSpec((D, H), lambda i: (0, 0)),
            pl.BlockSpec((H,), lambda i: (0,)),
            pl.BlockSpec((H,), lambda i: (0,)),
        ],
        out_specs=[
            pl.BlockSpec((ROW_BLK, H), lambda i: (i, 0)),
            pl.BlockSpec((ROW_BLK, 1), lambda i: (i, 0)),
            pl.BlockSpec((ROW_BLK, 1), lambda i: (i, 0)),
        ],
        out_shape=[
            jax.ShapeDtypeStruct((N, H), jnp.float32),
            jax.ShapeDtypeStruct((N, 1), jnp.float32),
            jax.ShapeDtypeStruct((N, 1), jnp.float32),
        ],
    )(x, W1, att_src, att_dst)


def _sc0(src1d, dst1d, asrc_pad, adst_pad):
    mesh = plsc.VectorSubcoreMesh(core_axis_name="c", subcore_axis_name="s",
                                  num_cores=NC, num_subcores=NS)

    @functools.partial(
        pl.kernel,
        out_type=(
            jax.ShapeDtypeStruct((EPAD,), jnp.float32),
            jax.ShapeDtypeStruct((NW * NPAD,), jnp.float32),
            jax.ShapeDtypeStruct((NW * NPAD,), jnp.float32),
        ),
        mesh=mesh,
        compiler_params=pltpu.CompilerParams(needs_layout_passes=False),
        scratch_types=[
            pltpu.VMEM((T,), jnp.int32),
            pltpu.VMEM((T,), jnp.int32),
            pltpu.VMEM((T,), jnp.float32),
            pltpu.VMEM((NPAD,), jnp.float32),
            pltpu.VMEM((NPAD,), jnp.float32),
            pltpu.VMEM((NPAD,), jnp.float32),
            pltpu.VMEM((NPAD,), jnp.float32),
        ],
    )
    def k(src_r, dst_r, asrc_r, adst_r,
          w_out, denom_out, deg_out,
          src_v, dst_v, w_v, asrc_v, adst_v, denom_v, deg_v):
        c = lax.axis_index("c")
        s = lax.axis_index("s")
        wid = s * NC + c

        pltpu.sync_copy(src_r.at[pl.ds(wid * T, T)], src_v)
        pltpu.sync_copy(dst_r.at[pl.ds(wid * T, T)], dst_v)
        pltpu.sync_copy(asrc_r, asrc_v)
        pltpu.sync_copy(adst_r, adst_v)

        zero16 = jnp.zeros((16,), jnp.float32)
        ones16 = jnp.ones((16,), jnp.float32)

        def zero_scalars(i, _):
            denom_v[pl.ds(i * 16, 16)] = zero16
            deg_v[pl.ds(i * 16, 16)] = zero16
            return 0

        lax.fori_loop(0, NPAD // 16, zero_scalars, 0)

        def body(i2, _):
            for u in range(2):
                i = i2 * 2 + u
                sl = src_v[pl.ds(i * 16, 16)]
                dl = dst_v[pl.ds(i * 16, 16)]
                al = (plsc.load_gather(asrc_v, [sl])
                      + plsc.load_gather(adst_v, [dl]))
                al = jnp.where(al >= 0.0, al, al * 0.2)
                w = jnp.exp(al)
                plsc.addupdate_scatter(denom_v, [dl], w)
                plsc.addupdate_scatter(deg_v, [dl], ones16)
                w_v[pl.ds(i * 16, 16)] = w
            return 0

        lax.fori_loop(0, T // 32, body, 0)

        pltpu.sync_copy(w_v, w_out.at[pl.ds(wid * T, T)])
        pltpu.sync_copy(denom_v, denom_out.at[pl.ds(wid * NPAD, NPAD)])
        pltpu.sync_copy(deg_v, deg_out.at[pl.ds(wid * NPAD, NPAD)])

    return k(src1d, dst1d, asrc_pad, adst_pad)


G = 40
K0 = 80
K1 = 80


def _sc2(src2d, dst2d, w2d, h_pad):
    mesh = plsc.VectorSubcoreMesh(core_axis_name="c", subcore_axis_name="s",
                                  num_cores=NC, num_subcores=NS)

    @functools.partial(
        pl.kernel,
        out_type=jax.ShapeDtypeStruct((NC, NPAD, H), jnp.float32),
        mesh=mesh,
        compiler_params=pltpu.CompilerParams(needs_layout_passes=False),
        scratch_types=[
            pltpu.VMEM((G, C), jnp.int32),
            pltpu.VMEM((G, C), jnp.int32),
            pltpu.VMEM((G, C), jnp.float32),
            pltpu.VMEM((C, H), jnp.float32),
            pltpu.VMEM((C, H), jnp.float32),
            pltpu.VMEM_SHARED((NPAD, H), jnp.float32),
            pltpu.SemaphoreType.DMA,
        ],
    )
    def k(src2d_r, dst2d_r, w2d_r, h_r, acc_out,
          src_t, dst_t, w_t, rows_a, rows_b, acc_sh, sem):
        c = lax.axis_index("c")
        s = lax.axis_index("s")
        wid = s * NC + c

        zero16 = jnp.zeros((16,), jnp.float32)
        iota0 = jnp.zeros((16,), jnp.int32)

        def zero_rows(i, _):
            for q in range(H // 16):
                rows_a[i, pl.ds(q * 16, 16)] = zero16
            return 0

        lax.fori_loop(0, C, zero_rows, 0)

        for k_ in range(ROWS_PER_TILE // C):
            pltpu.sync_copy(rows_a,
                            acc_sh.at[pl.ds(s * ROWS_PER_TILE + k_ * C, C)])
        plsc.subcore_barrier()

        UNROLL = 4

        def scale_and_scatter(g, rows_v):
            def scale_rows(i4, _):
                for u in range(UNROLL):
                    i = i4 * UNROLL + u
                    wspl = plsc.load_gather(w_t, [iota0 + g, iota0 + i])
                    for q in range(H // 16):
                        sl2 = pl.ds(q * 16, 16)
                        rows_v[i, sl2] = rows_v[i, sl2] * wspl
                return 0

            lax.fori_loop(0, C // UNROLL, scale_rows, 0)
            pltpu.sync_copy(rows_v, acc_sh.at[dst_t.at[g]], add=True)

        def gather_chunk(j, rows_v):
            h1 = pltpu.async_copy(h_r.at[src_t.at[j, pl.ds(0, C // 2)]],
                                  rows_v.at[pl.ds(0, C // 2)], sem)
            h2 = pltpu.async_copy(h_r.at[src_t.at[j, pl.ds(C // 2, C // 2)]],
                                  rows_v.at[pl.ds(C // 2, C // 2)], sem)
            return h1, h2

        rounds = jnp.where(c == 0, K0 // G, K1 // G)
        tile_base = jnp.where(c == 0, s * K0, NS * K0 + s * K1)

        def stage_body(r, _):
            base = tile_base + r * G
            pltpu.sync_copy(src2d_r.at[pl.ds(base, G)], src_t)
            pltpu.sync_copy(dst2d_r.at[pl.ds(base, G)], dst_t)
            pltpu.sync_copy(w2d_r.at[pl.ds(base, G)], w_t)

            pa1, pa2 = gather_chunk(0, rows_a)
            pa1.wait()
            pa2.wait()

            def pair_body(p, _):
                j = 2 * p
                hb1, hb2 = gather_chunk(j + 1, rows_b)
                scale_and_scatter(j, rows_a)
                hb1.wait()
                hb2.wait()
                jn = jnp.minimum(j + 2, G - 1)
                ha1, ha2 = gather_chunk(jn, rows_a)
                scale_and_scatter(j + 1, rows_b)
                ha1.wait()
                ha2.wait()
                return 0

            lax.fori_loop(0, G // 2, pair_body, 0)
            return 0

        lax.fori_loop(0, rounds, stage_body, 0)

        plsc.subcore_barrier()
        pltpu.sync_copy(acc_sh.at[pl.ds(s * ROWS_PER_TILE, ROWS_PER_TILE)],
                        acc_out.at[c, pl.ds(s * ROWS_PER_TILE, ROWS_PER_TILE)])

    return k(src2d, dst2d, w2d, h_pad)


def _tc3_body(acc_ref, den_ref, deg_ref, h_ref, as_ref, ad_ref,
              b1_ref, g_ref, be_ref, w2_ref,
              gout_ref, dinv_ref):
    a = as_ref[...][:, 0] + ad_ref[...][:, 0]
    selfw = jnp.exp(jnp.where(a >= 0.0, a, a * 0.2))
    denom = jnp.sum(den_ref[...], axis=0) + selfw + 1e-16
    agg = acc_ref[0] + acc_ref[1] + selfw[:, None] * h_ref[...]
    gat = agg / denom[:, None] + b1_ref[...][None, :]
    r = jnp.maximum(gat, 0.0)
    mu = jnp.mean(r, axis=1, keepdims=True)
    var = jnp.mean((r - mu) ** 2, axis=1, keepdims=True)
    ln = (r - mu) / jnp.sqrt(var + 1e-5) * g_ref[...][None, :] + be_ref[...][None, :]
    h2 = jnp.sum(ln * w2_ref[...][:, 0][None, :], axis=1)
    deg = jnp.sum(deg_ref[...], axis=0) + 1.0
    dinv = lax.rsqrt(deg)
    gout_ref[...] = (h2 * dinv)[:, None]
    dinv_ref[...] = dinv[:, None]


def _tc3(acc, denom32, deg32, h_pad, a_src2, a_dst2, b1, gamma, beta, W2):
    grid = (NPAD // ROW_BLK2,)
    return pl.pallas_call(
        _tc3_body,
        grid=grid,
        in_specs=[
            pl.BlockSpec((NC, ROW_BLK2, H), lambda i: (0, i, 0)),
            pl.BlockSpec((NW, ROW_BLK2), lambda i: (0, i)),
            pl.BlockSpec((NW, ROW_BLK2), lambda i: (0, i)),
            pl.BlockSpec((ROW_BLK2, H), lambda i: (i, 0)),
            pl.BlockSpec((ROW_BLK2, 1), lambda i: (i, 0)),
            pl.BlockSpec((ROW_BLK2, 1), lambda i: (i, 0)),
            pl.BlockSpec((H,), lambda i: (0,)),
            pl.BlockSpec((H,), lambda i: (0,)),
            pl.BlockSpec((H,), lambda i: (0,)),
            pl.BlockSpec((H, 1), lambda i: (0, 0)),
        ],
        out_specs=[
            pl.BlockSpec((ROW_BLK2, 1), lambda i: (i, 0)),
            pl.BlockSpec((ROW_BLK2, 1), lambda i: (i, 0)),
        ],
        out_shape=[
            jax.ShapeDtypeStruct((NPAD, 1), jnp.float32),
            jax.ShapeDtypeStruct((NPAD, 1), jnp.float32),
        ],
    )(acc, denom32, deg32, h_pad, a_src2, a_dst2, b1, gamma, beta, W2)


def _sc4(src1d, dst1d, g_pad):
    mesh = plsc.VectorSubcoreMesh(core_axis_name="c", subcore_axis_name="s", num_cores=NC, num_subcores=NS)

    @functools.partial(
        pl.kernel,
        out_type=jax.ShapeDtypeStruct((NW * NPAD,), jnp.float32),
        mesh=mesh,
        compiler_params=pltpu.CompilerParams(needs_layout_passes=False),
        scratch_types=[
            pltpu.VMEM((T,), jnp.int32),
            pltpu.VMEM((T,), jnp.int32),
            pltpu.VMEM((NPAD,), jnp.float32),
            pltpu.VMEM((NPAD,), jnp.float32),
        ],
    )
    def k(src_r, dst_r, g_r, s_out, src_v, dst_v, g_v, s_v):
        c = lax.axis_index("c")
        s = lax.axis_index("s")
        wid = s * NC + c

        pltpu.sync_copy(src_r.at[pl.ds(wid * T, T)], src_v)
        pltpu.sync_copy(dst_r.at[pl.ds(wid * T, T)], dst_v)
        pltpu.sync_copy(g_r, g_v)

        zero16 = jnp.zeros((16,), jnp.float32)

        def zero_s(i, _):
            s_v[pl.ds(i * 16, 16)] = zero16
            return 0

        lax.fori_loop(0, NPAD // 16, zero_s, 0)

        def body(i2, _):
            for u in range(2):
                i = i2 * 2 + u
                sl = src_v[pl.ds(i * 16, 16)]
                dl = dst_v[pl.ds(i * 16, 16)]
                vals = plsc.load_gather(g_v, [sl])
                plsc.addupdate_scatter(s_v, [dl], vals)
            return 0

        lax.fori_loop(0, T // 32, body, 0)
        pltpu.sync_copy(s_v, s_out.at[pl.ds(wid * NPAD, NPAD)])

    return k(src1d, dst1d, g_pad)


def _tc5_body(s_ref, g_ref, dinv_ref, b2_ref, out_ref):
    s = jnp.sum(s_ref[...], axis=0)[:, None]
    out_ref[...] = dinv_ref[...] * (s + g_ref[...]) + b2_ref[...]


def _tc5(s32, g, dinv, b2):
    grid = (NPAD // ROW_BLK2,)
    return pl.pallas_call(
        _tc5_body,
        grid=grid,
        in_specs=[
            pl.BlockSpec((NW, ROW_BLK2), lambda i: (0, i)),
            pl.BlockSpec((ROW_BLK2, 1), lambda i: (i, 0)),
            pl.BlockSpec((ROW_BLK2, 1), lambda i: (i, 0)),
            pl.BlockSpec((1,), lambda i: (0,)),
        ],
        out_specs=pl.BlockSpec((ROW_BLK2, 1), lambda i: (i, 0)),
        out_shape=jax.ShapeDtypeStruct((NPAD, 1), jnp.float32),
    )(s32, g, dinv, b2)


def kernel(x, edge_index, batch, W1, att_src, att_dst, b1, gamma, beta, W2, b2):
    E = edge_index.shape[1]
    src = edge_index[0]
    dst = edge_index[1]
    pad = EPAD - E
    src_p = jnp.concatenate([src, jnp.full((pad,), N, jnp.int32)])
    dst_p = jnp.concatenate([dst, jnp.full((pad,), N, jnp.int32)])
    src2d = src_p.reshape(EPAD // C, C)
    dst2d = dst_p.reshape(EPAD // C, C)

    h, a_src, a_dst = _tc1(x, W1, att_src, att_dst)

    h_pad = jnp.concatenate([h, jnp.zeros((NPAD - N, H), jnp.float32)])
    a_src_pad = jnp.concatenate([a_src[:, 0], jnp.full((NPAD - N,), -1e30, jnp.float32)])
    a_dst_pad = jnp.concatenate([a_dst[:, 0], jnp.full((NPAD - N,), -1e30, jnp.float32)])

    w_e, denom32, deg32 = _sc0(src_p, dst_p, a_src_pad, a_dst_pad)
    denom32 = denom32.reshape(NW, NPAD)
    deg32 = deg32.reshape(NW, NPAD)

    acc = _sc2(src2d, dst2d, w_e.reshape(EPAD // C, C), h_pad)

    g, dinv = _tc3(acc, denom32, deg32, h_pad,
                   a_src_pad[:, None], a_dst_pad[:, None], b1, gamma, beta, W2)

    s32 = _sc4(src_p, dst_p, g[:, 0]).reshape(NW, NPAD)

    return _tc5(s32, g, dinv, b2)[:N, 0]

# --- scband reference (transcript-rebuilt; emitter-appended) ---
"""Pipeline reference for scband-gatgcnselector-60275571032662 (READ-ONLY COPY).

The authoritative reference and input builder live on the scoring server;
editing this copy changes nothing except your own understanding.
"""

import jax, jax.numpy as jnp
import numpy as np

N = 10000
E = 320000
D = 128
H = 128

def setup_inputs(seed: int = 0) -> dict:
    key = jax.random.key(seed)
    ks = jax.random.split(key, 8)
    x = jax.random.normal(ks[0], (N, D), dtype=jnp.float32)
    edge_index = jax.random.randint(ks[1], (2, E), 0, N, dtype=jnp.int32)
    batch = jnp.zeros((N,), dtype=jnp.int32)
    W1 = jax.random.normal(ks[2], (D, H), dtype=jnp.float32) * 0.05
    att_src = jax.random.normal(ks[3], (H,), dtype=jnp.float32) * 0.05
    att_dst = jax.random.normal(ks[4], (H,), dtype=jnp.float32) * 0.05
    b1 = jnp.zeros((H,), dtype=jnp.float32)
    gamma = jnp.ones((H,), dtype=jnp.float32)
    beta = jnp.zeros((H,), dtype=jnp.float32)
    W2 = jax.random.normal(ks[5], (H, 1), dtype=jnp.float32) * 0.05
    b2 = jnp.zeros((1,), dtype=jnp.float32)
    return {"x": x, "edge_index": edge_index, "batch": batch, "W1": W1,
            "att_src": att_src, "att_dst": att_dst, "b1": b1,
            "gamma": gamma, "beta": beta, "W2": W2, "b2": b2}


def _add_self_loops(edge_index, n):
    src, dst = edge_index[0], edge_index[1]
    loops = jnp.arange(n, dtype=src.dtype)
    return jnp.concatenate([src, loops]), jnp.concatenate([dst, loops])


def _gat_conv(x, edge_index, W1, att_src, att_dst, b1):
    # PyG GATConv, heads=1, concat=True, add_self_loops=True, negative_slope=0.2
    n = x.shape[0]
    src, dst = _add_self_loops(edge_index, n)
    h = x @ W1                          # [n, H]
    a_src = h @ att_src                 # [n]
    a_dst = h @ att_dst                 # [n]
    alpha = a_src[src] + a_dst[dst]     # [e]
    alpha = jax.nn.leaky_relu(alpha, negative_slope=0.2)
    amax = jax.ops.segment_max(alpha, dst, num_segments=n)
    alpha = jnp.exp(alpha - amax[dst])
    denom = jax.ops.segment_sum(alpha, dst, num_segments=n)
    alpha = alpha / (denom[dst] + 1e-16)
    out = jax.ops.segment_sum(h[src] * alpha[:, None], dst, num_segments=n)
    return out + b1


def _gcn_conv(x, edge_index, W2, b2):
    # PyG GCNConv with add_self_loops=True, normalize=True
    n = x.shape[0]
    src, dst = _add_self_loops(edge_index, n)
    deg = jax.ops.segment_sum(jnp.ones_like(src, dtype=x.dtype), dst, num_segments=n)
    dinv = jnp.where(deg > 0, 1.0 / jnp.sqrt(deg), 0.0)
    norm = dinv[src] * dinv[dst]
    h = x @ W2
    out = jax.ops.segment_sum(h[src] * norm[:, None], dst, num_segments=n)
    return out + b2


def _layer_norm(x, gamma, beta, eps=1e-5):
    mu = jnp.mean(x, axis=-1, keepdims=True)
    var = jnp.mean((x - mu) ** 2, axis=-1, keepdims=True)
    return (x - mu) / jnp.sqrt(var + eps) * gamma + beta


def reference(x, edge_index, batch, W1, att_src, att_dst, b1, gamma, beta, W2, b2):
    h = _gat_conv(x, edge_index, W1, att_src, att_dst, b1)
    h = jax.nn.relu(h)
    h = _layer_norm(h, gamma, beta)
    # dropout is identity in eval mode
    out = _gcn_conv(h, edge_index, W2, b2)
    return out.squeeze(-1)

if __name__ == "__main__":
    import jax
    _d = setup_inputs()
    print(jax.jit(kernel)(*tuple(_d.values())))

</pallas_src>

<mosaic_0001>
#map = affine_map<(d0, d1) -> (0, 0)>
#map1 = affine_map<(d0, d1) -> (0, 0, 0)>
module attributes {stable_mosaic.version = 14 : i64} {
  func.func @k(%arg0: i32, %arg1: i32, %arg2: memref<2560x128xi32, #tpu.memory_space<hbm>>, %arg3: memref<2560x128xi32, #tpu.memory_space<hbm>>, %arg4: memref<2560x128xf32, #tpu.memory_space<hbm>>, %arg5: memref<10240x128xf32, #tpu.memory_space<hbm>>, %arg6: memref<2x10240x128xf32, #tpu.memory_space<hbm>>, %arg7: memref<40x128xi32, #tpu.memory_space<vmem>>, %arg8: memref<40x128xi32, #tpu.memory_space<vmem>>, %arg9: memref<40x128xf32, #tpu.memory_space<vmem>>, %arg10: memref<128x128xf32, #tpu.memory_space<vmem>>, %arg11: memref<128x128xf32, #tpu.memory_space<vmem>>, %arg12: memref<10240x128xf32, #tpu.memory_space<vmem_shared>>, %arg13: memref<!tpu.dma_semaphore, #tpu.memory_space<semaphore_mem>>) attributes {dimension_semantics = [#tpu.dimension_semantics<core_parallel>, #tpu.dimension_semantics<subcore_parallel>], iteration_bounds = array<i64: 2, 16>, scalar_prefetch = 0 : i64, scratch_operands = 7 : i64, tpu.core_type = #tpu.core_type<sc_vector_subcore>, window_params = [{transform_indices = #map}, {transform_indices = #map}, {transform_indices = #map}, {transform_indices = #map}, {transform_indices = #map1}]} {
    %mul3A = arith.constant 2 : i32
    %mul3A_0 = arith.muli %arg1, %mul3A : i32
    %add3A = arith.addi %mul3A_0, %arg0 : i32
    %broadcast_in_dim3A = arith.constant 0.000000e+00 : f32
    %broadcast_in_dim3A_1 = vector.broadcast %broadcast_in_dim3A : f32 to vector<16xf32>
    %broadcast_in_dim3A_2 = arith.constant 0 : i32
    %broadcast_in_dim3A_3 = vector.broadcast %broadcast_in_dim3A_2 : i32 to vector<16xi32>
    %scan3A = arith.constant 0 : i32
    %scan3A_4 = arith.constant 0 : i32
    %scan3A_5 = arith.constant 128 : i32
    %scan3A_6 = arith.addi %scan3A_4, %scan3A_5 : i32
    %scan3A_7 = arith.constant 1 : i32
    %scan3A_8 = scf.for %scan3A_57 = %scan3A_4 to %scan3A_6 step %scan3A_7 iter_args(%scan3A_58 = %scan3A) -> (i32)  : i32 {
      %swap3A = arith.index_cast %scan3A_57 : i32 to index
      %swap3A_59 = arith.constant 0 : index
      %swap3A_60 = tpu.vector_load %arg10[%swap3A, %swap3A_59] {strides = array<i32>} : memref<128x128xf32, #tpu.memory_space<vmem>>, vector<16xf32>,
      tpu.vector_store %arg10[%swap3A, %swap3A_59], %broadcast_in_dim3A_1 {strides = array<i32>} : memref<128x128xf32, #tpu.memory_space<vmem>>, vector<16xf32>,
      %swap3A_61 = arith.index_cast %scan3A_57 : i32 to index
      %swap3A_62 = arith.constant 16 : index
      %swap3A_63 = tpu.vector_load %arg10[%swap3A_61, %swap3A_62] {strides = array<i32>} : memref<128x128xf32, #tpu.memory_space<vmem>>, vector<16xf32>,
      tpu.vector_store %arg10[%swap3A_61, %swap3A_62], %broadcast_in_dim3A_1 {strides = array<i32>} : memref<128x128xf32, #tpu.memory_space<vmem>>, vector<16xf32>,
      %swap3A_64 = arith.index_cast %scan3A_57 : i32 to index
      %swap3A_65 = arith.constant 32 : index
      %swap3A_66 = tpu.vector_load %arg10[%swap3A_64, %swap3A_65] {strides = array<i32>} : memref<128x128xf32, #tpu.memory_space<vmem>>, vector<16xf32>,
      tpu.vector_store %arg10[%swap3A_64, %swap3A_65], %broadcast_in_dim3A_1 {strides = array<i32>} : memref<128x128xf32, #tpu.memory_space<vmem>>, vector<16xf32>,
      %swap3A_67 = arith.index_cast %scan3A_57 : i32 to index
      %swap3A_68 = arith.constant 48 : index
      %swap3A_69 = tpu.vector_load %arg10[%swap3A_67, %swap3A_68] {strides = array<i32>} : memref<128x128xf32, #tpu.memory_space<vmem>>, vector<16xf32>,
      tpu.vector_store %arg10[%swap3A_67, %swap3A_68], %broadcast_in_dim3A_1 {strides = array<i32>} : memref<128x128xf32, #tpu.memory_space<vmem>>, vector<16xf32>,
      %swap3A_70 = arith.index_cast %scan3A_57 : i32 to index
      %swap3A_71 = arith.constant 64 : index
      %swap3A_72 = tpu.vector_load %arg10[%swap3A_70, %swap3A_71] {strides = array<i32>} : memref<128x128xf32, #tpu.memory_space<vmem>>, vector<16xf32>,
      tpu.vector_store %arg10[%swap3A_70, %swap3A_71], %broadcast_in_dim3A_1 {strides = array<i32>} : memref<128x128xf32, #tpu.memory_space<vmem>>, vector<16xf32>,
      %swap3A_73 = arith.index_cast %scan3A_57 : i32 to index
      %swap3A_74 = arith.constant 80 : index
      %swap3A_75 = tpu.vector_load %arg10[%swap3A_73, %swap3A_74] {strides = array<i32>} : memref<128x128xf32, #tpu.memory_space<vmem>>, vector<16xf32>,
      tpu.vector_store %arg10[%swap3A_73, %swap3A_74], %broadcast_in_dim3A_1 {strides = array<i32>} : memref<128x128xf32, #tpu.memory_space<vmem>>, vector<16xf32>,
      %swap3A_76 = arith.index_cast %scan3A_57 : i32 to index
      %swap3A_77 = arith.constant 96 : index
      %swap3A_78 = tpu.vector_load %arg10[%swap3A_76, %swap3A_77] {strides = array<i32>} : memref<128x128xf32, #tpu.memory_space<vmem>>, vector<16xf32>,
      tpu.vector_store %arg10[%swap3A_76, %swap3A_77], %broadcast_in_dim3A_1 {strides = array<i32>} : memref<128x128xf32, #tpu.memory_space<vmem>>, vector<16xf32>,
      %swap3A_79 = arith.index_cast %scan3A_57 : i32 to index
      %swap3A_80 = arith.constant 112 : index
      %swap3A_81 = tpu.vector_load %arg10[%swap3A_79, %swap3A_80] {strides = array<i32>} : memref<128x128xf32, #tpu.memory_space<vmem>>, vector<16xf32>,
      tpu.vector_store %arg10[%swap3A_79, %swap3A_80], %broadcast_in_dim3A_1 {strides = array<i32>} : memref<128x128xf32, #tpu.memory_space<vmem>>, vector<16xf32>,
      %scan3A_82 = arith.constant 0 : i32
      scf.yield %scan3A_82 : i32
    }
    %scan3A_9 = arith.constant 128 : i32
    %mul3A_10 = arith.constant 640 : i32
    %mul3A_11 = arith.muli %arg1, %mul3A_10 : i32
    %add3A_12 = arith.constant 0 : i32
    %add3A_13 = arith.addi %mul3A_11, %add3A_12 : i32
    "tpu.region"() ({
      %run_scoped3A = tpu.sem_alloc : memref<!tpu.dma_semaphore, #tpu.memory_space<semaphore_mem>>
      %dma_start3A = arith.constant 0 : i32
      %dma_start3A_57 = tpu.memref_slice %arg12[%add3A_13, %dma_start3A] : memref<10240x128xf32, #tpu.memory_space<vmem_shared>> -> memref<128x128xf32, #tpu.memory_space<vmem_shared>>
      %dma_start3A_58 = arith.constant 0 : i32
      %dma_start3A_59 = tpu.memref_slice %arg12[%add3A_13, %dma_start3A_58] : memref<10240x128xf32, #tpu.memory_space<vmem_shared>> -> memref<128x128xf32, #tpu.memory_space<vmem_shared>>
      tpu.enqueue_dma source(%arg10 : memref<128x128xf32, #tpu.memory_space<vmem>>) target(%dma_start3A_59 : memref<128x128xf32, #tpu.memory_space<vmem_shared>>) target_semaphore(%run_scoped3A : memref<!tpu.dma_semaphore, #tpu.memory_space<semaphore_mem>>)
      %dma_wait3A = arith.constant 0 : i32
      %dma_wait3A_60 = tpu.memref_slice %arg12[%add3A_13, %dma_wait3A] : memref<10240x128xf32, #tpu.memory_space<vmem_shared>> -> memref<128x128xf32, #tpu.memory_space<vmem_shared>>
      %dma_wait3A_61 = arith.constant 0 : i32
      %dma_wait3A_62 = tpu.memref_slice %arg12[%add3A_13, %dma_wait3A_61] : memref<10240x128xf32, #tpu.memory_space<vmem_shared>> -> memref<128x128xf32, #tpu.memory_space<vmem_shared>>
      tpu.wait_dma2 semaphore(%run_scoped3A : memref<!tpu.dma_semaphore, #tpu.memory_space<semaphore_mem>>) src(%arg10 : memref<128x128xf32, #tpu.memory_space<vmem>>) dst(%dma_wait3A_62 : memref<128x128xf32, #tpu.memory_space<vmem_shared>>)
      tpu.yield
    }) : () -> ()
    %mul3A_14 = arith.constant 640 : i32
    %mul3A_15 = arith.muli %arg1, %mul3A_14 : i32
    %add3A_16 = arith.constant 128 : i32
    %add3A_17 = arith.addi %mul3A_15, %add3A_16 : i32
    "tpu.region"() ({
      %run_scoped3A = tpu.sem_alloc : memref<!tpu.dma_semaphore, #tpu.memory_space<semaphore_mem>>
      %dma_start3A = arith.constant 0 : i32
      %dma_start3A_57 = tpu.memref_slice %arg12[%add3A_17, %dma_start3A] : memref<10240x128xf32, #tpu.memory_space<vmem_shared>> -> memref<128x128xf32, #tpu.memory_space<vmem_shared>>
      %dma_start3A_58 = arith.constant 0 : i32
      %dma_start3A_59 = tpu.memref_slice %arg12[%add3A_17, %dma_start3A_58] : memref<10240x128xf32, #tpu.memory_space<vmem_shared>> -> memref<128x128xf32, #tpu.memory_space<vmem_shared>>
      tpu.enqueue_dma source(%arg10 : memref<128x128xf32, #tpu.memory_space<vmem>>) target(%dma_start3A_59 : memref<128x128xf32, #tpu.memory_space<vmem_shared>>) target_semaphore(%run_scoped3A : memref<!tpu.dma_semaphore, #tpu.memory_space<semaphore_mem>>)
      %dma_wait3A = arith.constant 0 : i32
      %dma_wait3A_60 = tpu.memref_slice %arg12[%add3A_17, %dma_wait3A] : memref<10240x128xf32, #tpu.memory_space<vmem_shared>> -> memref<128x128xf32, #tpu.memory_space<vmem_shared>>
      %dma_wait3A_61 = arith.constant 0 : i32
      %dma_wait3A_62 = tpu.memref_slice %arg12[%add3A_17, %dma_wait3A_61] : memref<10240x128xf32, #tpu.memory_space<vmem_shared>> -> memref<128x128xf32, #tpu.memory_space<vmem_shared>>
      tpu.wait_dma2 semaphore(%run_scoped3A : memref<!tpu.dma_semaphore, #tpu.memory_space<semaphore_mem>>) src(%arg10 : memref<128x128xf32, #tpu.memory_space<vmem>>) dst(%dma_wait3A_62 : memref<128x128xf32, #tpu.memory_space<vmem_shared>>)
      tpu.yield
    }) : () -> ()
    %mul3A_18 = arith.constant 640 : i32
    %mul3A_19 = arith.muli %arg1, %mul3A_18 : i32
    %add3A_20 = arith.constant 256 : i32
    %add3A_21 = arith.addi %mul3A_19, %add3A_20 : i32
    "tpu.region"() ({
      %run_scoped3A = tpu.sem_alloc : memref<!tpu.dma_semaphore, #tpu.memory_space<semaphore_mem>>
      %dma_start3A = arith.constant 0 : i32
      %dma_start3A_57 = tpu.memref_slice %arg12[%add3A_21, %dma_start3A] : memref<10240x128xf32, #tpu.memory_space<vmem_shared>> -> memref<128x128xf32, #tpu.memory_space<vmem_shared>>
      %dma_start3A_58 = arith.constant 0 : i32
      %dma_start3A_59 = tpu.memref_slice %arg12[%add3A_21, %dma_start3A_58] : memref<10240x128xf32, #tpu.memory_space<vmem_shared>> -> memref<128x128xf32, #tpu.memory_space<vmem_shared>>
      tpu.enqueue_dma source(%arg10 : memref<128x128xf32, #tpu.memory_space<vmem>>) target(%dma_start3A_59 : memref<128x128xf32, #tpu.memory_space<vmem_shared>>) target_semaphore(%run_scoped3A : memref<!tpu.dma_semaphore, #tpu.memory_space<semaphore_mem>>)
      %dma_wait3A = arith.constant 0 : i32
      %dma_wait3A_60 = tpu.memref_slice %arg12[%add3A_21, %dma_wait3A] : memref<10240x128xf32, #tpu.memory_space<vmem_shared>> -> memref<128x128xf32, #tpu.memory_space<vmem_shared>>
      %dma_wait3A_61 = arith.constant 0 : i32
      %dma_wait3A_62 = tpu.memref_slice %arg12[%add3A_21, %dma_wait3A_61] : memref<10240x128xf32, #tpu.memory_space<vmem_shared>> -> memref<128x128xf32, #tpu.memory_space<vmem_shared>>
      tpu.wait_dma2 semaphore(%run_scoped3A : memref<!tpu.dma_semaphore, #tpu.memory_space<semaphore_mem>>) src(%arg10 : memref<128x128xf32, #tpu.memory_space<vmem>>) dst(%dma_wait3A_62 : memref<128x128xf32, #tpu.memory_space<vmem_shared>>)
      tpu.yield
    }) : () -> ()
    %mul3A_22 = arith.constant 640 : i32
    %mul3A_23 = arith.muli %arg1, %mul3A_22 : i32
    %add3A_24 = arith.constant 384 : i32
    %add3A_25 = arith.addi %mul3A_23, %add3A_24 : i32
    "tpu.region"() ({
      %run_scoped3A = tpu.sem_alloc : memref<!tpu.dma_semaphore, #tpu.memory_space<semaphore_mem>>
      %dma_start3A = arith.constant 0 : i32
      %dma_start3A_57 = tpu.memref_slice %arg12[%add3A_25, %dma_start3A] : memref<10240x128xf32, #tpu.memory_space<vmem_shared>> -> memref<128x128xf32, #tpu.memory_space<vmem_shared>>
      %dma_start3A_58 = arith.constant 0 : i32
      %dma_start3A_59 = tpu.memref_slice %arg12[%add3A_25, %dma_start3A_58] : memref<10240x128xf32, #tpu.memory_space<vmem_shared>> -> memref<128x128xf32, #tpu.memory_space<vmem_shared>>
      tpu.enqueue_dma source(%arg10 : memref<128x128xf32, #tpu.memory_space<vmem>>) target(%dma_start3A_59 : memref<128x128xf32, #tpu.memory_space<vmem_shared>>) target_semaphore(%run_scoped3A : memref<!tpu.dma_semaphore, #tpu.memory_space<semaphore_mem>>)
      %dma_wait3A = arith.constant 0 : i32
      %dma_wait3A_60 = tpu.memref_slice %arg12[%add3A_25, %dma_wait3A] : memref<10240x128xf32, #tpu.memory_space<vmem_shared>> -> memref<128x128xf32, #tpu.memory_space<vmem_shared>>
      %dma_wait3A_61 = arith.constant 0 : i32
      %dma_wait3A_62 = tpu.memref_slice %arg12[%add3A_25, %dma_wait3A_61] : memref<10240x128xf32, #tpu.memory_space<vmem_shared>> -> memref<128x128xf32, #tpu.memory_space<vmem_shared>>
      tpu.wait_dma2 semaphore(%run_scoped3A : memref<!tpu.dma_semaphore, #tpu.memory_space<semaphore_mem>>) src(%arg10 : memref<128x128xf32, #tpu.memory_space<vmem>>) dst(%dma_wait3A_62 : memref<128x128xf32, #tpu.memory_space<vmem_shared>>)
      tpu.yield
    }) : () -> ()
    %mul3A_26 = arith.constant 640 : i32
    %mul3A_27 = arith.muli %arg1, %mul3A_26 : i32
    %add3A_28 = arith.constant 512 : i32
    %add3A_29 = arith.addi %mul3A_27, %add3A_28 : i32
    "tpu.region"() ({
      %run_scoped3A = tpu.sem_alloc : memref<!tpu.dma_semaphore, #tpu.memory_space<semaphore_mem>>
      %dma_start3A = arith.constant 0 : i32
      %dma_start3A_57 = tpu.memref_slice %arg12[%add3A_29, %dma_start3A] : memref<10240x128xf32, #tpu.memory_space<vmem_shared>> -> memref<128x128xf32, #tpu.memory_space<vmem_shared>>
      %dma_start3A_58 = arith.constant 0 : i32
      %dma_start3A_59 = tpu.memref_slice %arg12[%add3A_29, %dma_start3A_58] : memref<10240x128xf32, #tpu.memory_space<vmem_shared>> -> memref<128x128xf32, #tpu.memory_space<vmem_shared>>
      tpu.enqueue_dma source(%arg10 : memref<128x128xf32, #tpu.memory_space<vmem>>) target(%dma_start3A_59 : memref<128x128xf32, #tpu.memory_space<vmem_shared>>) target_semaphore(%run_scoped3A : memref<!tpu.dma_semaphore, #tpu.memory_space<semaphore_mem>>)
      %dma_wait3A = arith.constant 0 : i32
      %dma_wait3A_60 = tpu.memref_slice %arg12[%add3A_29, %dma_wait3A] : memref<10240x128xf32, #tpu.memory_space<vmem_shared>> -> memref<128x128xf32, #tpu.memory_space<vmem_shared>>
      %dma_wait3A_61 = arith.constant 0 : i32
      %dma_wait3A_62 = tpu.memref_slice %arg12[%add3A_29, %dma_wait3A_61] : memref<10240x128xf32, #tpu.memory_space<vmem_shared>> -> memref<128x128xf32, #tpu.memory_space<vmem_shared>>
      tpu.wait_dma2 semaphore(%run_scoped3A : memref<!tpu.dma_semaphore, #tpu.memory_space<semaphore_mem>>) src(%arg10 : memref<128x128xf32, #tpu.memory_space<vmem>>) dst(%dma_wait3A_62 : memref<128x128xf32, #tpu.memory_space<vmem_shared>>)
      tpu.yield
    }) : () -> ()
    %barrier3A = arith.constant 0 : index
    tpu.barrier barrier_id(%barrier3A)
    %eq3A = arith.constant 0 : i32
    %eq3A_30 = arith.cmpi eq, %arg0, %eq3A : i32
    %jit3A = arith.constant 2 : i32
    %jit3A_31 = arith.constant 2 : i32
    %select_n3A = arith.select %eq3A_30, %jit3A, %jit3A_31 : i32
    %eq3A_32 = arith.constant 0 : i32
    %eq3A_33 = arith.cmpi eq, %arg0, %eq3A_32 : i32
    %mul3A_34 = arith.constant 80 : i32
    %mul3A_35 = arith.muli %arg1, %mul3A_34 : i32
    %mul3A_36 = arith.constant 80 : i32
    %mul3A_37 = arith.muli %arg1, %mul3A_36 : i32
    %add3A_38 = arith.constant 1280 : i32
    %add3A_39 = arith.addi %add3A_38, %mul3A_37 : i32
    %select_n3A_40 = arith.select %eq3A_33, %mul3A_35, %add3A_39 : i32
    %while3A = arith.constant 0 : i32
    %while3A_41 = arith.constant 0 : i32
    %while3A_42 = arith.subi %select_n3A, %while3A : i32
    %while3A_43 = arith.addi %while3A, %while3A_42 : i32
    %while3A_44 = arith.constant 1 : i32
    %while3A_45 = arith.divsi %while3A_42, %while3A_44 : i32
    %while3A_46 = arith.muli %while3A_45, %while3A_44 : i32
    %while3A_47 = arith.addi %while3A, %while3A_46 : i32
    %while3A_48 = arith.constant 1 : i32
    %while3A_49 = scf.for %while3A_57 = %while3A to %while3A_47 step %while3A_48 iter_args(%while3A_58 = %while3A_41) -> (i32)  : i32 {
      %mul3A_59 = arith.constant 40 : i32
      %mul3A_60 = arith.muli %while3A_57, %mul3A_59 : i32
      %add3A_61 = arith.addi %select_n3A_40, %mul3A_60 : i32
      "tpu.region"() ({
        %run_scoped3A = tpu.sem_alloc : memref<!tpu.dma_semaphore, #tpu.memory_space<semaphore_mem>>
        %dma_start3A_108 = arith.constant 0 : i32
        %dma_start3A_109 = tpu.memref_slice %arg2[%add3A_61, %dma_start3A_108] : memref<2560x128xi32, #tpu.memory_space<hbm>> -> memref<40x128xi32, #tpu.memory_space<hbm>>
        %dma_start3A_110 = arith.constant 0 : i32
        %dma_start3A_111 = tpu.memref_slice %arg2[%add3A_61, %dma_start3A_110] : memref<2560x128xi32, #tpu.memory_space<hbm>> -> memref<40x128xi32, #tpu.memory_space<hbm>>
        tpu.enqueue_dma source(%dma_start3A_111 : memref<40x128xi32, #tpu.memory_space<hbm>>) target(%arg7 : memref<40x128xi32, #tpu.memory_space<vmem>>) target_semaphore(%run_scoped3A : memref<!tpu.dma_semaphore, #tpu.memory_space<semaphore_mem>>)
        %dma_wait3A_112 = arith.constant 0 : i32
        %dma_wait3A_113 = tpu.memref_slice %arg2[%add3A_61, %dma_wait3A_112] : memref<2560x128xi32, #tpu.memory_space<hbm>> -> memref<40x128xi32, #tpu.memory_space<hbm>>
        %dma_wait3A_114 = arith.constant 0 : i32
        %dma_wait3A_115 = tpu.memref_slice %arg2[%add3A_61, %dma_wait3A_114] : memref<2560x128xi32, #tpu.memory_space<hbm>> -> memref<40x128xi32, #tpu.memory_space<hbm>>
        tpu.wait_dma2 semaphore(%run_scoped3A : memref<!tpu.dma_semaphore, #tpu.memory_space<semaphore_mem>>) src(%dma_wait3A_115 : memref<40x128xi32, #tpu.memory_space<hbm>>) dst(%arg7 : memref<40x128xi32, #tpu.memory_space<vmem>>)
        tpu.yield
      }) : () -> ()
      "tpu.region"() ({
        %run_scoped3A = tpu.sem_alloc : memref<!tpu.dma_semaphore, #tpu.memory_space<semaphore_mem>>
        %dma_start3A_108 = arith.constant 0 : i32
        %dma_start3A_109 = tpu.memref_slice %arg3[%add3A_61, %dma_start3A_108] : memref<2560x128xi32, #tpu.memory_space<hbm>> -> memref<40x128xi32, #tpu.memory_space<hbm>>
        %dma_start3A_110 = arith.constant 0 : i32
        %dma_start3A_111 = tpu.memref_slice %arg3[%add3A_61, %dma_start3A_110] : memref<2560x128xi32, #tpu.memory_space<hbm>> -> memref<40x128xi32, #tpu.memory_space<hbm>>
        tpu.enqueue_dma source(%dma_start3A_111 : memref<40x128xi32, #tpu.memory_space<hbm>>) target(%arg8 : memref<40x128xi32, #tpu.memory_space<vmem>>) target_semaphore(%run_scoped3A : memref<!tpu.dma_semaphore, #tpu.memory_space<semaphore_mem>>)
        %dma_wait3A_112 = arith.constant 0 : i32
        %dma_wait3A_113 = tpu.memref_slice %arg3[%add3A_61, %dma_wait3A_112] : memref<2560x128xi32, #tpu.memory_space<hbm>> -> memref<40x128xi32, #tpu.memory_space<hbm>>
        %dma_wait3A_114 = arith.constant 0 : i32
        %dma_wait3A_115 = tpu.memref_slice %arg3[%add3A_61, %dma_wait3A_114] : memref<2560x128xi32, #tpu.memory_space<hbm>> -> memref<40x128xi32, #tpu.memory_space<hbm>>
        tpu.wait_dma2 semaphore(%run_scoped3A : memref<!tpu.dma_semaphore, #tpu.memory_space<semaphore_mem>>) src(%dma_wait3A_115 : memref<40x128xi32, #tpu.memory_space<hbm>>) dst(%arg8 : memref<40x128xi32, #tpu.memory_space<vmem>>)
        tpu.yield
      }) : () -> ()
      "tpu.region"() ({
        %run_scoped3A = tpu.sem_alloc : memref<!tpu.dma_semaphore, #tpu.memory_space<semaphore_mem>>
        %dma_start3A_108 = arith.constant 0 : i32
        %dma_start3A_109 = tpu.memref_slice %arg4[%add3A_61, %dma_start3A_108] : memref<2560x128xf32, #tpu.memory_space<hbm>> -> memref<40x128xf32, #tpu.memory_space<hbm>>
        %dma_start3A_110 = arith.constant 0 : i32
        %dma_start3A_111 = tpu.memref_slice %arg4[%add3A_61, %dma_start3A_110] : memref<2560x128xf32, #tpu.memory_space<hbm>> -> memref<40x128xf32, #tpu.memory_space<hbm>>
        tpu.enqueue_dma source(%dma_start3A_111 : memref<40x128xf32, #tpu.memory_space<hbm>>) target(%arg9 : memref<40x128xf32, #tpu.memory_space<vmem>>) target_semaphore(%run_scoped3A : memref<!tpu.dma_semaphore, #tpu.memory_space<semaphore_mem>>)
        %dma_wait3A_112 = arith.constant 0 : i32
        %dma_wait3A_113 = tpu.memref_slice %arg4[%add3A_61, %dma_wait3A_112] : memref<2560x128xf32, #tpu.memory_space<hbm>> -> memref<40x128xf32, #tpu.memory_space<hbm>>
        %dma_wait3A_114 = arith.constant 0 : i32
        %dma_wait3A_115 = tpu.memref_slice %arg4[%add3A_61, %dma_wait3A_114] : memref<2560x128xf32, #tpu.memory_space<hbm>> -> memref<40x128xf32, #tpu.memory_space<hbm>>
        tpu.wait_dma2 semaphore(%run_scoped3A : memref<!tpu.dma_semaphore, #tpu.memory_space<semaphore_mem>>) src(%dma_wait3A_115 : memref<40x128xf32, #tpu.memory_space<hbm>>) dst(%arg9 : memref<40x128xf32, #tpu.memory_space<vmem>>)
        tpu.yield
      }) : () -> ()
      %dma_start3A = arith.constant 0 : i32
      %dma_start3A_62 = arith.constant 0 : i32
      %dma_start3A_63 = arith.constant 0 : i32
      %dma_start3A_64 = tpu.memref_slice %arg10[%dma_start3A_62, %dma_start3A_63] : memref<128x128xf32, #tpu.memory_space<vmem>> -> memref<64x128xf32, #tpu.memory_space<vmem>>
      %dma_start3A_65 = arith.constant 0 : i32
      %dma_start3A_66 = tpu.memref_slice %arg7[%dma_start3A, %dma_start3A_65] : memref<40x128xi32, #tpu.memory_space<vmem>> -> memref<1x64xi32, #tpu.memory_space<vmem>>
      %dma_start3A_67 = tpu.memref_squeeze %dma_start3A_66 : memref<1x64xi32, #tpu.memory_space<vmem>> -> memref<64xi32, #tpu.memory_space<vmem>>
      %dma_start3A_68 = arith.constant 0 : i32
      %dma_start3A_69 = arith.constant 0 : i32
      %dma_start3A_70 = tpu.memref_slice %arg5[%dma_start3A_68, %dma_start3A_69] : memref<10240x128xf32, #tpu.memory_space<hbm>> -> memref<10240x128xf32, #tpu.memory_space<hbm>>
      tpu.enqueue_indirect_dma source(%dma_start3A_70 : memref<10240x128xf32, #tpu.memory_space<hbm>>) target(%dma_start3A_64 : memref<64x128xf32, #tpu.memory_space<vmem>>) offsets(%dma_start3A_67 : memref<64xi32, #tpu.memory_space<vmem>>) semaphore(%arg13 : memref<!tpu.dma_semaphore, #tpu.memory_space<semaphore_mem>>)
      %dma_start3A_71 = arith.constant 0 : i32
      %dma_start3A_72 = arith.constant 64 : i32
      %dma_start3A_73 = arith.constant 0 : i32
      %dma_start3A_74 = tpu.memref_slice %arg10[%dma_start3A_72, %dma_start3A_73] : memref<128x128xf32, #tpu.memory_space<vmem>> -> memref<64x128xf32, #tpu.memory_space<vmem>>
      %dma_start3A_75 = arith.constant 64 : i32
      %dma_start3A_76 = tpu.memref_slice %arg7[%dma_start3A_71, %dma_start3A_75] : memref<40x128xi32, #tpu.memory_space<vmem>> -> memref<1x64xi32, #tpu.memory_space<vmem>>
      %dma_start3A_77 = tpu.memref_squeeze %dma_start3A_76 : memref<1x64xi32, #tpu.memory_space<vmem>> -> memref<64xi32, #tpu.memory_space<vmem>>
      %dma_start3A_78 = arith.constant 0 : i32
      %dma_start3A_79 = arith.constant 0 : i32
      %dma_start3A_80 = tpu.memref_slice %arg5[%dma_start3A_78, %dma_start3A_79] : memref<10240x128xf32, #tpu.memory_space<hbm>> -> memref<10240x128xf32, #tpu.memory_space<hbm>>
      tpu.enqueue_indirect_dma source(%dma_start3A_80 : memref<10240x128xf32, #tpu.memory_space<hbm>>) target(%dma_start3A_74 : memref<64x128xf32, #tpu.memory_space<vmem>>) offsets(%dma_start3A_77 : memref<64xi32, #tpu.memory_space<vmem>>) semaphore(%arg13 : memref<!tpu.dma_semaphore, #tpu.memory_space<semaphore_mem>>)
      %dma_wait3A = arith.constant 0 : i32
      %dma_wait3A_81 = arith.constant 0 : i32
      %dma_wait3A_82 = arith.constant 0 : i32
      %dma_wait3A_83 = tpu.memref_slice %arg10[%dma_wait3A_81, %dma_wait3A_82] : memref<128x128xf32, #tpu.memory_space<vmem>> -> memref<64x128xf32, #tpu.memory_space<vmem>>
      %dma_wait3A_84 = arith.constant 0 : i32
      %dma_wait3A_85 = tpu.memref_slice %arg7[%dma_wait3A, %dma_wait3A_84] : memref<40x128xi32, #tpu.memory_space<vmem>> -> memref<1x64xi32, #tpu.memory_space<vmem>>
      %dma_wait3A_86 = tpu.memref_squeeze %dma_wait3A_85 : memref<1x64xi32, #tpu.memory_space<vmem>> -> memref<64xi32, #tpu.memory_space<vmem>>
      %dma_wait3A_87 = arith.constant 0 : i32
      %dma_wait3A_88 = arith.constant 0 : i32
      %dma_wait3A_89 = tpu.memref_slice %arg5[%dma_wait3A_87, %dma_wait3A_88] : memref<10240x128xf32, #tpu.memory_space<hbm>> -> memref<10240x128xf32, #tpu.memory_space<hbm>>
      tpu.wait_indirect_dma semaphore(%arg13 : memref<!tpu.dma_semaphore, #tpu.memory_space<semaphore_mem>>) src(%dma_wait3A_89 : memref<10240x128xf32, #tpu.memory_space<hbm>>) dst(%dma_wait3A_83 : memref<64x128xf32, #tpu.memory_space<vmem>>)
      %dma_wait3A_90 = arith.constant 0 : i32
      %dma_wait3A_91 = arith.constant 64 : i32
      %dma_wait3A_92 = arith.constant 0 : i32
      %dma_wait3A_93 = tpu.memref_slice %arg10[%dma_wait3A_91, %dma_wait3A_92] : memref<128x128xf32, #tpu.memory_space<vmem>> -> memref<64x128xf32, #tpu.memory_space<vmem>>
      %dma_wait3A_94 = arith.constant 64 : i32
      %dma_wait3A_95 = tpu.memref_slice %arg7[%dma_wait3A_90, %dma_wait3A_94] : memref<40x128xi32, #tpu.memory_space<vmem>> -> memref<1x64xi32, #tpu.memory_space<vmem>>
      %dma_wait3A_96 = tpu.memref_squeeze %dma_wait3A_95 : memref<1x64xi32, #tpu.memory_space<vmem>> -> memref<64xi32, #tpu.memory_space<vmem>>
      %dma_wait3A_97 = arith.constant 0 : i32
      %dma_wait3A_98 = arith.constant 0 : i32
      %dma_wait3A_99 = tpu.memref_slice %arg5[%dma_wait3A_97, %dma_wait3A_98] : memref<10240x128xf32, #tpu.memory_space<hbm>> -> memref<10240x128xf32, #tpu.memory_space<hbm>>
      tpu.wait_indirect_dma semaphore(%arg13 : memref<!tpu.dma_semaphore, #tpu.memory_space<semaphore_mem>>) src(%dma_wait3A_99 : memref<10240x128xf32, #tpu.memory_space<hbm>>) dst(%dma_wait3A_93 : memref<64x128xf32, #tpu.memory_space<vmem>>)
      %scan3A_100 = arith.constant 0 : i32
      %scan3A_101 = arith.constant 0 : i32
      %scan3A_102 = arith.constant 20 : i32
      %scan3A_103 = arith.addi %scan3A_101, %scan3A_102 : i32
      %scan3A_104 = arith.constant 1 : i32
      %scan3A_105 = scf.for %scan3A_108 = %scan3A_101 to %scan3A_103 step %scan3A_104 iter_args(%scan3A_109 = %scan3A_100) -> (i32)  : i32 {
        %mul3A_110 = arith.constant 2 : i32
        %mul3A_111 = arith.muli %mul3A_110, %scan3A_108 : i32
        %add3A_112 = arith.constant 1 : i32
        %add3A_113 = arith.addi %mul3A_111, %add3A_112 : i32
        %dma_start3A_114 = arith.constant 0 : i32
        %dma_start3A_115 = arith.constant 0 : i32
        %dma_start3A_116 = tpu.memref_slice %arg11[%dma_start3A_114, %dma_start3A_115] : memref<128x128xf32, #tpu.memory_space<vmem>> -> memref<64x128xf32, #tpu.memory_space<vmem>>
        %dma_start3A_117 = arith.constant 0 : i32
        %dma_start3A_118 = tpu.memref_slice %arg7[%add3A_113, %dma_start3A_117] : memref<40x128xi32, #tpu.memory_space<vmem>> -> memref<1x64xi32, #tpu.memory_space<vmem>>
        %dma_start3A_119 = tpu.memref_squeeze %dma_start3A_118 : memref<1x64xi32, #tpu.memory_space<vmem>> -> memref<64xi32, #tpu.memory_space<vmem>>
        %dma_start3A_120 = arith.constant 0 : i32
        %dma_start3A_121 = arith.constant 0 : i32
        %dma_start3A_122 = tpu.memref_slice %arg5[%dma_start3A_120, %dma_start3A_121] : memref<10240x128xf32, #tpu.memory_space<hbm>> -> memref<10240x128xf32, #tpu.memory_space<hbm>>
        tpu.enqueue_indirect_dma source(%dma_start3A_122 : memref<10240x128xf32, #tpu.memory_space<hbm>>) target(%dma_start3A_116 : memref<64x128xf32, #tpu.memory_space<vmem>>) offsets(%dma_start3A_119 : memref<64xi32, #tpu.memory_space<vmem>>) semaphore(%arg13 : memref<!tpu.dma_semaphore, #tpu.memory_space<semaphore_mem>>)
        %dma_start3A_123 = arith.constant 64 : i32
        %dma_start3A_124 = arith.constant 0 : i32
        %dma_start3A_125 = tpu.memref_slice %arg11[%dma_start3A_123, %dma_start3A_124] : memref<128x128xf32, #tpu.memory_space<vmem>> -> memref<64x128xf32, #tpu.memory_space<vmem>>
        %dma_start3A_126 = arith.constant 64 : i32
        %dma_start3A_127 = tpu.memref_slice %arg7[%add3A_113, %dma_start3A_126] : memref<40x128xi32, #tpu.memory_space<vmem>> -> memref<1x64xi32, #tpu.memory_space<vmem>>
        %dma_start3A_128 = tpu.memref_squeeze %dma_start3A_127 : memref<1x64xi32, #tpu.memory_space<vmem>> -> memref<64xi32, #tpu.memory_space<vmem>>
        %dma_start3A_129 = arith.constant 0 : i32
        %dma_start3A_130 = arith.constant 0 : i32
        %dma_start3A_131 = tpu.memref_slice %arg5[%dma_start3A_129, %dma_start3A_130] : memref<10240x128xf32, #tpu.memory_space<hbm>> -> memref<10240x128xf32, #tpu.memory_space<hbm>>
        tpu.enqueue_indirect_dma source(%dma_start3A_131 : memref<10240x128xf32, #tpu.memory_space<hbm>>) target(%dma_start3A_125 : memref<64x128xf32, #tpu.memory_space<vmem>>) offsets(%dma_start3A_128 : memref<64xi32, #tpu.memory_space<vmem>>) semaphore(%arg13 : memref<!tpu.dma_semaphore, #tpu.memory_space<semaphore_mem>>)
        %scan3A_132 = arith.constant 0 : i32
        %scan3A_133 = arith.constant 0 : i32
        %scan3A_134 = arith.constant 32 : i32
        %scan3A_135 = arith.addi %scan3A_133, %scan3A_134 : i32
        %scan3A_136 = arith.constant 1 : i32
        %scan3A_137 = scf.for %scan3A_206 = %scan3A_133 to %scan3A_135 step %scan3A_136 iter_args(%scan3A_207 = %scan3A_132) -> (i32)  : i32 {
          %mul3A_208 = arith.constant 4 : i32
          %mul3A_209 = arith.muli %scan3A_206, %mul3A_208 : i32
          %add3A_210 = arith.constant 0 : i32
          %add3A_211 = arith.addi %mul3A_209, %add3A_210 : i32
          %add3A_212 = vector.broadcast %mul3A_111 : i32 to vector<16xi32>
          %add3A_213 = arith.addi %broadcast_in_dim3A_3, %add3A_212 : vector<16xi32>
          %add3A_214 = vector.broadcast %add3A_211 : i32 to vector<16xi32>
          %add3A_215 = arith.addi %broadcast_in_dim3A_3, %add3A_214 : vector<16xi32>
          %gather3A = tpu.vector_load_idx %arg9[%add3A_213, %add3A_215] : memref<40x128xf32, #tpu.memory_space<vmem>>[vector<16xi32>, vector<16xi32>], vector<16xf32>,
          %get3A = arith.index_cast %add3A_211 : i32 to index
          %get3A_216 = arith.constant 0 : index
          %get3A_217 = tpu.vector_load %arg10[%get3A, %get3A_216] {strides = array<i32>} : memref<128x128xf32, #tpu.memory_space<vmem>>, vector<16xf32>,
          %mul3A_218 = arith.mulf %get3A_217, %gather3A : vector<16xf32>
          %swap3A = arith.index_cast %add3A_211 : i32 to index
          %swap3A_219 = arith.constant 0 : index
          %swap3A_220 = tpu.vector_load %arg10[%swap3A, %swap3A_219] {strides = array<i32>} : memref<128x128xf32, #tpu.memory_space<vmem>>, vector<16xf32>,
          tpu.vector_store %arg10[%swap3A, %swap3A_219], %mul3A_218 {strides = array<i32>} : memref<128x128xf32, #tpu.memory_space<vmem>>, vector<16xf32>,
          %get3A_221 = arith.index_cast %add3A_211 : i32 to index
          %get3A_222 = arith.constant 16 : index
          %get3A_223 = tpu.vector_load %arg10[%get3A_221, %get3A_222] {strides = array<i32>} : memref<128x128xf32, #tpu.memory_space<vmem>>, vector<16xf32>,
          %mul3A_224 = arith.mulf %get3A_223, %gather3A : vector<16xf32>
          %swap3A_225 = arith.index_cast %add3A_211 : i32 to index
          %swap3A_226 = arith.constant 16 : index
          %swap3A_227 = tpu.vector_load %arg10[%swap3A_225, %swap3A_226] {strides = array<i32>} : memref<128x128xf32, #tpu.memory_space<vmem>>, vector<16xf32>,
          tpu.vector_store %arg10[%swap3A_225, %swap3A_226], %mul3A_224 {strides = array<i32>} : memref<128x128xf32, #tpu.memory_space<vmem>>, vector<16xf32>,
          %get3A_228 = arith.index_cast %add3A_211 : i32 to index
          %get3A_229 = arith.constant 32 : index
          %get3A_230 = tpu.vector_load %arg10[%get3A_228, %get3A_229] {strides = array<i32>} : memref<128x128xf32, #tpu.memory_space<vmem>>, vector<16xf32>,
          %mul3A_231 = arith.mulf %get3A_230, %gather3A : vector<16xf32>
          %swap3A_232 = arith.index_cast %add3A_211 : i32 to index
          %swap3A_233 = arith.constant 32 : index
          %swap3A_234 = tpu.vector_load %arg10[%swap3A_232, %swap3A_233] {strides = array<i32>} : memref<128x128xf32, #tpu.memory_space<vmem>>, vector<16xf32>,
          tpu.vector_store %arg10[%swap3A_232, %swap3A_233], %mul3A_231 {strides = array<i32>} : memref<128x128xf32, #tpu.memory_space<vmem>>, vector<16xf32>,
          %get3A_235 = arith.index_cast %add3A_211 : i32 to index
          %get3A_236 = arith.constant 48 : index
          %get3A_237 = tpu.vector_load %arg10[%get3A_235, %get3A_236] {strides = array<i32>} : memref<128x128xf32, #tpu.memory_space<vmem>>, vector<16xf32>,
          %mul3A_238 = arith.mulf %get3A_237, %gather3A : vector<16xf32>
          %swap3A_239 = arith.index_cast %add3A_211 : i32 to index
          %swap3A_240 = arith.constant 48 : index
          %swap3A_241 = tpu.vector_load %arg10[%swap3A_239, %swap3A_240] {strides = array<i32>} : memref<128x128xf32, #tpu.memory_space<vmem>>, vector<16xf32>,
          tpu.vector_store %arg10[%swap3A_239, %swap3A_240], %mul3A_238 {strides = array<i32>} : memref<128x128xf32, #tpu.memory_space<vmem>>, vector<16xf32>,
          %get3A_242 = arith.index_cast %add3A_211 : i32 to index
          %get3A_243 = arith.constant 64 : index
          %get3A_244 = tpu.vector_load %arg10[%get3A_242, %get3A_243] {strides = array<i32>} : memref<128x128xf32, #tpu.memory_space<vmem>>, vector<16xf32>,
          %mul3A_245 = arith.mulf %get3A_244, %gather3A : vector<16xf32>
          %swap3A_246 = arith.index_cast %add3A_211 : i32 to index
          %swap3A_247 = arith.constant 64 : index
          %swap3A_248 = tpu.vector_load %arg10[%swap3A_246, %swap3A_247] {strides = array<i32>} : memref<128x128xf32, #tpu.memory_space<vmem>>, vector<16xf32>,
          tpu.vector_store %arg10[%swap3A_246, %swap3A_247], %mul3A_245 {strides = array<i32>} : memref<128x128xf32, #tpu.memory_space<vmem>>, vector<16xf32>,
          %get3A_249 = arith.index_cast %add3A_211 : i32 to index
          %get3A_250 = arith.constant 80 : index
          %get3A_251 = tpu.vector_load %arg10[%get3A_249, %get3A_250] {strides = array<i32>} : memref<128x128xf32, #tpu.memory_space<vmem>>, vector<16xf32>,
          %mul3A_252 = arith.mulf %get3A_251, %gather3A : vector<16xf32>
          %swap3A_253 = arith.index_cast %add3A_211 : i32 to index
          %swap3A_254 = arith.constant 80 : index
          %swap3A_255 = tpu.vector_load %arg10[%swap3A_253, %swap3A_254] {strides = array<i32>} : memref<128x128xf32, #tpu.memory_space<vmem>>, vector<16xf32>,
          tpu.vector_store %arg10[%swap3A_253, %swap3A_254], %mul3A_252 {strides = array<i32>} : memref<128x128xf32, #tpu.memory_space<vmem>>, vector<16xf32>,
          %get3A_256 = arith.index_cast %add3A_211 : i32 to index
          %get3A_257 = arith.constant 96 : index
          %get3A_258 = tpu.vector_load %arg10[%get3A_256, %get3A_257] {strides = array<i32>} : memref<128x128xf32, #tpu.memory_space<vmem>>, vector<16xf32>,
          %mul3A_259 = arith.mulf %get3A_258, %gather3A : vector<16xf32>
          %swap3A_260 = arith.index_cast %add3A_211 : i32 to index
          %swap3A_261 = arith.constant 96 : index
          %swap3A_262 = tpu.vector_load %arg10[%swap3A_260, %swap3A_261] {strides = array<i32>} : memref<128x128xf32, #tpu.memory_space<vmem>>, vector<16xf32>,
          tpu.vector_store %arg10[%swap3A_260, %swap3A_261], %mul3A_259 {strides = array<i32>} : memref<128x128xf32, #tpu.memory_space<vmem>>, vector<16xf32>,
          %get3A_263 = arith.index_cast %add3A_211 : i32 to index
          %get3A_264 = arith.constant 112 : index
          %get3A_265 = tpu.vector_load %arg10[%get3A_263, %get3A_264] {strides = array<i32>} : memref<128x128xf32, #tpu.memory_space<vmem>>, vector<16xf32>,
          %mul3A_266 = arith.mulf %get3A_265, %gather3A : vector<16xf32>
          %swap3A_267 = arith.index_cast %add3A_211 : i32 to index
          %swap3A_268 = arith.constant 112 : index
          %swap3A_269 = tpu.vector_load %arg10[%swap3A_267, %swap3A_268] {strides = array<i32>} : memref<128x128xf32, #tpu.memory_space<vmem>>, vector<16xf32>,
          tpu.vector_store %arg10[%swap3A_267, %swap3A_268], %mul3A_266 {strides = array<i32>} : memref<128x128xf32, #tpu.memory_space<vmem>>, vector<16xf32>,
          %mul3A_270 = arith.constant 4 : i32
          %mul3A_271 = arith.muli %scan3A_206, %mul3A_270 : i32
          %add3A_272 = arith.constant 1 : i32
          %add3A_273 = arith.addi %mul3A_271, %add3A_272 : i32
          %add3A_274 = vector.broadcast %mul3A_111 : i32 to vector<16xi32>
          %add3A_275 = arith.addi %broadcast_in_dim3A_3, %add3A_274 : vector<16xi32>
          %add3A_276 = vector.broadcast %add3A_273 : i32 to vector<16xi32>
          %add3A_277 = arith.addi %broadcast_in_dim3A_3, %add3A_276 : vector<16xi32>
          %gather3A_278 = tpu.vector_load_idx %arg9[%add3A_275, %add3A_277] : memref<40x128xf32, #tpu.memory_space<vmem>>[vector<16xi32>, vector<16xi32>], vector<16xf32>,
          %get3A_279 = arith.index_cast %add3A_273 : i32 to index
          %get3A_280 = arith.constant 0 : index
          %get3A_281 = tpu.vector_load %arg10[%get3A_279, %get3A_280] {strides = array<i32>} : memref<128x128xf32, #tpu.memory_space<vmem>>, vector<16xf32>,
          %mul3A_282 = arith.mulf %get3A_281, %gather3A_278 : vector<16xf32>
          %swap3A_283 = arith.index_cast %add3A_273 : i32 to index
          %swap3A_284 = arith.constant 0 : index
          %swap3A_285 = tpu.vector_load %arg10[%swap3A_283, %swap3A_284] {strides = array<i32>} : memref<128x128xf32, #tpu.memory_space<vmem>>, vector<16xf32>,
          tpu.vector_store %arg10[%swap3A_283, %swap3A_284], %mul3A_282 {strides = array<i32>} : memref<128x128xf32, #tpu.memory_space<vmem>>, vector<16xf32>,
          %get3A_286 = arith.index_cast %add3A_273 : i32 to index
          %get3A_287 = arith.constant 16 : index
          %get3A_288 = tpu.vector_load %arg10[%get3A_286, %get3A_287] {strides = array<i32>} : memref<128x128xf32, #tpu.memory_space<vmem>>, vector<16xf32>,
          %mul3A_289 = arith.mulf %get3A_288, %gather3A_278 : vector<16xf32>
          %swap3A_290 = arith.index_cast %add3A_273 : i32 to index
          %swap3A_291 = arith.constant 16 : index
          %swap3A_292 = tpu.vector_load %arg10[%swap3A_290, %swap3A_291] {strides = array<i32>} : memref<128x128xf32, #tpu.memory_space<vmem>>, vector<16xf32>,
          tpu.vector_store %arg10[%swap3A_290, %swap3A_291], %mul3A_289 {strides = array<i32>} : memref<128x128xf32, #tpu.memory_space<vmem>>, vector<16xf32>,
          %get3A_293 = arith.index_cast %add3A_273 : i32 to index
          %get3A_294 = arith.constant 32 : index
          %get3A_295 = tpu.vector_load %arg10[%get3A_293, %get3A_294] {strides = array<i32>} : memref<128x128xf32, #tpu.memory_space<vmem>>, vector<16xf32>,
          %mul3A_296 = arith.mulf %get3A_295, %gather3A_278 : vector<16xf32>
          %swap3A_297 = arith.index_cast %add3A_273 : i32 to index
          %swap3A_298 = arith.constant 32 : index
          %swap3A_299 = tpu.vector_load %arg10[%swap3A_297, %swap3A_298] {strides = array<i32>} : memref<128x128xf32, #tpu.memory_space<vmem>>, vector<16xf32>,
          tpu.vector_store %arg10[%swap3A_297, %swap3A_298], %mul3A_296 {strides = array<i32>} : memref<128x128xf32, #tpu.memory_space<vmem>>, vector<16xf32>,
          %get3A_300 = arith.index_cast %add3A_273 : i32 to index
          %get3A_301 = arith.constant 48 : index
          %get3A_302 = tpu.vector_load %arg10[%get3A_300, %get3A_301] {strides = array<i32>} : memref<128x128xf32, #tpu.memory_space<vmem>>, vector<16xf32>,
          %mul3A_303 = arith.mulf %get3A_302, %gather3A_278 : vector<16xf32>
          %swap3A_304 = arith.index_cast %add3A_273 : i32 to index
          %swap3A_305 = arith.constant 48 : index
          %swap3A_306 = tpu.vector_load %arg10[%swap3A_304, %swap3A_305] {strides = array<i32>} : memref<128x128xf32, #tpu.memory_space<vmem>>, vector<16xf32>,
          tpu.vector_store %arg10[%swap3A_304, %swap3A_305], %mul3A_303 {strides = array<i32>} : memref<128x128xf32, #tpu.memory_space<vmem>>, vector<16xf32>,
          %get3A_307 = arith.index_cast %add3A_273 : i32 to index
          %get3A_308 = arith.constant 64 : index
          %get3A_309 = tpu.vector_load %arg10[%get3A_307, %get3A_308] {strides = array<i32>} : memref<128x128xf32, #tpu.memory_space<vmem>>, vector<16xf32>,
          %mul3A_310 = arith.mulf %get3A_309, %gather3A_278 : vector<16xf32>
          %swap3A_311 = arith.index_cast %add3A_273 : i32 to index
          %swap3A_312 = arith.constant 64 : index
          %swap3A_313 = tpu.vector_load %arg10[%swap3A_311, %swap3A_312] {strides = array<i32>} : memref<128x128xf32, #tpu.memory_space<vmem>>, vector<16xf32>,
          tpu.vector_store %arg10[%swap3A_311, %swap3A_312], %mul3A_310 {strides = array<i32>} : memref<128x128xf32, #tpu.memory_space<vmem>>, vector<16xf32>,
          %get3A_314 = arith.index_cast %add3A_273 : i32 to index
          %get3A_315 = arith.constant 80 : index
          %get3A_316 = tpu.vector_load %arg10[%get3A_314, %get3A_315] {strides = array<i32>} : memref<128x128xf32, #tpu.memory_space<vmem>>, vector<16xf32>,
          %mul3A_317 = arith.mulf %get3A_316, %gather3A_278 : vector<16xf32>
          %swap3A_318 = arith.index_cast %add3A_273 : i32 to index
          %swap3A_319 = arith.constant 80 : index
          %swap3A_320 = tpu.vector_load %arg10[%swap3A_318, %swap3A_319] {strides = array<i32>} : memref<128x128xf32, #tpu.memory_space<vmem>>, vector<16xf32>,
          tpu.vector_store %arg10[%swap3A_318, %swap3A_319], %mul3A_317 {strides = array<i32>} : memref<128x128xf32, #tpu.memory_space<vmem>>, vector<16xf32>,
          %get3A_321 = arith.index_cast %add3A_273 : i32 to index
          %get3A_322 = arith.constant 96 : index
          %get3A_323 = tpu.vector_load %arg10[%get3A_321, %get3A_322] {strides = array<i32>} : memref<128x128xf32, #tpu.memory_space<vmem>>, vector<16xf32>,
          %mul3A_324 = arith.mulf %get3A_323, %gather3A_278 : vector<16xf32>
          %swap3A_325 = arith.index_cast %add3A_273 : i32 to index
          %swap3A_326 = arith.constant 96 : index
          %swap3A_327 = tpu.vector_load %arg10[%swap3A_325, %swap3A_326] {strides = array<i32>} : memref<128x128xf32, #tpu.memory_space<vmem>>, vector<16xf32>,
          tpu.vector_store %arg10[%swap3A_325, %swap3A_326], %mul3A_324 {strides = array<i32>} : memref<128x128xf32, #tpu.memory_space<vmem>>, vector<16xf32>,
          %get3A_328 = arith.index_cast %add3A_273 : i32 to index
          %get3A_329 = arith.constant 112 : index
          %get3A_330 = tpu.vector_load %arg10[%get3A_328, %get3A_329] {strides = array<i32>} : memref<128x128xf32, #tpu.memory_space<vmem>>, vector<16xf32>,
          %mul3A_331 = arith.mulf %get3A_330, %gather3A_278 : vector<16xf32>
          %swap3A_332 = arith.index_cast %add3A_273 : i32 to index
          %swap3A_333 = arith.constant 112 : index
          %swap3A_334 = tpu.vector_load %arg10[%swap3A_332, %swap3A_333] {strides = array<i32>} : memref<128x128xf32, #tpu.memory_space<vmem>>, vector<16xf32>,
          tpu.vector_store %arg10[%swap3A_332, %swap3A_333], %mul3A_331 {strides = array<i32>} : memref<128x128xf32, #tpu.memory_space<vmem>>, vector<16xf32>,
          %mul3A_335 = arith.constant 4 : i32
          %mul3A_336 = arith.muli %scan3A_206, %mul3A_335 : i32
          %add3A_337 = arith.constant 2 : i32
          %add3A_338 = arith.addi %mul3A_336, %add3A_337 : i32
          %add3A_339 = vector.broadcast %mul3A_111 : i32 to vector<16xi32>
          %add3A_340 = arith.addi %broadcast_in_dim3A_3, %add3A_339 : vector<16xi32>
          %add3A_341 = vector.broadcast %add3A_338 : i32 to vector<16xi32>
          %add3A_342 = arith.addi %broadcast_in_dim3A_3, %add3A_341 : vector<16xi32>
          %gather3A_343 = tpu.vector_load_idx %arg9[%add3A_340, %add3A_342] : memref<40x128xf32, #tpu.memory_space<vmem>>[vector<16xi32>, vector<16xi32>], vector<16xf32>,
          %get3A_344 = arith.index_cast %add3A_338 : i32 to index
          %get3A_345 = arith.constant 0 : index
          %get3A_346 = tpu.vector_load %arg10[%get3A_344, %get3A_345] {strides = array<i32>} : memref<128x128xf32, #tpu.memory_space<vmem>>, vector<16xf32>,
          %mul3A_347 = arith.mulf %get3A_346, %gather3A_343 : vector<16xf32>
          %swap3A_348 = arith.index_cast %add3A_338 : i32 to index
          %swap3A_349 = arith.constant 0 : index
          %swap3A_350 = tpu.vector_load %arg10[%swap3A_348, %swap3A_349] {strides = array<i32>} : memref<128x128xf32, #tpu.memory_space<vmem>>, vector<16xf32>,
          tpu.vector_store %arg10[%swap3A_348, %swap3A_349], %mul3A_347 {strides = array<i32>} : memref<128x128xf32, #tpu.memory_space<vmem>>, vector<16xf32>,
          %get3A_351 = arith.index_cast %add3A_338 : i32 to index
          %get3A_352 = arith.constant 16 : index
          %get3A_353 = tpu.vector_load %arg10[%get3A_351, %get3A_352] {strides = array<i32>} : memref<128x128xf32, #tpu.memory_space<vmem>>, vector<16xf32>,
          %mul3A_354 = arith.mulf %get3A_353, %gather3A_343 : vector<16xf32>
          %swap3A_355 = arith.index_cast %add3A_338 : i32 to index
          %swap3A_356 = arith.constant 16 : index
          %swap3A_357 = tpu.vector_load %arg10[%swap3A_355, %swap3A_356] {strides = array<i32>} : memref<128x128xf32, #tpu.memory_space<vmem>>, vector<16xf32>,
          tpu.vector_store %arg10[%swap3A_355, %swap3A_356], %mul3A_354 {strides = array<i32>} : memref<128x128xf32, #tpu.memory_space<vmem>>, vector<16xf32>,
          %get3A_358 = arith.index_cast %add3A_338 : i32 to index
          %get3A_359 = arith.constant 32 : index
          %get3A_360 = tpu.vector_load %arg10[%get3A_358, %get3A_359] {strides = array<i32>} : memref<128x128xf32, #tpu.memory_space<vmem>>, vector<16xf32>,
          %mul3A_361 = arith.mulf %get3A_360, %gather3A_343 : vector<16xf32>
          %swap3A_362 = arith.index_cast %add3A_338 : i32 to index
          %swap3A_363 = arith.constant 32 : index
          %swap3A_364 = tpu.vector_load %arg10[%swap3A_362, %swap3A_363] {strides = array<i32>} : memref<128x128xf32, #tpu.memory_space<vmem>>, vector<16xf32>,
          tpu.vector_store %arg10[%swap3A_362, %swap3A_363], %mul3A_361 {strides = array<i32>} : memref<128x128xf32, #tpu.memory_space<vmem>>, vector<16xf32>,
          %get3A_365 = arith.index_cast %add3A_338 : i32 to index
          %get3A_366 = arith.constant 48 : index
          %get3A_367 = tpu.vector_load %arg10[%get3A_365, %get3A_366] {strides = array<i32>} : memref<128x128xf32, #tpu.memory_space<vmem>>, vector<16xf32>,
          %mul3A_368 = arith.mulf %get3A_367, %gather3A_343 : vector<16xf32>
          %swap3A_369 = arith.index_cast %add3A_338 : i32 to index
          %swap3A_370 = arith.constant 48 : index
          %swap3A_371 = tpu.vector_load %arg10[%swap3A_369, %swap3A_370] {strides = array<i32>} : memref<128x128xf32, #tpu.memory_space<vmem>>, vector<16xf32>,
          tpu.vector_store %arg10[%swap3A_369, %swap3A_370], %mul3A_368 {strides = array<i32>} : memref<128x128xf32, #tpu.memory_space<vmem>>, vector<16xf32>,
          %get3A_372 = arith.index_cast %add3A_338 : i32 to index
          %get3A_373 = arith.constant 64 : index
          %get3A_374 = tpu.vector_load %arg10[%get3A_372, %get3A_373] {strides = array<i32>} : memref<128x128xf32, #tpu.memory_space<vmem>>, vector<16xf32>,
          %mul3A_375 = arith.mulf %get3A_374, %gather3A_343 : vector<16xf32>
          %swap3A_376 = arith.index_cast %add3A_338 : i32 to index
          %swap3A_377 = arith.constant 64 : index
          %swap3A_378 = tpu.vector_load %arg10[%swap3A_376, %swap3A_377] {strides = array<i32>} : memref<128x128xf32, #tpu.memory_space<vmem>>, vector<16xf32>,
          tpu.vector_store %arg10[%swap3A_376, %swap3A_377], %mul3A_375 {strides = array<i32>} : memref<128x128xf32, #tpu.memory_space<vmem>>, vector<16xf32>,
          %get3A_379 = arith.index_cast %add3A_338 : i32 to index
          %get3A_380 = arith.constant 80 : index
          %get3A_381 = tpu.vector_load %arg10[%get3A_379, %get3A_380] {strides = array<i32>} : memref<128x128xf32, #tpu.memory_space<vmem>>, vector<16xf32>,
          %mul3A_382 = arith.mulf %get3A_381, %gather3A_343 : vector<16xf32>
          %swap3A_383 = arith.index_cast %add3A_338 : i32 to index
          %swap3A_384 = arith.constant 80 : index
          %swap3A_385 = tpu.vector_load %arg10[%swap3A_383, %swap3A_384] {strides = array<i32>} : memref<128x128xf32, #tpu.memory_space<vmem>>, vector<16xf32>,
          tpu.vector_store %arg10[%swap3A_383, %swap3A_384], %mul3A_382 {strides = array<i32>} : memref<128x128xf32, #tpu.memory_space<vmem>>, vector<16xf32>,
          %get3A_386 = arith.index_cast %add3A_338 : i32 to index
          %get3A_387 = arith.constant 96 : index
          %get3A_388 = tpu.vector_load %arg10[%get3A_386, %get3A_387] {strides = array<i32>} : memref<128x128xf32, #tpu.memory_space<vmem>>, vector<16xf32>,
          %mul3A_389 = arith.mulf %get3A_388, %gather3A_343 : vector<16xf32>
          %swap3A_390 = arith.index_cast %add3A_338 : i32 to index
          %swap3A_391 = arith.constant 96 : index
          %swap3A_392 = tpu.vector_load %arg10[%swap3A_390, %swap3A_391] {strides = array<i32>} : memref<128x128xf32, #tpu.memory_space<vmem>>, vector<16xf32>,
          tpu.vector_store %arg10[%swap3A_390, %swap3A_391], %mul3A_389 {strides = array<i32>} : memref<128x128xf32, #tpu.memory_space<vmem>>, vector<16xf32>,
          %get3A_393 = arith.index_cast %add3A_338 : i32 to index
          %get3A_394 = arith.constant 112 : index
          %get3A_395 = tpu.vector_load %arg10[%get3A_393, %get3A_394] {strides = array<i32>} : memref<128x128xf32, #tpu.memory_space<vmem>>, vector<16xf32>,
          %mul3A_396 = arith.mulf %get3A_395, %gather3A_343 : vector<16xf32>
          %swap3A_397 = arith.index_cast %add3A_338 : i32 to index
          %swap3A_398 = arith.constant 112 : index
          %swap3A_399 = tpu.vector_load %arg10[%swap3A_397, %swap3A_398] {strides = array<i32>} : memref<128x128xf32, #tpu.memory_space<vmem>>, vector<16xf32>,
          tpu.vector_store %arg10[%swap3A_397, %swap3A_398], %mul3A_396 {strides = array<i32>} : memref<128x128xf32, #tpu.memory_space<vmem>>, vector<16xf32>,
          %mul3A_400 = arith.constant 4 : i32
          %mul3A_401 = arith.muli %scan3A_206, %mul3A_400 : i32
          %add3A_402 = arith.constant 3 : i32
          %add3A_403 = arith.addi %mul3A_401, %add3A_402 : i32
          %add3A_404 = vector.broadcast %mul3A_111 : i32 to vector<16xi32>
          %add3A_405 = arith.addi %broadcast_in_dim3A_3, %add3A_404 : vector<16xi32>
          %add3A_406 = vector.broadcast %add3A_403 : i32 to vector<16xi32>
          %add3A_407 = arith.addi %broadcast_in_dim3A_3, %add3A_406 : vector<16xi32>
          %gather3A_408 = tpu.vector_load_idx %arg9[%add3A_405, %add3A_407] : memref<40x128xf32, #tpu.memory_space<vmem>>[vector<16xi32>, vector<16xi32>], vector<16xf32>,
          %get3A_409 = arith.index_cast %add3A_403 : i32 to index
          %get3A_410 = arith.constant 0 : index
          %get3A_411 = tpu.vector_load %arg10[%get3A_409, %get3A_410] {strides = array<i32>} : memref<128x128xf32, #tpu.memory_space<vmem>>, vector<16xf32>,
          %mul3A_412 = arith.mulf %get3A_411, %gather3A_408 : vector<16xf32>
          %swap3A_413 = arith.index_cast %add3A_403 : i32 to index
          %swap3A_414 = arith.constant 0 : index
          %swap3A_415 = tpu.vector_load %arg10[%swap3A_413, %swap3A_414] {strides = array<i32>} : memref<128x128xf32, #tpu.memory_space<vmem>>, vector<16xf32>,
          tpu.vector_store %arg10[%swap3A_413, %swap3A_414], %mul3A_412 {strides = array<i32>} : memref<128x128xf32, #tpu.memory_space<vmem>>, vector<16xf32>,
          %get3A_416 = arith.index_cast %add3A_403 : i32 to index
          %get3A_417 = arith.constant 16 : index
          %get3A_418 = tpu.vector_load %arg10[%get3A_416, %get3A_417] {strides = array<i32>} : memref<128x128xf32, #tpu.memory_space<vmem>>, vector<16xf32>,
          %mul3A_419 = arith.mulf %get3A_418, %gather3A_408 : vector<16xf32>
          %swap3A_420 = arith.index_cast %add3A_403 : i32 to index
          %swap3A_421 = arith.constant 16 : index
          %swap3A_422 = tpu.vector_load %arg10[%swap3A_420, %swap3A_421] {strides = array<i32>} : memref<128x128xf32, #tpu.memory_space<vmem>>, vector<16xf32>,
          tpu.vector_store %arg10[%swap3A_420, %swap3A_421], %mul3A_419 {strides = array<i32>} : memref<128x128xf32, #tpu.memory_space<vmem>>, vector<16xf32>,
          %get3A_423 = arith.index_cast %add3A_403 : i32 to index
          %get3A_424 = arith.constant 32 : index
          %get3A_425 = tpu.vector_load %arg10[%get3A_423, %get3A_424] {strides = array<i32>} : memref<128x128xf32, #tpu.memory_space<vmem>>, vector<16xf32>,
          %mul3A_426 = arith.mulf %get3A_425, %gather3A_408 : vector<16xf32>
          %swap3A_427 = arith.index_cast %add3A_403 : i32 to index
          %swap3A_428 = arith.constant 32 : index
          %swap3A_429 = tpu.vector_load %arg10[%swap3A_427, %swap3A_428] {strides = array<i32>} : memref<128x128xf32, #tpu.memory_space<vmem>>, vector<16xf32>,
          tpu.vector_store %arg10[%swap3A_427, %swap3A_428], %mul3A_426 {strides = array<i32>} : memref<128x128xf32, #tpu.memory_space<vmem>>, vector<16xf32>,
          %get3A_430 = arith.index_cast %add3A_403 : i32 to index
          %get3A_431 = arith.constant 48 : index
          %get3A_432 = tpu.vector_load %arg10[%get3A_430, %get3A_431] {strides = array<i32>} : memref<128x128xf32, #tpu.memory_space<vmem>>, vector<16xf32>,
          %mul3A_433 = arith.mulf %get3A_432, %gather3A_408 : vector<16xf32>
          %swap3A_434 = arith.index_cast %add3A_403 : i32 to index
          %swap3A_435 = arith.constant 48 : index
          %swap3A_436 = tpu.vector_load %arg10[%swap3A_434, %swap3A_435] {strides = array<i32>} : memref<128x128xf32, #tpu.memory_space<vmem>>, vector<16xf32>,
          tpu.vector_store %arg10[%swap3A_434, %swap3A_435], %mul3A_433 {strides = array<i32>} : memref<128x128xf32, #tpu.memory_space<vmem>>, vector<16xf32>,
          %get3A_437 = arith.index_cast %add3A_403 : i32 to index
          %get3A_438 = arith.constant 64 : index
          %get3A_439 = tpu.vector_load %arg10[%get3A_437, %get3A_438] {strides = array<i32>} : memref<128x128xf32, #tpu.memory_space<vmem>>, vector<16xf32>,
          %mul3A_440 = arith.mulf %get3A_439, %gather3A_408 : vector<16xf32>
          %swap3A_441 = arith.index_cast %add3A_403 : i32 to index
          %swap3A_442 = arith.constant 64 : index
          %swap3A_443 = tpu.vector_load %arg10[%swap3A_441, %swap3A_442] {strides = array<i32>} : memref<128x128xf32, #tpu.memory_space<vmem>>, vector<16xf32>,
          tpu.vector_store %arg10[%swap3A_441, %swap3A_442], %mul3A_440 {strides = array<i32>} : memref<128x128xf32, #tpu.memory_space<vmem>>, vector<16xf32>,
          %get3A_444 = arith.index_cast %add3A_403 : i32 to index
          %get3A_445 = arith.constant 80 : index
          %get3A_446 = tpu.vector_load %arg10[%get3A_444, %get3A_445] {strides = array<i32>} : memref<128x128xf32, #tpu.memory_space<vmem>>, vector<16xf32>,
          %mul3A_447 = arith.mulf %get3A_446, %gather3A_408 : vector<16xf32>
          %swap3A_448 = arith.index_cast %add3A_403 : i32 to index
          %swap3A_449 = arith.constant 80 : index
          %swap3A_450 = tpu.vector_load %arg10[%swap3A_448, %swap3A_449] {strides = array<i32>} : memref<128x128xf32, #tpu.memory_space<vmem>>, vector<16xf32>,
          tpu.vector_store %arg10[%swap3A_448, %swap3A_449], %mul3A_447 {strides = array<i32>} : memref<128x128xf32, #tpu.memory_space<vmem>>, vector<16xf32>,
          %get3A_451 = arith.index_cast %add3A_403 : i32 to index
          %get3A_452 = arith.constant 96 : index
          %get3A_453 = tpu.vector_load %arg10[%get3A_451, %get3A_452] {strides = array<i32>} : memref<128x128xf32, #tpu.memory_space<vmem>>, vector<16xf32>,
          %mul3A_454 = arith.mulf %get3A_453, %gather3A_408 : vector<16xf32>
          %swap3A_455 = arith.index_cast %add3A_403 : i32 to index
          %swap3A_456 = arith.constant 96 : index
          %swap3A_457 = tpu.vector_load %arg10[%swap3A_455, %swap3A_456] {strides = array<i32>} : memref<128x128xf32, #tpu.memory_space<vmem>>, vector<16xf32>,
          tpu.vector_store %arg10[%swap3A_455, %swap3A_456], %mul3A_454 {strides = array<i32>} : memref<128x128xf32, #tpu.memory_space<vmem>>, vector<16xf32>,
          %get3A_458 = arith.index_cast %add3A_403 : i32 to index
          %get3A_459 = arith.constant 112 : index
          %get3A_460 = tpu.vector_load %arg10[%get3A_458, %get3A_459] {strides = array<i32>} : memref<128x128xf32, #tpu.memory_space<vmem>>, vector<16xf32>,
          %mul3A_461 = arith.mulf %get3A_460, %gather3A_408 : vector<16xf32>
          %swap3A_462 = arith.index_cast %add3A_403 : i32 to index
          %swap3A_463 = arith.constant 112 : index
          %swap3A_464 = tpu.vector_load %arg10[%swap3A_462, %swap3A_463] {strides = array<i32>} : memref<128x128xf32, #tpu.memory_space<vmem>>, vector<16xf32>,
          tpu.vector_store %arg10[%swap3A_462, %swap3A_463], %mul3A_461 {strides = array<i32>} : memref<128x128xf32, #tpu.memory_space<vmem>>, vector<16xf32>,
          %scan3A_465 = arith.constant 0 : i32
          scf.yield %scan3A_465 : i32
        }
        %scan3A_138 = arith.constant 32 : i32
        "tpu.region"() ({
          %run_scoped3A = tpu.sem_alloc : memref<!tpu.dma_semaphore, #tpu.memory_space<semaphore_mem>>
          %dma_start3A_206 = arith.constant 0 : i32
          %dma_start3A_207 = tpu.memref_slice %arg8[%mul3A_111, %dma_start3A_206] : memref<40x128xi32, #tpu.memory_space<vmem>> -> memref<1x128xi32, #tpu.memory_space<vmem>>
          %dma_start3A_208 = tpu.memref_squeeze %dma_start3A_207 : memref<1x128xi32, #tpu.memory_space<vmem>> -> memref<128xi32, #tpu.memory_space<vmem>>
          %dma_start3A_209 = arith.constant 0 : i32
          %dma_start3A_210 = arith.constant 0 : i32
          %dma_start3A_211 = tpu.memref_slice %arg12[%dma_start3A_209, %dma_start3A_210] : memref<10240x128xf32, #tpu.memory_space<vmem_shared>> -> memref<10240x128xf32, #tpu.memory_space<vmem_shared>>
          tpu.enqueue_indirect_dma source(%arg10 : memref<128x128xf32, #tpu.memory_space<vmem>>) target(%dma_start3A_211 : memref<10240x128xf32, #tpu.memory_space<vmem_shared>>) offsets(%dma_start3A_208 : memref<128xi32, #tpu.memory_space<vmem>>) semaphore(%run_scoped3A : memref<!tpu.dma_semaphore, #tpu.memory_space<semaphore_mem>>) {add = true}
          %dma_wait3A_212 = arith.constant 0 : i32
          %dma_wait3A_213 = tpu.memref_slice %arg8[%mul3A_111, %dma_wait3A_212] : memref<40x128xi32, #tpu.memory_space<vmem>> -> memref<1x128xi32, #tpu.memory_space<vmem>>
          %dma_wait3A_214 = tpu.memref_squeeze %dma_wait3A_213 : memref<1x128xi32, #tpu.memory_space<vmem>> -> memref<128xi32, #tpu.memory_space<vmem>>
          %dma_wait3A_215 = arith.constant 0 : i32
          %dma_wait3A_216 = arith.constant 0 : i32
          %dma_wait3A_217 = tpu.memref_slice %arg12[%dma_wait3A_215, %dma_wait3A_216] : memref<10240x128xf32, #tpu.memory_space<vmem_shared>> -> memref<10240x128xf32, #tpu.memory_space<vmem_shared>>
          tpu.wait_indirect_dma semaphore(%run_scoped3A : memref<!tpu.dma_semaphore, #tpu.memory_space<semaphore_mem>>) src(%arg10 : memref<128x128xf32, #tpu.memory_space<vmem>>) dst(%dma_wait3A_217 : memref<10240x128xf32, #tpu.memory_space<vmem_shared>>)
          tpu.yield
        }) : () -> ()
        %dma_wait3A_139 = arith.constant 0 : i32
        %dma_wait3A_140 = arith.constant 0 : i32
        %dma_wait3A_141 = tpu.memref_slice %arg11[%dma_wait3A_139, %dma_wait3A_140] : memref<128x128xf32, #tpu.memory_space<vmem>> -> memref<64x128xf32, #tpu.memory_space<vmem>>
        %dma_wait3A_142 = arith.constant 0 : i32
        %dma_wait3A_143 = tpu.memref_slice %arg7[%add3A_113, %dma_wait3A_142] : memref<40x128xi32, #tpu.memory_space<vmem>> -> memref<1x64xi32, #tpu.memory_space<vmem>>
        %dma_wait3A_144 = tpu.memref_squeeze %dma_wait3A_143 : memref<1x64xi32, #tpu.memory_space<vmem>> -> memref<64xi32, #tpu.memory_space<vmem>>
        %dma_wait3A_145 = arith.constant 0 : i32
        %dma_wait3A_146 = arith.constant 0 : i32
        %dma_wait3A_147 = tpu.memref_slice %arg5[%dma_wait3A_145, %dma_wait3A_146] : memref<10240x128xf32, #tpu.memory_space<hbm>> -> memref<10240x128xf32, #tpu.memory_space<hbm>>
        tpu.wait_indirect_dma semaphore(%arg13 : memref<!tpu.dma_semaphore, #tpu.memory_space<semaphore_mem>>) src(%dma_wait3A_147 : memref<10240x128xf32, #tpu.memory_space<hbm>>) dst(%dma_wait3A_141 : memref<64x128xf32, #tpu.memory_space<vmem>>)
        %dma_wait3A_148 = arith.constant 64 : i32
        %dma_wait3A_149 = arith.constant 0 : i32
        %dma_wait3A_150 = tpu.memref_slice %arg11[%dma_wait3A_148, %dma_wait3A_149] : memref<128x128xf32, #tpu.memory_space<vmem>> -> memref<64x128xf32, #tpu.memory_space<vmem>>
        %dma_wait3A_151 = arith.constant 64 : i32
        %dma_wait3A_152 = tpu.memref_slice %arg7[%add3A_113, %dma_wait3A_151] : memref<40x128xi32, #tpu.memory_space<vmem>> -> memref<1x64xi32, #tpu.memory_space<vmem>>
        %dma_wait3A_153 = tpu.memref_squeeze %dma_wait3A_152 : memref<1x64xi32, #tpu.memory_space<vmem>> -> memref<64xi32, #tpu.memory_space<vmem>>
        %dma_wait3A_154 = arith.constant 0 : i32
        %dma_wait3A_155 = arith.constant 0 : i32
        %dma_wait3A_156 = tpu.memref_slice %arg5[%dma_wait3A_154, %dma_wait3A_155] : memref<10240x128xf32, #tpu.memory_space<hbm>> -> memref<10240x128xf32, #tpu.memory_space<hbm>>
        tpu.wait_indirect_dma semaphore(%arg13 : memref<!tpu.dma_semaphore, #tpu.memory_space<semaphore_mem>>) src(%dma_wait3A_156 : memref<10240x128xf32, #tpu.memory_space<hbm>>) dst(%dma_wait3A_150 : memref<64x128xf32, #tpu.memory_space<vmem>>)
        %add3A_157 = arith.constant 2 : i32
        %add3A_158 = arith.addi %mul3A_111, %add3A_157 : i32
        %min3A = arith.constant 39 : i32
        %min3A_159 = arith.minsi %add3A_158, %min3A : i32
        %dma_start3A_160 = arith.constant 0 : i32
        %dma_start3A_161 = arith.constant 0 : i32
        %dma_start3A_162 = tpu.memref_slice %arg10[%dma_start3A_160, %dma_start3A_161] : memref<128x128xf32, #tpu.memory_space<vmem>> -> memref<64x128xf32, #tpu.memory_space<vmem>>
        %dma_start3A_163 = arith.constant 0 : i32
        %dma_start3A_164 = tpu.memref_slice %arg7[%min3A_159, %dma_start3A_163] : memref<40x128xi32, #tpu.memory_space<vmem>> -> memref<1x64xi32, #tpu.memory_space<vmem>>
        %dma_start3A_165 = tpu.memref_squeeze %dma_start3A_164 : memref<1x64xi32, #tpu.memory_space<vmem>> -> memref<64xi32, #tpu.memory_space<vmem>>
        %dma_start3A_166 = arith.constant 0 : i32
        %dma_start3A_167 = arith.constant 0 : i32
        %dma_start3A_168 = tpu.memref_slice %arg5[%dma_start3A_166, %dma_start3A_167] : memref<10240x128xf32, #tpu.memory_space<hbm>> -> memref<10240x128xf32, #tpu.memory_space<hbm>>
        tpu.enqueue_indirect_dma source(%dma_start3A_168 : memref<10240x128xf32, #tpu.memory_space<hbm>>) target(%dma_start3A_162 : memref<64x128xf32, #tpu.memory_space<vmem>>) offsets(%dma_start3A_165 : memref<64xi32, #tpu.memory_space<vmem>>) semaphore(%arg13 : memref<!tpu.dma_semaphore, #tpu.memory_space<semaphore_mem>>)
        %dma_start3A_169 = arith.constant 64 : i32
        %dma_start3A_170 = arith.constant 0 : i32
        %dma_start3A_171 = tpu.memref_slice %arg10[%dma_start3A_169, %dma_start3A_170] : memref<128x128xf32, #tpu.memory_space<vmem>> -> memref<64x128xf32, #tpu.memory_space<vmem>>
        %dma_start3A_172 = arith.constant 64 : i32
        %dma_start3A_173 = tpu.memref_slice %arg7[%min3A_159, %dma_start3A_172] : memref<40x128xi32, #tpu.memory_space<vmem>> -> memref<1x64xi32, #tpu.memory_space<vmem>>
        %dma_start3A_174 = tpu.memref_squeeze %dma_start3A_173 : memref<1x64xi32, #tpu.memory_space<vmem>> -> memref<64xi32, #tpu.memory_space<vmem>>
        %dma_start3A_175 = arith.constant 0 : i32
        %dma_start3A_176 = arith.constant 0 : i32
        %dma_start3A_177 = tpu.memref_slice %arg5[%dma_start3A_175, %dma_start3A_176] : memref<10240x128xf32, #tpu.memory_space<hbm>> -> memref<10240x128xf32, #tpu.memory_space<hbm>>
        tpu.enqueue_indirect_dma source(%dma_start3A_177 : memref<10240x128xf32, #tpu.memory_space<hbm>>) target(%dma_start3A_171 : memref<64x128xf32, #tpu.memory_space<vmem>>) offsets(%dma_start3A_174 : memref<64xi32, #tpu.memory_space<vmem>>) semaphore(%arg13 : memref<!tpu.dma_semaphore, #tpu.memory_space<semaphore_mem>>)
        %add3A_178 = arith.constant 1 : i32
        %add3A_179 = arith.addi %mul3A_111, %add3A_178 : i32
        %scan3A_180 = arith.constant 0 : i32
        %scan3A_181 = arith.constant 0 : i32
        %scan3A_182 = arith.constant 32 : i32
        %scan3A_183 = arith.addi %scan3A_181, %scan3A_182 : i32
        %scan3A_184 = arith.constant 1 : i32
        %scan3A_185 = scf.for %scan3A_206 = %scan3A_181 to %scan3A_183 step %scan3A_184 iter_args(%scan3A_207 = %scan3A_180) -> (i32)  : i32 {
          %mul3A_208 = arith.constant 4 : i32
          %mul3A_209 = arith.muli %scan3A_206, %mul3A_208 : i32
          %add3A_210 = arith.constant 0 : i32
          %add3A_211 = arith.addi %mul3A_209, %add3A_210 : i32
          %add3A_212 = vector.broadcast %add3A_179 : i32 to vector<16xi32>
          %add3A_213 = arith.addi %broadcast_in_dim3A_3, %add3A_212 : vector<16xi32>
          %add3A_214 = vector.broadcast %add3A_211 : i32 to vector<16xi32>
          %add3A_215 = arith.addi %broadcast_in_dim3A_3, %add3A_214 : vector<16xi32>
          %gather3A = tpu.vector_load_idx %arg9[%add3A_213, %add3A_215] : memref<40x128xf32, #tpu.memory_space<vmem>>[vector<16xi32>, vector<16xi32>], vector<16xf32>,
          %get3A = arith.index_cast %add3A_211 : i32 to index
          %get3A_216 = arith.constant 0 : index
          %get3A_217 = tpu.vector_load %arg11[%get3A, %get3A_216] {strides = array<i32>} : memref<128x128xf32, #tpu.memory_space<vmem>>, vector<16xf32>,
          %mul3A_218 = arith.mulf %get3A_217, %gather3A : vector<16xf32>
          %swap3A = arith.index_cast %add3A_211 : i32 to index
          %swap3A_219 = arith.constant 0 : index
          %swap3A_220 = tpu.vector_load %arg11[%swap3A, %swap3A_219] {strides = array<i32>} : memref<128x128xf32, #tpu.memory_space<vmem>>, vector<16xf32>,
          tpu.vector_store %arg11[%swap3A, %swap3A_219], %mul3A_218 {strides = array<i32>} : memref<128x128xf32, #tpu.memory_space<vmem>>, vector<16xf32>,
          %get3A_221 = arith.index_cast %add3A_211 : i32 to index
          %get3A_222 = arith.constant 16 : index
          %get3A_223 = tpu.vector_load %arg11[%get3A_221, %get3A_222] {strides = array<i32>} : memref<128x128xf32, #tpu.memory_space<vmem>>, vector<16xf32>,
          %mul3A_224 = arith.mulf %get3A_223, %gather3A : vector<16xf32>
          %swap3A_225 = arith.index_cast %add3A_211 : i32 to index
          %swap3A_226 = arith.constant 16 : index
          %swap3A_227 = tpu.vector_load %arg11[%swap3A_225, %swap3A_226] {strides = array<i32>} : memref<128x128xf32, #tpu.memory_space<vmem>>, vector<16xf32>,
          tpu.vector_store %arg11[%swap3A_225, %swap3A_226], %mul3A_224 {strides = array<i32>} : memref<128x128xf32, #tpu.memory_space<vmem>>, vector<16xf32>,
          %get3A_228 = arith.index_cast %add3A_211 : i32 to index
          %get3A_229 = arith.constant 32 : index
          %get3A_230 = tpu.vector_load %arg11[%get3A_228, %get3A_229] {strides = array<i32>} : memref<128x128xf32, #tpu.memory_space<vmem>>, vector<16xf32>,
          %mul3A_231 = arith.mulf %get3A_230, %gather3A : vector<16xf32>
          %swap3A_232 = arith.index_cast %add3A_211 : i32 to index
          %swap3A_233 = arith.constant 32 : index
          %swap3A_234 = tpu.vector_load %arg11[%swap3A_232, %swap3A_233] {strides = array<i32>} : memref<128x128xf32, #tpu.memory_space<vmem>>, vector<16xf32>,
          tpu.vector_store %arg11[%swap3A_232, %swap3A_233], %mul3A_231 {strides = array<i32>} : memref<128x128xf32, #tpu.memory_space<vmem>>, vector<16xf32>,
          %get3A_235 = arith.index_cast %add3A_211 : i32 to index
          %get3A_236 = arith.constant 48 : index
          %get3A_237 = tpu.vector_load %arg11[%get3A_235, %get3A_236] {strides = array<i32>} : memref<128x128xf32, #tpu.memory_space<vmem>>, vector<16xf32>,
          %mul3A_238 = arith.mulf %get3A_237, %gather3A : vector<16xf32>
          %swap3A_239 = arith.index_cast %add3A_211 : i32 to index
          %swap3A_240 = arith.constant 48 : index
          %swap3A_241 = tpu.vector_load %arg11[%swap3A_239, %swap3A_240] {strides = array<i32>} : memref<128x128xf32, #tpu.memory_space<vmem>>, vector<16xf32>,
          tpu.vector_store %arg11[%swap3A_239, %swap3A_240], %mul3A_238 {strides = array<i32>} : memref<128x128xf32, #tpu.memory_space<vmem>>, vector<16xf32>,
          %get3A_242 = arith.index_cast %add3A_211 : i32 to index
          %get3A_243 = arith.constant 64 : index
          %get3A_244 = tpu.vector_load %arg11[%get3A_242, %get3A_243] {strides = array<i32>} : memref<128x128xf32, #tpu.memory_space<vmem>>, vector<16xf32>,
          %mul3A_245 = arith.mulf %get3A_244, %gather3A : vector<16xf32>
          %swap3A_246 = arith.index_cast %add3A_211 : i32 to index
          %swap3A_247 = arith.constant 64 : index
          %swap3A_248 = tpu.vector_load %arg11[%swap3A_246, %swap3A_247] {strides = array<i32>} : memref<128x128xf32, #tpu.memory_space<vmem>>, vector<16xf32>,
          tpu.vector_store %arg11[%swap3A_246, %swap3A_247], %mul3A_245 {strides = array<i32>} : memref<128x128xf32, #tpu.memory_space<vmem>>, vector<16xf32>,
          %get3A_249 = arith.index_cast %add3A_211 : i32 to index
          %get3A_250 = arith.constant 80 : index
          %get3A_251 = tpu.vector_load %arg11[%get3A_249, %get3A_250] {strides = array<i32>} : memref<128x128xf32, #tpu.memory_space<vmem>>, vector<16xf32>,
          %mul3A_252 = arith.mulf %get3A_251, %gather3A : vector<16xf32>
          %swap3A_253 = arith.index_cast %add3A_211 : i32 to index
          %swap3A_254 = arith.constant 80 : index
          %swap3A_255 = tpu.vector_load %arg11[%swap3A_253, %swap3A_254] {strides = array<i32>} : memref<128x128xf32, #tpu.memory_space<vmem>>, vector<16xf32>,
          tpu.vector_store %arg11[%swap3A_253, %swap3A_254], %mul3A_252 {strides = array<i32>} : memref<128x128xf32, #tpu.memory_space<vmem>>, vector<16xf32>,
          %get3A_256 = arith.index_cast %add3A_211 : i32 to index
          %get3A_257 = arith.constant 96 : index
          %get3A_258 = tpu.vector_load %arg11[%get3A_256, %get3A_257] {strides = array<i32>} : memref<128x128xf32, #tpu.memory_space<vmem>>, vector<16xf32>,
          %mul3A_259 = arith.mulf %get3A_258, %gather3A : vector<16xf32>
          %swap3A_260 = arith.index_cast %add3A_211 : i32 to index
          %swap3A_261 = arith.constant 96 : index
          %swap3A_262 = tpu.vector_load %arg11[%swap3A_260, %swap3A_261] {strides = array<i32>} : memref<128x128xf32, #tpu.memory_space<vmem>>, vector<16xf32>,
          tpu.vector_store %arg11[%swap3A_260, %swap3A_261], %mul3A_259 {strides = array<i32>} : memref<128x128xf32, #tpu.memory_space<vmem>>, vector<16xf32>,
          %get3A_263 = arith.index_cast %add3A_211 : i32 to index
          %get3A_264 = arith.constant 112 : index
          %get3A_265 = tpu.vector_load %arg11[%get3A_263, %get3A_264] {strides = array<i32>} : memref<128x128xf32, #tpu.memory_space<vmem>>, vector<16xf32>,
          %mul3A_266 = arith.mulf %get3A_265, %gather3A : vector<16xf32>
          %swap3A_267 = arith.index_cast %add3A_211 : i32 to index
          %swap3A_268 = arith.constant 112 : index
          %swap3A_269 = tpu.vector_load %arg11[%swap3A_267, %swap3A_268] {strides = array<i32>} : memref<128x128xf32, #tpu.memory_space<vmem>>, vector<16xf32>,
          tpu.vector_store %arg11[%swap3A_267, %swap3A_268], %mul3A_266 {strides = array<i32>} : memref<128x128xf32, #tpu.memory_space<vmem>>, vector<16xf32>,
          %mul3A_270 = arith.constant 4 : i32
          %mul3A_271 = arith.muli %scan3A_206, %mul3A_270 : i32
          %add3A_272 = arith.constant 1 : i32
          %add3A_273 = arith.addi %mul3A_271, %add3A_272 : i32
          %add3A_274 = vector.broadcast %add3A_179 : i32 to vector<16xi32>
          %add3A_275 = arith.addi %broadcast_in_dim3A_3, %add3A_274 : vector<16xi32>
          %add3A_276 = vector.broadcast %add3A_273 : i32 to vector<16xi32>
          %add3A_277 = arith.addi %broadcast_in_dim3A_3, %add3A_276 : vector<16xi32>
          %gather3A_278 = tpu.vector_load_idx %arg9[%add3A_275, %add3A_277] : memref<40x128xf32, #tpu.memory_space<vmem>>[vector<16xi32>, vector<16xi32>], vector<16xf32>,
          %get3A_279 = arith.index_cast %add3A_273 : i32 to index
          %get3A_280 = arith.constant 0 : index
          %get3A_281 = tpu.vector_load %arg11[%get3A_279, %get3A_280] {strides = array<i32>} : memref<128x128xf32, #tpu.memory_space<vmem>>, vector<16xf32>,
          %mul3A_282 = arith.mulf %get3A_281, %gather3A_278 : vector<16xf32>
          %swap3A_283 = arith.index_cast %add3A_273 : i32 to index
          %swap3A_284 = arith.constant 0 : index
          %swap3A_285 = tpu.vector_load %arg11[%swap3A_283, %swap3A_284] {strides = array<i32>} : memref<128x128xf32, #tpu.memory_space<vmem>>, vector<16xf32>,
          tpu.vector_store %arg11[%swap3A_283, %swap3A_284], %mul3A_282 {strides = array<i32>} : memref<128x128xf32, #tpu.memory_space<vmem>>, vector<16xf32>,
          %get3A_286 = arith.index_cast %add3A_273 : i32 to index
          %get3A_287 = arith.constant 16 : index
          %get3A_288 = tpu.vector_load %arg11[%get3A_286, %get3A_287] {strides = array<i32>} : memref<128x128xf32, #tpu.memory_space<vmem>>, vector<16xf32>,
          %mul3A_289 = arith.mulf %get3A_288, %gather3A_278 : vector<16xf32>
          %swap3A_290 = arith.index_cast %add3A_273 : i32 to index
          %swap3A_291 = arith.constant 16 : index
          %swap3A_292 = tpu.vector_load %arg11[%swap3A_290, %swap3A_291] {strides = array<i32>} : memref<128x128xf32, #tpu.memory_space<vmem>>, vector<16xf32>,
          tpu.vector_store %arg11[%swap3A_290, %swap3A_291], %mul3A_289 {strides = array<i32>} : memref<128x128xf32, #tpu.memory_space<vmem>>, vector<16xf32>,
          %get3A_293 = arith.index_cast %add3A_273 : i32 to index
          %get3A_294 = arith.constant 32 : index
          %get3A_295 = tpu.vector_load %arg11[%get3A_293, %get3A_294] {strides = array<i32>} : memref<128x128xf32, #tpu.memory_space<vmem>>, vector<16xf32>,
          %mul3A_296 = arith.mulf %get3A_295, %gather3A_278 : vector<16xf32>
          %swap3A_297 = arith.index_cast %add3A_273 : i32 to index
          %swap3A_298 = arith.constant 32 : index
          %swap3A_299 = tpu.vector_load %arg11[%swap3A_297, %swap3A_298] {strides = array<i32>} : memref<128x128xf32, #tpu.memory_space<vmem>>, vector<16xf32>,
          tpu.vector_store %arg11[%swap3A_297, %swap3A_298], %mul3A_296 {strides = array<i32>} : memref<128x128xf32, #tpu.memory_space<vmem>>, vector<16xf32>,
          %get3A_300 = arith.index_cast %add3A_273 : i32 to index
          %get3A_301 = arith.constant 48 : index
          %get3A_302 = tpu.vector_load %arg11[%get3A_300, %get3A_301] {strides = array<i32>} : memref<128x128xf32, #tpu.memory_space<vmem>>, vector<16xf32>,
          %mul3A_303 = arith.mulf %get3A_302, %gather3A_278 : vector<16xf32>
          %swap3A_304 = arith.index_cast %add3A_273 : i32 to index
          %swap3A_305 = arith.constant 48 : index
          %swap3A_306 = tpu.vector_load %arg11[%swap3A_304, %swap3A_305] {strides = array<i32>} : memref<128x128xf32, #tpu.memory_space<vmem>>, vector<16xf32>,
          tpu.vector_store %arg11[%swap3A_304, %swap3A_305], %mul3A_303 {strides = array<i32>} : memref<128x128xf32, #tpu.memory_space<vmem>>, vector<16xf32>,
          %get3A_307 = arith.index_cast %add3A_273 : i32 to index
          %get3A_308 = arith.constant 64 : index
          %get3A_309 = tpu.vector_load %arg11[%get3A_307, %get3A_308] {strides = array<i32>} : memref<128x128xf32, #tpu.memory_space<vmem>>, vector<16xf32>,
          %mul3A_310 = arith.mulf %get3A_309, %gather3A_278 : vector<16xf32>
          %swap3A_311 = arith.index_cast %add3A_273 : i32 to index
          %swap3A_312 = arith.constant 64 : index
          %swap3A_313 = tpu.vector_load %arg11[%swap3A_311, %swap3A_312] {strides = array<i32>} : memref<128x128xf32, #tpu.memory_space<vmem>>, vector<16xf32>,
          tpu.vector_store %arg11[%swap3A_311, %swap3A_312], %mul3A_310 {strides = array<i32>} : memref<128x128xf32, #tpu.memory_space<vmem>>, vector<16xf32>,
          %get3A_314 = arith.index_cast %add3A_273 : i32 to index
          %get3A_315 = arith.constant 80 : index
          %get3A_316 = tpu.vector_load %arg11[%get3A_314, %get3A_315] {strides = array<i32>} : memref<128x128xf32, #tpu.memory_space<vmem>>, vector<16xf32>,
          %mul3A_317 = arith.mulf %get3A_316, %gather3A_278 : vector<16xf32>
          %swap3A_318 = arith.index_cast %add3A_273 : i32 to index
          %swap3A_319 = arith.constant 80 : index
          %swap3A_320 = tpu.vector_load %arg11[%swap3A_318, %swap3A_319] {strides = array<i32>} : memref<128x128xf32, #tpu.memory_space<vmem>>, vector<16xf32>,
          tpu.vector_store %arg11[%swap3A_318, %swap3A_319], %mul3A_317 {strides = array<i32>} : memref<128x128xf32, #tpu.memory_space<vmem>>, vector<16xf32>,
          %get3A_321 = arith.index_cast %add3A_273 : i32 to index
          %get3A_322 = arith.constant 96 : index
          %get3A_323 = tpu.vector_load %arg11[%get3A_321, %get3A_322] {strides = array<i32>} : memref<128x128xf32, #tpu.memory_space<vmem>>, vector<16xf32>,
          %mul3A_324 = arith.mulf %get3A_323, %gather3A_278 : vector<16xf32>
          %swap3A_325 = arith.index_cast %add3A_273 : i32 to index
          %swap3A_326 = arith.constant 96 : index
          %swap3A_327 = tpu.vector_load %arg11[%swap3A_325, %swap3A_326] {strides = array<i32>} : memref<128x128xf32, #tpu.memory_space<vmem>>, vector<16xf32>,
          tpu.vector_store %arg11[%swap3A_325, %swap3A_326], %mul3A_324 {strides = array<i32>} : memref<128x128xf32, #tpu.memory_space<vmem>>, vector<16xf32>,
          %get3A_328 = arith.index_cast %add3A_273 : i32 to index
          %get3A_329 = arith.constant 112 : index
          %get3A_330 = tpu.vector_load %arg11[%get3A_328, %get3A_329] {strides = array<i32>} : memref<128x128xf32, #tpu.memory_space<vmem>>, vector<16xf32>,
          %mul3A_331 = arith.mulf %get3A_330, %gather3A_278 : vector<16xf32>
          %swap3A_332 = arith.index_cast %add3A_273 : i32 to index
          %swap3A_333 = arith.constant 112 : index
          %swap3A_334 = tpu.vector_load %arg11[%swap3A_332, %swap3A_333] {strides = array<i32>} : memref<128x128xf32, #tpu.memory_space<vmem>>, vector<16xf32>,
          tpu.vector_store %arg11[%swap3A_332, %swap3A_333], %mul3A_331 {strides = array<i32>} : memref<128x128xf32, #tpu.memory_space<vmem>>, vector<16xf32>,
          %mul3A_335 = arith.constant 4 : i32
          %mul3A_336 = arith.muli %scan3A_206, %mul3A_335 : i32
          %add3A_337 = arith.constant 2 : i32
          %add3A_338 = arith.addi %mul3A_336, %add3A_337 : i32
          %add3A_339 = vector.broadcast %add3A_179 : i32 to vector<16xi32>
          %add3A_340 = arith.addi %broadcast_in_dim3A_3, %add3A_339 : vector<16xi32>
          %add3A_341 = vector.broadcast %add3A_338 : i32 to vector<16xi32>
          %add3A_342 = arith.addi %broadcast_in_dim3A_3, %add3A_341 : vector<16xi32>
          %gather3A_343 = tpu.vector_load_idx %arg9[%add3A_340, %add3A_342] : memref<40x128xf32, #tpu.memory_space<vmem>>[vector<16xi32>, vector<16xi32>], vector<16xf32>,
          %get3A_344 = arith.index_cast %add3A_338 : i32 to index
          %get3A_345 = arith.constant 0 : index
          %get3A_346 = tpu.vector_load %arg11[%get3A_344, %get3A_345] {strides = array<i32>} : memref<128x128xf32, #tpu.memory_space<vmem>>, vector<16xf32>,
          %mul3A_347 = arith.mulf %get3A_346, %gather3A_343 : vector<16xf32>
          %swap3A_348 = arith.index_cast %add3A_338 : i32 to index
          %swap3A_349 = arith.constant 0 : index
          %swap3A_350 = tpu.vector_load %arg11[%swap3A_348, %swap3A_349] {strides = array<i32>} : memref<128x128xf32, #tpu.memory_space<vmem>>, vector<16xf32>,
          tpu.vector_store %arg11[%swap3A_348, %swap3A_349], %mul3A_347 {strides = array<i32>} : memref<128x128xf32, #tpu.memory_space<vmem>>, vector<16xf32>,
          %get3A_351 = arith.index_cast %add3A_338 : i32 to index
          %get3A_352 = arith.constant 16 : index
          %get3A_353 = tpu.vector_load %arg11[%get3A_351, %get3A_352] {strides = array<i32>} : memref<128x128xf32, #tpu.memory_space<vmem>>, vector<16xf32>,
          %mul3A_354 = arith.mulf %get3A_353, %gather3A_343 : vector<16xf32>
          %swap3A_355 = arith.index_cast %add3A_338 : i32 to index
          %swap3A_356 = arith.constant 16 : index
          %swap3A_357 = tpu.vector_load %arg11[%swap3A_355, %swap3A_356] {strides = array<i32>} : memref<128x128xf32, #tpu.memory_space<vmem>>, vector<16xf32>,
          tpu.vector_store %arg11[%swap3A_355, %swap3A_356], %mul3A_354 {strides = array<i32>} : memref<128x128xf32, #tpu.memory_space<vmem>>, vector<16xf32>,
          %get3A_358 = arith.index_cast %add3A_338 : i32 to index
          %get3A_359 = arith.constant 32 : index
          %get3A_360 = tpu.vector_load %arg11[%get3A_358, %get3A_359] {strides = array<i32>} : memref<128x128xf32, #tpu.memory_space<vmem>>, vector<16xf32>,
          %mul3A_361 = arith.mulf %get3A_360, %gather3A_343 : vector<16xf32>
          %swap3A_362 = arith.index_cast %add3A_338 : i32 to index
          %swap3A_363 = arith.constant 32 : index
          %swap3A_364 = tpu.vector_load %arg11[%swap3A_362, %swap3A_363] {strides = array<i32>} : memref<128x128xf32, #tpu.memory_space<vmem>>, vector<16xf32>,
          tpu.vector_store %arg11[%swap3A_362, %swap3A_363], %mul3A_361 {strides = array<i32>} : memref<128x128xf32, #tpu.memory_space<vmem>>, vector<16xf32>,
          %get3A_365 = arith.index_cast %add3A_338 : i32 to index
          %get3A_366 = arith.constant 48 : index
          %get3A_367 = tpu.vector_load %arg11[%get3A_365, %get3A_366] {strides = array<i32>} : memref<128x128xf32, #tpu.memory_space<vmem>>, vector<16xf32>,
          %mul3A_368 = arith.mulf %get3A_367, %gather3A_343 : vector<16xf32>
          %swap3A_369 = arith.index_cast %add3A_338 : i32 to index
          %swap3A_370 = arith.constant 48 : index
          %swap3A_371 = tpu.vector_load %arg11[%swap3A_369, %swap3A_370] {strides = array<i32>} : memref<128x128xf32, #tpu.memory_space<vmem>>, vector<16xf32>,
          tpu.vector_store %arg11[%swap3A_369, %swap3A_370], %mul3A_368 {strides = array<i32>} : memref<128x128xf32, #tpu.memory_space<vmem>>, vector<16xf32>,
          %get3A_372 = arith.index_cast %add3A_338 : i32 to index
          %get3A_373 = arith.constant 64 : index
          %get3A_374 = tpu.vector_load %arg11[%get3A_372, %get3A_373] {strides = array<i32>} : memref<128x128xf32, #tpu.memory_space<vmem>>, vector<16xf32>,
          %mul3A_375 = arith.mulf %get3A_374, %gather3A_343 : vector<16xf32>
          %swap3A_376 = arith.index_cast %add3A_338 : i32 to index
          %swap3A_377 = arith.constant 64 : index
          %swap3A_378 = tpu.vector_load %arg11[%swap3A_376, %swap3A_377] {strides = array<i32>} : memref<128x128xf32, #tpu.memory_space<vmem>>, vector<16xf32>,
          tpu.vector_store %arg11[%swap3A_376, %swap3A_377], %mul3A_375 {strides = array<i32>} : memref<128x128xf32, #tpu.memory_space<vmem>>, vector<16xf32>,
          %get3A_379 = arith.index_cast %add3A_338 : i32 to index
          %get3A_380 = arith.constant 80 : index
          %get3A_381 = tpu.vector_load %arg11[%get3A_379, %get3A_380] {strides = array<i32>} : memref<128x128xf32, #tpu.memory_space<vmem>>, vector<16xf32>,
          %mul3A_382 = arith.mulf %get3A_381, %gather3A_343 : vector<16xf32>
          %swap3A_383 = arith.index_cast %add3A_338 : i32 to index
          %swap3A_384 = arith.constant 80 : index
          %swap3A_385 = tpu.vector_load %arg11[%swap3A_383, %swap3A_384] {strides = array<i32>} : memref<128x128xf32, #tpu.memory_space<vmem>>, vector<16xf32>,
          tpu.vector_store %arg11[%swap3A_383, %swap3A_384], %mul3A_382 {strides = array<i32>} : memref<128x128xf32, #tpu.memory_space<vmem>>, vector<16xf32>,
          %get3A_386 = arith.index_cast %add3A_338 : i32 to index
          %get3A_387 = arith.constant 96 : index
          %get3A_388 = tpu.vector_load %arg11[%get3A_386, %get3A_387] {strides = array<i32>} : memref<128x128xf32, #tpu.memory_space<vmem>>, vector<16xf32>,
          %mul3A_389 = arith.mulf %get3A_388, %gather3A_343 : vector<16xf32>
          %swap3A_390 = arith.index_cast %add3A_338 : i32 to index
          %swap3A_391 = arith.constant 96 : index
          %swap3A_392 = tpu.vector_load %arg11[%swap3A_390, %swap3A_391] {strides = array<i32>} : memref<128x128xf32, #tpu.memory_space<vmem>>, vector<16xf32>,
          tpu.vector_store %arg11[%swap3A_390, %swap3A_391], %mul3A_389 {strides = array<i32>} : memref<128x128xf32, #tpu.memory_space<vmem>>, vector<16xf32>,
          %get3A_393 = arith.index_cast %add3A_338 : i32 to index
          %get3A_394 = arith.constant 112 : index
          %get3A_395 = tpu.vector_load %arg11[%get3A_393, %get3A_394] {strides = array<i32>} : memref<128x128xf32, #tpu.memory_space<vmem>>, vector<16xf32>,
          %mul3A_396 = arith.mulf %get3A_395, %gather3A_343 : vector<16xf32>
          %swap3A_397 = arith.index_cast %add3A_338 : i32 to index
          %swap3A_398 = arith.constant 112 : index
          %swap3A_399 = tpu.vector_load %arg11[%swap3A_397, %swap3A_398] {strides = array<i32>} : memref<128x128xf32, #tpu.memory_space<vmem>>, vector<16xf32>,
          tpu.vector_store %arg11[%swap3A_397, %swap3A_398], %mul3A_396 {strides = array<i32>} : memref<128x128xf32, #tpu.memory_space<vmem>>, vector<16xf32>,
          %mul3A_400 = arith.constant 4 : i32
          %mul3A_401 = arith.muli %scan3A_206, %mul3A_400 : i32
          %add3A_402 = arith.constant 3 : i32
          %add3A_403 = arith.addi %mul3A_401, %add3A_402 : i32
          %add3A_404 = vector.broadcast %add3A_179 : i32 to vector<16xi32>
          %add3A_405 = arith.addi %broadcast_in_dim3A_3, %add3A_404 : vector<16xi32>
          %add3A_406 = vector.broadcast %add3A_403 : i32 to vector<16xi32>
          %add3A_407 = arith.addi %broadcast_in_dim3A_3, %add3A_406 : vector<16xi32>
          %gather3A_408 = tpu.vector_load_idx %arg9[%add3A_405, %add3A_407] : memref<40x128xf32, #tpu.memory_space<vmem>>[vector<16xi32>, vector<16xi32>], vector<16xf32>,
          %get3A_409 = arith.index_cast %add3A_403 : i32 to index
          %get3A_410 = arith.constant 0 : index
          %get3A_411 = tpu.vector_load %arg11[%get3A_409, %get3A_410] {strides = array<i32>} : memref<128x128xf32, #tpu.memory_space<vmem>>, vector<16xf32>,
          %mul3A_412 = arith.mulf %get3A_411, %gather3A_408 : vector<16xf32>
          %swap3A_413 = arith.index_cast %add3A_403 : i32 to index
          %swap3A_414 = arith.constant 0 : index
          %swap3A_415 = tpu.vector_load %arg11[%swap3A_413, %swap3A_414] {strides = array<i32>} : memref<128x128xf32, #tpu.memory_space<vmem>>, vector<16xf32>,
          tpu.vector_store %arg11[%swap3A_413, %swap3A_414], %mul3A_412 {strides = array<i32>} : memref<128x128xf32, #tpu.memory_space<vmem>>, vector<16xf32>,
          %get3A_416 = arith.index_cast %add3A_403 : i32 to index
          %get3A_417 = arith.constant 16 : index
          %get3A_418 = tpu.vector_load %arg11[%get3A_416, %get3A_417] {strides = array<i32>} : memref<128x128xf32, #tpu.memory_space<vmem>>, vector<16xf32>,
          %mul3A_419 = arith.mulf %get3A_418, %gather3A_408 : vector<16xf32>
          %swap3A_420 = arith.index_cast %add3A_403 : i32 to index
          %swap3A_421 = arith.constant 16 : index
          %swap3A_422 = tpu.vector_load %arg11[%swap3A_420, %swap3A_421] {strides = array<i32>} : memref<128x128xf32, #tpu.memory_space<vmem>>, vector<16xf32>,
          tpu.vector_store %arg11[%swap3A_420, %swap3A_421], %mul3A_419 {strides = array<i32>} : memref<128x128xf32, #tpu.memory_space<vmem>>, vector<16xf32>,
          %get3A_423 = arith.index_cast %add3A_403 : i32 to index
          %get3A_424 = arith.constant 32 : index
          %get3A_425 = tpu.vector_load %arg11[%get3A_423, %get3A_424] {strides = array<i32>} : memref<128x128xf32, #tpu.memory_space<vmem>>, vector<16xf32>,
          %mul3A_426 = arith.mulf %get3A_425, %gather3A_408 : vector<16xf32>
          %swap3A_427 = arith.index_cast %add3A_403 : i32 to index
          %swap3A_428 = arith.constant 32 : index
          %swap3A_429 = tpu.vector_load %arg11[%swap3A_427, %swap3A_428] {strides = array<i32>} : memref<128x128xf32, #tpu.memory_space<vmem>>, vector<16xf32>,
          tpu.vector_store %arg11[%swap3A_427, %swap3A_428], %mul3A_426 {strides = array<i32>} : memref<128x128xf32, #tpu.memory_space<vmem>>, vector<16xf32>,
          %get3A_430 = arith.index_cast %add3A_403 : i32 to index
          %get3A_431 = arith.constant 48 : index
          %get3A_432 = tpu.vector_load %arg11[%get3A_430, %get3A_431] {strides = array<i32>} : memref<128x128xf32, #tpu.memory_space<vmem>>, vector<16xf32>,
          %mul3A_433 = arith.mulf %get3A_432, %gather3A_408 : vector<16xf32>
          %swap3A_434 = arith.index_cast %add3A_403 : i32 to index
          %swap3A_435 = arith.constant 48 : index
          %swap3A_436 = tpu.vector_load %arg11[%swap3A_434, %swap3A_435] {strides = array<i32>} : memref<128x128xf32, #tpu.memory_space<vmem>>, vector<16xf32>,
          tpu.vector_store %arg11[%swap3A_434, %swap3A_435], %mul3A_433 {strides = array<i32>} : memref<128x128xf32, #tpu.memory_space<vmem>>, vector<16xf32>,
          %get3A_437 = arith.index_cast %add3A_403 : i32 to index
          %get3A_438 = arith.constant 64 : index
          %get3A_439 = tpu.vector_load %arg11[%get3A_437, %get3A_438] {strides = array<i32>} : memref<128x128xf32, #tpu.memory_space<vmem>>, vector<16xf32>,
          %mul3A_440 = arith.mulf %get3A_439, %gather3A_408 : vector<16xf32>
          %swap3A_441 = arith.index_cast %add3A_403 : i32 to index
          %swap3A_442 = arith.constant 64 : index
          %swap3A_443 = tpu.vector_load %arg11[%swap3A_441, %swap3A_442] {strides = array<i32>} : memref<128x128xf32, #tpu.memory_space<vmem>>, vector<16xf32>,
          tpu.vector_store %arg11[%swap3A_441, %swap3A_442], %mul3A_440 {strides = array<i32>} : memref<128x128xf32, #tpu.memory_space<vmem>>, vector<16xf32>,
          %get3A_444 = arith.index_cast %add3A_403 : i32 to index
          %get3A_445 = arith.constant 80 : index
          %get3A_446 = tpu.vector_load %arg11[%get3A_444, %get3A_445] {strides = array<i32>} : memref<128x128xf32, #tpu.memory_space<vmem>>, vector<16xf32>,
          %mul3A_447 = arith.mulf %get3A_446, %gather3A_408 : vector<16xf32>
          %swap3A_448 = arith.index_cast %add3A_403 : i32 to index
          %swap3A_449 = arith.constant 80 : index
          %swap3A_450 = tpu.vector_load %arg11[%swap3A_448, %swap3A_449] {strides = array<i32>} : memref<128x128xf32, #tpu.memory_space<vmem>>, vector<16xf32>,
          tpu.vector_store %arg11[%swap3A_448, %swap3A_449], %mul3A_447 {strides = array<i32>} : memref<128x128xf32, #tpu.memory_space<vmem>>, vector<16xf32>,
          %get3A_451 = arith.index_cast %add3A_403 : i32 to index
          %get3A_452 = arith.constant 96 : index
          %get3A_453 = tpu.vector_load %arg11[%get3A_451, %get3A_452] {strides = array<i32>} : memref<128x128xf32, #tpu.memory_space<vmem>>, vector<16xf32>,
          %mul3A_454 = arith.mulf %get3A_453, %gather3A_408 : vector<16xf32>
          %swap3A_455 = arith.index_cast %add3A_403 : i32 to index
          %swap3A_456 = arith.constant 96 : index
          %swap3A_457 = tpu.vector_load %arg11[%swap3A_455, %swap3A_456] {strides = array<i32>} : memref<128x128xf32, #tpu.memory_space<vmem>>, vector<16xf32>,
          tpu.vector_store %arg11[%swap3A_455, %swap3A_456], %mul3A_454 {strides = array<i32>} : memref<128x128xf32, #tpu.memory_space<vmem>>, vector<16xf32>,
          %get3A_458 = arith.index_cast %add3A_403 : i32 to index
          %get3A_459 = arith.constant 112 : index
          %get3A_460 = tpu.vector_load %arg11[%get3A_458, %get3A_459] {strides = array<i32>} : memref<128x128xf32, #tpu.memory_space<vmem>>, vector<16xf32>,
          %mul3A_461 = arith.mulf %get3A_460, %gather3A_408 : vector<16xf32>
          %swap3A_462 = arith.index_cast %add3A_403 : i32 to index
          %swap3A_463 = arith.constant 112 : index
          %swap3A_464 = tpu.vector_load %arg11[%swap3A_462, %swap3A_463] {strides = array<i32>} : memref<128x128xf32, #tpu.memory_space<vmem>>, vector<16xf32>,
          tpu.vector_store %arg11[%swap3A_462, %swap3A_463], %mul3A_461 {strides = array<i32>} : memref<128x128xf32, #tpu.memory_space<vmem>>, vector<16xf32>,
          %scan3A_465 = arith.constant 0 : i32
          scf.yield %scan3A_465 : i32
        }
        %scan3A_186 = arith.constant 32 : i32
        "tpu.region"() ({
          %run_scoped3A = tpu.sem_alloc : memref<!tpu.dma_semaphore, #tpu.memory_space<semaphore_mem>>
          %dma_start3A_206 = arith.constant 0 : i32
          %dma_start3A_207 = tpu.memref_slice %arg8[%add3A_179, %dma_start3A_206] : memref<40x128xi32, #tpu.memory_space<vmem>> -> memref<1x128xi32, #tpu.memory_space<vmem>>
          %dma_start3A_208 = tpu.memref_squeeze %dma_start3A_207 : memref<1x128xi32, #tpu.memory_space<vmem>> -> memref<128xi32, #tpu.memory_space<vmem>>
          %dma_start3A_209 = arith.constant 0 : i32
          %dma_start3A_210 = arith.constant 0 : i32
          %dma_start3A_211 = tpu.memref_slice %arg12[%dma_start3A_209, %dma_start3A_210] : memref<10240x128xf32, #tpu.memory_space<vmem_shared>> -> memref<10240x128xf32, #tpu.memory_space<vmem_shared>>
          tpu.enqueue_indirect_dma source(%arg11 : memref<128x128xf32, #tpu.memory_space<vmem>>) target(%dma_start3A_211 : memref<10240x128xf32, #tpu.memory_space<vmem_shared>>) offsets(%dma_start3A_208 : memref<128xi32, #tpu.memory_space<vmem>>) semaphore(%run_scoped3A : memref<!tpu.dma_semaphore, #tpu.memory_space<semaphore_mem>>) {add = true}
          %dma_wait3A_212 = arith.constant 0 : i32
          %dma_wait3A_213 = tpu.memref_slice %arg8[%add3A_179, %dma_wait3A_212] : memref<40x128xi32, #tpu.memory_space<vmem>> -> memref<1x128xi32, #tpu.memory_space<vmem>>
          %dma_wait3A_214 = tpu.memref_squeeze %dma_wait3A_213 : memref<1x128xi32, #tpu.memory_space<vmem>> -> memref<128xi32, #tpu.memory_space<vmem>>
          %dma_wait3A_215 = arith.constant 0 : i32
          %dma_wait3A_216 = arith.constant 0 : i32
          %dma_wait3A_217 = tpu.memref_slice %arg12[%dma_wait3A_215, %dma_wait3A_216] : memref<10240x128xf32, #tpu.memory_space<vmem_shared>> -> memref<10240x128xf32, #tpu.memory_space<vmem_shared>>
          tpu.wait_indirect_dma semaphore(%run_scoped3A : memref<!tpu.dma_semaphore, #tpu.memory_space<semaphore_mem>>) src(%arg11 : memref<128x128xf32, #tpu.memory_space<vmem>>) dst(%dma_wait3A_217 : memref<10240x128xf32, #tpu.memory_space<vmem_shared>>)
          tpu.yield
        }) : () -> ()
        %dma_wait3A_187 = arith.constant 0 : i32
        %dma_wait3A_188 = arith.constant 0 : i32
        %dma_wait3A_189 = tpu.memref_slice %arg10[%dma_wait3A_187, %dma_wait3A_188] : memref<128x128xf32, #tpu.memory_space<vmem>> -> memref<64x128xf32, #tpu.memory_space<vmem>>
        %dma_wait3A_190 = arith.constant 0 : i32
        %dma_wait3A_191 = tpu.memref_slice %arg7[%min3A_159, %dma_wait3A_190] : memref<40x128xi32, #tpu.memory_space<vmem>> -> memref<1x64xi32, #tpu.memory_space<vmem>>
        %dma_wait3A_192 = tpu.memref_squeeze %dma_wait3A_191 : memref<1x64xi32, #tpu.memory_space<vmem>> -> memref<64xi32, #tpu.memory_space<vmem>>
        %dma_wait3A_193 = arith.constant 0 : i32
        %dma_wait3A_194 = arith.constant 0 : i32
        %dma_wait3A_195 = tpu.memref_slice %arg5[%dma_wait3A_193, %dma_wait3A_194] : memref<10240x128xf32, #tpu.memory_space<hbm>> -> memref<10240x128xf32, #tpu.memory_space<hbm>>
        tpu.wait_indirect_dma semaphore(%arg13 : memref<!tpu.dma_semaphore, #tpu.memory_space<semaphore_mem>>) src(%dma_wait3A_195 : memref<10240x128xf32, #tpu.memory_space<hbm>>) dst(%dma_wait3A_189 : memref<64x128xf32, #tpu.memory_space<vmem>>)
        %dma_wait3A_196 = arith.constant 64 : i32
        %dma_wait3A_197 = arith.constant 0 : i32
        %dma_wait3A_198 = tpu.memref_slice %arg10[%dma_wait3A_196, %dma_wait3A_197] : memref<128x128xf32, #tpu.memory_space<vmem>> -> memref<64x128xf32, #tpu.memory_space<vmem>>
        %dma_wait3A_199 = arith.constant 64 : i32
        %dma_wait3A_200 = tpu.memref_slice %arg7[%min3A_159, %dma_wait3A_199] : memref<40x128xi32, #tpu.memory_space<vmem>> -> memref<1x64xi32, #tpu.memory_space<vmem>>
        %dma_wait3A_201 = tpu.memref_squeeze %dma_wait3A_200 : memref<1x64xi32, #tpu.memory_space<vmem>> -> memref<64xi32, #tpu.memory_space<vmem>>
        %dma_wait3A_202 = arith.constant 0 : i32
        %dma_wait3A_203 = arith.constant 0 : i32
        %dma_wait3A_204 = tpu.memref_slice %arg5[%dma_wait3A_202, %dma_wait3A_203] : memref<10240x128xf32, #tpu.memory_space<hbm>> -> memref<10240x128xf32, #tpu.memory_space<hbm>>
        tpu.wait_indirect_dma semaphore(%arg13 : memref<!tpu.dma_semaphore, #tpu.memory_space<semaphore_mem>>) src(%dma_wait3A_204 : memref<10240x128xf32, #tpu.memory_space<hbm>>) dst(%dma_wait3A_198 : memref<64x128xf32, #tpu.memory_space<vmem>>)
        %scan3A_205 = arith.constant 0 : i32
        scf.yield %scan3A_205 : i32
      }
      %scan3A_106 = arith.constant 20 : i32
      %while3A_107 = arith.constant 0 : i32
      scf.yield %while3A_107 : i32
    }
    %while3A_50 = arith.constant 1 : i32
    %while3A_51 = scf.for %while3A_57 = %while3A_47 to %while3A_43 step %while3A_50 iter_args(%while3A_58 = %while3A_49) -> (i32)  : i32 {
      %mul3A_59 = arith.constant 40 : i32
      %mul3A_60 = arith.muli %while3A_57, %mul3A_59 : i32
      %add3A_61 = arith.addi %select_n3A_40, %mul3A_60 : i32
      "tpu.region"() ({
        %run_scoped3A = tpu.sem_alloc : memref<!tpu.dma_semaphore, #tpu.memory_space<semaphore_mem>>
        %dma_start3A_108 = arith.constant 0 : i32
        %dma_start3A_109 = tpu.memref_slice %arg2[%add3A_61, %dma_start3A_108] : memref<2560x128xi32, #tpu.memory_space<hbm>> -> memref<40x128xi32, #tpu.memory_space<hbm>>
        %dma_start3A_110 = arith.constant 0 : i32
        %dma_start3A_111 = tpu.memref_slice %arg2[%add3A_61, %dma_start3A_110] : memref<2560x128xi32, #tpu.memory_space<hbm>> -> memref<40x128xi32, #tpu.memory_space<hbm>>
        tpu.enqueue_dma source(%dma_start3A_111 : memref<40x128xi32, #tpu.memory_space<hbm>>) target(%arg7 : memref<40x128xi32, #tpu.memory_space<vmem>>) target_semaphore(%run_scoped3A : memref<!tpu.dma_semaphore, #tpu.memory_space<semaphore_mem>>)
        %dma_wait3A_112 = arith.constant 0 : i32
        %dma_wait3A_113 = tpu.memref_slice %arg2[%add3A_61, %dma_wait3A_112] : memref<2560x128xi32, #tpu.memory_space<hbm>> -> memref<40x128xi32, #tpu.memory_space<hbm>>
        %dma_wait3A_114 = arith.constant 0 : i32
        %dma_wait3A_115 = tpu.memref_slice %arg2[%add3A_61, %dma_wait3A_114] : memref<2560x128xi32, #tpu.memory_space<hbm>> -> memref<40x128xi32, #tpu.memory_space<hbm>>
        tpu.wait_dma2 semaphore(%run_scoped3A : memref<!tpu.dma_semaphore, #tpu.memory_space<semaphore_mem>>) src(%dma_wait3A_115 : memref<40x128xi32, #tpu.memory_space<hbm>>) dst(%arg7 : memref<40x128xi32, #tpu.memory_space<vmem>>)
        tpu.yield
      }) : () -> ()
      "tpu.region"() ({
        %run_scoped3A = tpu.sem_alloc : memref<!tpu.dma_semaphore, #tpu.memory_space<semaphore_mem>>
        %dma_start3A_108 = arith.constant 0 : i32
        %dma_start3A_109 = tpu.memref_slice %arg3[%add3A_61, %dma_start3A_108] : memref<2560x128xi32, #tpu.memory_space<hbm>> -> memref<40x128xi32, #tpu.memory_space<hbm>>
        %dma_start3A_110 = arith.constant 0 : i32
        %dma_start3A_111 = tpu.memref_slice %arg3[%add3A_61, %dma_start3A_110] : memref<2560x128xi32, #tpu.memory_space<hbm>> -> memref<40x128xi32, #tpu.memory_space<hbm>>
        tpu.enqueue_dma source(%dma_start3A_111 : memref<40x128xi32, #tpu.memory_space<hbm>>) target(%arg8 : memref<40x128xi32, #tpu.memory_space<vmem>>) target_semaphore(%run_scoped3A : memref<!tpu.dma_semaphore, #tpu.memory_space<semaphore_mem>>)
        %dma_wait3A_112 = arith.constant 0 : i32
        %dma_wait3A_113 = tpu.memref_slice %arg3[%add3A_61, %dma_wait3A_112] : memref<2560x128xi32, #tpu.memory_space<hbm>> -> memref<40x128xi32, #tpu.memory_space<hbm>>
        %dma_wait3A_114 = arith.constant 0 : i32
        %dma_wait3A_115 = tpu.memref_slice %arg3[%add3A_61, %dma_wait3A_114] : memref<2560x128xi32, #tpu.memory_space<hbm>> -> memref<40x128xi32, #tpu.memory_space<hbm>>
        tpu.wait_dma2 semaphore(%run_scoped3A : memref<!tpu.dma_semaphore, #tpu.memory_space<semaphore_mem>>) src(%dma_wait3A_115 : memref<40x128xi32, #tpu.memory_space<hbm>>) dst(%arg8 : memref<40x128xi32, #tpu.memory_space<vmem>>)
        tpu.yield
      }) : () -> ()
      "tpu.region"() ({
        %run_scoped3A = tpu.sem_alloc : memref<!tpu.dma_semaphore, #tpu.memory_space<semaphore_mem>>
        %dma_start3A_108 = arith.constant 0 : i32
        %dma_start3A_109 = tpu.memref_slice %arg4[%add3A_61, %dma_start3A_108] : memref<2560x128xf32, #tpu.memory_space<hbm>> -> memref<40x128xf32, #tpu.memory_space<hbm>>
        %dma_start3A_110 = arith.constant 0 : i32
        %dma_start3A_111 = tpu.memref_slice %arg4[%add3A_61, %dma_start3A_110] : memref<2560x128xf32, #tpu.memory_space<hbm>> -> memref<40x128xf32, #tpu.memory_space<hbm>>
        tpu.enqueue_dma source(%dma_start3A_111 : memref<40x128xf32, #tpu.memory_space<hbm>>) target(%arg9 : memref<40x128xf32, #tpu.memory_space<vmem>>) target_semaphore(%run_scoped3A : memref<!tpu.dma_semaphore, #tpu.memory_space<semaphore_mem>>)
        %dma_wait3A_112 = arith.constant 0 : i32
        %dma_wait3A_113 = tpu.memref_slice %arg4[%add3A_61, %dma_wait3A_112] : memref<2560x128xf32, #tpu.memory_space<hbm>> -> memref<40x128xf32, #tpu.memory_space<hbm>>
        %dma_wait3A_114 = arith.constant 0 : i32
        %dma_wait3A_115 = tpu.memref_slice %arg4[%add3A_61, %dma_wait3A_114] : memref<2560x128xf32, #tpu.memory_space<hbm>> -> memref<40x128xf32, #tpu.memory_space<hbm>>
        tpu.wait_dma2 semaphore(%run_scoped3A : memref<!tpu.dma_semaphore, #tpu.memory_space<semaphore_mem>>) src(%dma_wait3A_115 : memref<40x128xf32, #tpu.memory_space<hbm>>) dst(%arg9 : memref<40x128xf32, #tpu.memory_space<vmem>>)
        tpu.yield
      }) : () -> ()
      %dma_start3A = arith.constant 0 : i32
      %dma_start3A_62 = arith.constant 0 : i32
      %dma_start3A_63 = arith.constant 0 : i32
      %dma_start3A_64 = tpu.memref_slice %arg10[%dma_start3A_62, %dma_start3A_63] : memref<128x128xf32, #tpu.memory_space<vmem>> -> memref<64x128xf32, #tpu.memory_space<vmem>>
      %dma_start3A_65 = arith.constant 0 : i32
      %dma_start3A_66 = tpu.memref_slice %arg7[%dma_start3A, %dma_start3A_65] : memref<40x128xi32, #tpu.memory_space<vmem>> -> memref<1x64xi32, #tpu.memory_space<vmem>>
      %dma_start3A_67 = tpu.memref_squeeze %dma_start3A_66 : memref<1x64xi32, #tpu.memory_space<vmem>> -> memref<64xi32, #tpu.memory_space<vmem>>
      %dma_start3A_68 = arith.constant 0 : i32
      %dma_start3A_69 = arith.constant 0 : i32
      %dma_start3A_70 = tpu.memref_slice %arg5[%dma_start3A_68, %dma_start3A_69] : memref<10240x128xf32, #tpu.memory_space<hbm>> -> memref<10240x128xf32, #tpu.memory_space<hbm>>
      tpu.enqueue_indirect_dma source(%dma_start3A_70 : memref<10240x128xf32, #tpu.memory_space<hbm>>) target(%dma_start3A_64 : memref<64x128xf32, #tpu.memory_space<vmem>>) offsets(%dma_start3A_67 : memref<64xi32, #tpu.memory_space<vmem>>) semaphore(%arg13 : memref<!tpu.dma_semaphore, #tpu.memory_space<semaphore_mem>>)
      %dma_start3A_71 = arith.constant 0 : i32
      %dma_start3A_72 = arith.constant 64 : i32
      %dma_start3A_73 = arith.constant 0 : i32
      %dma_start3A_74 = tpu.memref_slice %arg10[%dma_start3A_72, %dma_start3A_73] : memref<128x128xf32, #tpu.memory_space<vmem>> -> memref<64x128xf32, #tpu.memory_space<vmem>>
      %dma_start3A_75 = arith.constant 64 : i32
      %dma_start3A_76 = tpu.memref_slice %arg7[%dma_start3A_71, %dma_start3A_75] : memref<40x128xi32, #tpu.memory_space<vmem>> -> memref<1x64xi32, #tpu.memory_space<vmem>>
      %dma_start3A_77 = tpu.memref_squeeze %dma_start3A_76 : memref<1x64xi32, #tpu.memory_space<vmem>> -> memref<64xi32, #tpu.memory_space<vmem>>
      %dma_start3A_78 = arith.constant 0 : i32
      %dma_start3A_79 = arith.constant 0 : i32
      %dma_start3A_80 = tpu.memref_slice %arg5[%dma_start3A_78, %dma_start3A_79] : memref<10240x128xf32, #tpu.memory_space<hbm>> -> memref<10240x128xf32, #tpu.memory_space<hbm>>
      tpu.enqueue_indirect_dma source(%dma_start3A_80 : memref<10240x128xf32, #tpu.memory_space<hbm>>) target(%dma_start3A_74 : memref<64x128xf32, #tpu.memory_space<vmem>>) offsets(%dma_start3A_77 : memref<64xi32, #tpu.memory_space<vmem>>) semaphore(%arg13 : memref<!tpu.dma_semaphore, #tpu.memory_space<semaphore_mem>>)
      %dma_wait3A = arith.constant 0 : i32
      %dma_wait3A_81 = arith.constant 0 : i32
      %dma_wait3A_82 = arith.constant 0 : i32
      %dma_wait3A_83 = tpu.memref_slice %arg10[%dma_wait3A_81, %dma_wait3A_82] : memref<128x128xf32, #tpu.memory_space<vmem>> -> memref<64x128xf32, #tpu.memory_space<vmem>>
      %dma_wait3A_84 = arith.constant 0 : i32
      %dma_wait3A_85 = tpu.memref_slice %arg7[%dma_wait3A, %dma_wait3A_84] : memref<40x128xi32, #tpu.memory_space<vmem>> -> memref<1x64xi32, #tpu.memory_space<vmem>>
      %dma_wait3A_86 = tpu.memref_squeeze %dma_wait3A_85 : memref<1x64xi32, #tpu.memory_space<vmem>> -> memref<64xi32, #tpu.memory_space<vmem>>
      %dma_wait3A_87 = arith.constant 0 : i32
      %dma_wait3A_88 = arith.constant 0 : i32
      %dma_wait3A_89 = tpu.memref_slice %arg5[%dma_wait3A_87, %dma_wait3A_88] : memref<10240x128xf32, #tpu.memory_space<hbm>> -> memref<10240x128xf32, #tpu.memory_space<hbm>>
      tpu.wait_indirect_dma semaphore(%arg13 : memref<!tpu.dma_semaphore, #tpu.memory_space<semaphore_mem>>) src(%dma_wait3A_89 : memref<10240x128xf32, #tpu.memory_space<hbm>>) dst(%dma_wait3A_83 : memref<64x128xf32, #tpu.memory_space<vmem>>)
      %dma_wait3A_90 = arith.constant 0 : i32
      %dma_wait3A_91 = arith.constant 64 : i32
      %dma_wait3A_92 = arith.constant 0 : i32
      %dma_wait3A_93 = tpu.memref_slice %arg10[%dma_wait3A_91, %dma_wait3A_92] : memref<128x128xf32, #tpu.memory_space<vmem>> -> memref<64x128xf32, #tpu.memory_space<vmem>>
      %dma_wait3A_94 = arith.constant 64 : i32
      %dma_wait3A_95 = tpu.memref_slice %arg7[%dma_wait3A_90, %dma_wait3A_94] : memref<40x128xi32, #tpu.memory_space<vmem>> -> memref<1x64xi32, #tpu.memory_space<vmem>>
      %dma_wait3A_96 = tpu.memref_squeeze %dma_wait3A_95 : memref<1x64xi32, #tpu.memory_space<vmem>> -> memref<64xi32, #tpu.memory_space<vmem>>
      %dma_wait3A_97 = arith.constant 0 : i32
      %dma_wait3A_98 = arith.constant 0 : i32
      %dma_wait3A_99 = tpu.memref_slice %arg5[%dma_wait3A_97, %dma_wait3A_98] : memref<10240x128xf32, #tpu.memory_space<hbm>> -> memref<10240x128xf32, #tpu.memory_space<hbm>>
      tpu.wait_indirect_dma semaphore(%arg13 : memref<!tpu.dma_semaphore, #tpu.memory_space<semaphore_mem>>) src(%dma_wait3A_99 : memref<10240x128xf32, #tpu.memory_space<hbm>>) dst(%dma_wait3A_93 : memref<64x128xf32, #tpu.memory_space<vmem>>)
      %scan3A_100 = arith.constant 0 : i32
      %scan3A_101 = arith.constant 0 : i32
      %scan3A_102 = arith.constant 20 : i32
      %scan3A_103 = arith.addi %scan3A_101, %scan3A_102 : i32
      %scan3A_104 = arith.constant 1 : i32
      %scan3A_105 = scf.for %scan3A_108 = %scan3A_101 to %scan3A_103 step %scan3A_104 iter_args(%scan3A_109 = %scan3A_100) -> (i32)  : i32 {
        %mul3A_110 = arith.constant 2 : i32
        %mul3A_111 = arith.muli %mul3A_110, %scan3A_108 : i32
        %add3A_112 = arith.constant 1 : i32
        %add3A_113 = arith.addi %mul3A_111, %add3A_112 : i32
        %dma_start3A_114 = arith.constant 0 : i32
        %dma_start3A_115 = arith.constant 0 : i32
        %dma_start3A_116 = tpu.memref_slice %arg11[%dma_start3A_114, %dma_start3A_115] : memref<128x128xf32, #tpu.memory_space<vmem>> -> memref<64x128xf32, #tpu.memory_space<vmem>>
        %dma_start3A_117 = arith.constant 0 : i32
        %dma_start3A_118 = tpu.memref_slice %arg7[%add3A_113, %dma_start3A_117] : memref<40x128xi32, #tpu.memory_space<vmem>> -> memref<1x64xi32, #tpu.memory_space<vmem>>
        %dma_start3A_119 = tpu.memref_squeeze %dma_start3A_118 : memref<1x64xi32, #tpu.memory_space<vmem>> -> memref<64xi32, #tpu.memory_space<vmem>>
        %dma_start3A_120 = arith.constant 0 : i32
        %dma_start3A_121 = arith.constant 0 : i32
        %dma_start3A_122 = tpu.memref_slice %arg5[%dma_start3A_120, %dma_start3A_121] : memref<10240x128xf32, #tpu.memory_space<hbm>> -> memref<10240x128xf32, #tpu.memory_space<hbm>>
        tpu.enqueue_indirect_dma source(%dma_start3A_122 : memref<10240x128xf32, #tpu.memory_space<hbm>>) target(%dma_start3A_116 : memref<64x128xf32, #tpu.memory_space<vmem>>) offsets(%dma_start3A_119 : memref<64xi32, #tpu.memory_space<vmem>>) semaphore(%arg13 : memref<!tpu.dma_semaphore, #tpu.memory_space<semaphore_mem>>)
        %dma_start3A_123 = arith.constant 64 : i32
        %dma_start3A_124 = arith.constant 0 : i32
        %dma_start3A_125 = tpu.memref_slice %arg11[%dma_start3A_123, %dma_start3A_124] : memref<128x128xf32, #tpu.memory_space<vmem>> -> memref<64x128xf32, #tpu.memory_space<vmem>>
        %dma_start3A_126 = arith.constant 64 : i32
        %dma_start3A_127 = tpu.memref_slice %arg7[%add3A_113, %dma_start3A_126] : memref<40x128xi32, #tpu.memory_space<vmem>> -> memref<1x64xi32, #tpu.memory_space<vmem>>
        %dma_start3A_128 = tpu.memref_squeeze %dma_start3A_127 : memref<1x64xi32, #tpu.memory_space<vmem>> -> memref<64xi32, #tpu.memory_space<vmem>>
        %dma_start3A_129 = arith.constant 0 : i32
        %dma_start3A_130 = arith.constant 0 : i32
        %dma_start3A_131 = tpu.memref_slice %arg5[%dma_start3A_129, %dma_start3A_130] : memref<10240x128xf32, #tpu.memory_space<hbm>> -> memref<10240x128xf32, #tpu.memory_space<hbm>>
        tpu.enqueue_indirect_dma source(%dma_start3A_131 : memref<10240x128xf32, #tpu.memory_space<hbm>>) target(%dma_start3A_125 : memref<64x128xf32, #tpu.memory_space<vmem>>) offsets(%dma_start3A_128 : memref<64xi32, #tpu.memory_space<vmem>>) semaphore(%arg13 : memref<!tpu.dma_semaphore, #tpu.memory_space<semaphore_mem>>)
        %scan3A_132 = arith.constant 0 : i32
        %scan3A_133 = arith.constant 0 : i32
        %scan3A_134 = arith.constant 32 : i32
        %scan3A_135 = arith.addi %scan3A_133, %scan3A_134 : i32
        %scan3A_136 = arith.constant 1 : i32
        %scan3A_137 = scf.for %scan3A_206 = %scan3A_133 to %scan3A_135 step %scan3A_136 iter_args(%scan3A_207 = %scan3A_132) -> (i32)  : i32 {
          %mul3A_208 = arith.constant 4 : i32
          %mul3A_209 = arith.muli %scan3A_206, %mul3A_208 : i32
          %add3A_210 = arith.constant 0 : i32
          %add3A_211 = arith.addi %mul3A_209, %add3A_210 : i32
          %add3A_212 = vector.broadcast %mul3A_111 : i32 to vector<16xi32>
          %add3A_213 = arith.addi %broadcast_in_dim3A_3, %add3A_212 : vector<16xi32>
          %add3A_214 = vector.broadcast %add3A_211 : i32 to vector<16xi32>
          %add3A_215 = arith.addi %broadcast_in_dim3A_3, %add3A_214 : vector<16xi32>
          %gather3A = tpu.vector_load_idx %arg9[%add3A_213, %add3A_215] : memref<40x128xf32, #tpu.memory_space<vmem>>[vector<16xi32>, vector<16xi32>], vector<16xf32>,
          %get3A = arith.index_cast %add3A_211 : i32 to index
          %get3A_216 = arith.constant 0 : index
          %get3A_217 = tpu.vector_load %arg10[%get3A, %get3A_216] {strides = array<i32>} : memref<128x128xf32, #tpu.memory_space<vmem>>, vector<16xf32>,
          %mul3A_218 = arith.mulf %get3A_217, %gather3A : vector<16xf32>
          %swap3A = arith.index_cast %add3A_211 : i32 to index
          %swap3A_219 = arith.constant 0 : index
          %swap3A_220 = tpu.vector_load %arg10[%swap3A, %swap3A_219] {strides = array<i32>} : memref<128x128xf32, #tpu.memory_space<vmem>>, vector<16xf32>,
          tpu.vector_store %arg10[%swap3A, %swap3A_219], %mul3A_218 {strides = array<i32>} : memref<128x128xf32, #tpu.memory_space<vmem>>, vector<16xf32>,
          %get3A_221 = arith.index_cast %add3A_211 : i32 to index
          %get3A_222 = arith.constant 16 : index
          %get3A_223 = tpu.vector_load %arg10[%get3A_221, %get3A_222] {strides = array<i32>} : memref<128x128xf32, #tpu.memory_space<vmem>>, vector<16xf32>,
          %mul3A_224 = arith.mulf %get3A_223, %gather3A : vector<16xf32>
          %swap3A_225 = arith.index_cast %add3A_211 : i32 to index
          %swap3A_226 = arith.constant 16 : index
          %swap3A_227 = tpu.vector_load %arg10[%swap3A_225, %swap3A_226] {strides = array<i32>} : memref<128x128xf32, #tpu.memory_space<vmem>>, vector<16xf32>,
          tpu.vector_store %arg10[%swap3A_225, %swap3A_226], %mul3A_224 {strides = array<i32>} : memref<128x128xf32, #tpu.memory_space<vmem>>, vector<16xf32>,
          %get3A_228 = arith.index_cast %add3A_211 : i32 to index
          %get3A_229 = arith.constant 32 : index
          %get3A_230 = tpu.vector_load %arg10[%get3A_228, %get3A_229] {strides = array<i32>} : memref<128x128xf32, #tpu.memory_space<vmem>>, vector<16xf32>,
          %mul3A_231 = arith.mulf %get3A_230, %gather3A : vector<16xf32>
          %swap3A_232 = arith.index_cast %add3A_211 : i32 to index
          %swap3A_233 = arith.constant 32 : index
          %swap3A_234 = tpu.vector_load %arg10[%swap3A_232, %swap3A_233] {strides = array<i32>} : memref<128x128xf32, #tpu.memory_space<vmem>>, vector<16xf32>,
          tpu.vector_store %arg10[%swap3A_232, %swap3A_233], %mul3A_231 {strides = array<i32>} : memref<128x128xf32, #tpu.memory_space<vmem>>, vector<16xf32>,
          %get3A_235 = arith.index_cast %add3A_211 : i32 to index
          %get3A_236 = arith.constant 48 : index
          %get3A_237 = tpu.vector_load %arg10[%get3A_235, %get3A_236] {strides = array<i32>} : memref<128x128xf32, #tpu.memory_space<vmem>>, vector<16xf32>,
          %mul3A_238 = arith.mulf %get3A_237, %gather3A : vector<16xf32>
          %swap3A_239 = arith.index_cast %add3A_211 : i32 to index
          %swap3A_240 = arith.constant 48 : index
          %swap3A_241 = tpu.vector_load %arg10[%swap3A_239, %swap3A_240] {strides = array<i32>} : memref<128x128xf32, #tpu.memory_space<vmem>>, vector<16xf32>,
          tpu.vector_store %arg10[%swap3A_239, %swap3A_240], %mul3A_238 {strides = array<i32>} : memref<128x128xf32, #tpu.memory_space<vmem>>, vector<16xf32>,
          %get3A_242 = arith.index_cast %add3A_211 : i32 to index
          %get3A_243 = arith.constant 64 : index
          %get3A_244 = tpu.vector_load %arg10[%get3A_242, %get3A_243] {strides = array<i32>} : memref<128x128xf32, #tpu.memory_space<vmem>>, vector<16xf32>,
          %mul3A_245 = arith.mulf %get3A_244, %gather3A : vector<16xf32>
          %swap3A_246 = arith.index_cast %add3A_211 : i32 to index
          %swap3A_247 = arith.constant 64 : index
          %swap3A_248 = tpu.vector_load %arg10[%swap3A_246, %swap3A_247] {strides = array<i32>} : memref<128x128xf32, #tpu.memory_space<vmem>>, vector<16xf32>,
          tpu.vector_store %arg10[%swap3A_246, %swap3A_247], %mul3A_245 {strides = array<i32>} : memref<128x128xf32, #tpu.memory_space<vmem>>, vector<16xf32>,
          %get3A_249 = arith.index_cast %add3A_211 : i32 to index
          %get3A_250 = arith.constant 80 : index
          %get3A_251 = tpu.vector_load %arg10[%get3A_249, %get3A_250] {strides = array<i32>} : memref<128x128xf32, #tpu.memory_space<vmem>>, vector<16xf32>,
          %mul3A_252 = arith.mulf %get3A_251, %gather3A : vector<16xf32>
          %swap3A_253 = arith.index_cast %add3A_211 : i32 to index
          %swap3A_254 = arith.constant 80 : index
          %swap3A_255 = tpu.vector_load %arg10[%swap3A_253, %swap3A_254] {strides = array<i32>} : memref<128x128xf32, #tpu.memory_space<vmem>>, vector<16xf32>,
          tpu.vector_store %arg10[%swap3A_253, %swap3A_254], %mul3A_252 {strides = array<i32>} : memref<128x128xf32, #tpu.memory_space<vmem>>, vector<16xf32>,
          %get3A_256 = arith.index_cast %add3A_211 : i32 to index
          %get3A_257 = arith.constant 96 : index
          %get3A_258 = tpu.vector_load %arg10[%get3A_256, %get3A_257] {strides = array<i32>} : memref<128x128xf32, #tpu.memory_space<vmem>>, vector<16xf32>,
          %mul3A_259 = arith.mulf %get3A_258, %gather3A : vector<16xf32>
          %swap3A_260 = arith.index_cast %add3A_211 : i32 to index
          %swap3A_261 = arith.constant 96 : index
          %swap3A_262 = tpu.vector_load %arg10[%swap3A_260, %swap3A_261] {strides = array<i32>} : memref<128x128xf32, #tpu.memory_space<vmem>>, vector<16xf32>,
          tpu.vector_store %arg10[%swap3A_260, %swap3A_261], %mul3A_259 {strides = array<i32>} : memref<128x128xf32, #tpu.memory_space<vmem>>, vector<16xf32>,
          %get3A_263 = arith.index_cast %add3A_211 : i32 to index
          %get3A_264 = arith.constant 112 : index
          %get3A_265 = tpu.vector_load %arg10[%get3A_263, %get3A_264] {strides = array<i32>} : memref<128x128xf32, #tpu.memory_space<vmem>>, vector<16xf32>,
          %mul3A_266 = arith.mulf %get3A_265, %gather3A : vector<16xf32>
          %swap3A_267 = arith.index_cast %add3A_211 : i32 to index
          %swap3A_268 = arith.constant 112 : index
          %swap3A_269 = tpu.vector_load %arg10[%swap3A_267, %swap3A_268] {strides = array<i32>} : memref<128x128xf32, #tpu.memory_space<vmem>>, vector<16xf32>,
          tpu.vector_store %arg10[%swap3A_267, %swap3A_268], %mul3A_266 {strides = array<i32>} : memref<128x128xf32, #tpu.memory_space<vmem>>, vector<16xf32>,
          %mul3A_270 = arith.constant 4 : i32
          %mul3A_271 = arith.muli %scan3A_206, %mul3A_270 : i32
          %add3A_272 = arith.constant 1 : i32
          %add3A_273 = arith.addi %mul3A_271, %add3A_272 : i32
          %add3A_274 = vector.broadcast %mul3A_111 : i32 to vector<16xi32>
          %add3A_275 = arith.addi %broadcast_in_dim3A_3, %add3A_274 : vector<16xi32>
          %add3A_276 = vector.broadcast %add3A_273 : i32 to vector<16xi32>
          %add3A_277 = arith.addi %broadcast_in_dim3A_3, %add3A_276 : vector<16xi32>
          %gather3A_278 = tpu.vector_load_idx %arg9[%add3A_275, %add3A_277] : memref<40x128xf32, #tpu.memory_space<vmem>>[vector<16xi32>, vector<16xi32>], vector<16xf32>,
          %get3A_279 = arith.index_cast %add3A_273 : i32 to index
          %get3A_280 = arith.constant 0 : index
          %get3A_281 = tpu.vector_load %arg10[%get3A_279, %get3A_280] {strides = array<i32>} : memref<128x128xf32, #tpu.memory_space<vmem>>, vector<16xf32>,
          %mul3A_282 = arith.mulf %get3A_281, %gather3A_278 : vector<16xf32>
          %swap3A_283 = arith.index_cast %add3A_273 : i32 to index
          %swap3A_284 = arith.constant 0 : index
          %swap3A_285 = tpu.vector_load %arg10[%swap3A_283, %swap3A_284] {strides = array<i32>} : memref<128x128xf32, #tpu.memory_space<vmem>>, vector<16xf32>,
          tpu.vector_store %arg10[%swap3A_283, %swap3A_284], %mul3A_282 {strides = array<i32>} : memref<128x128xf32, #tpu.memory_space<vmem>>, vector<16xf32>,
          %get3A_286 = arith.index_cast %add3A_273 : i32 to index
          %get3A_287 = arith.constant 16 : index
          %get3A_288 = tpu.vector_load %arg10[%get3A_286, %get3A_287] {strides = array<i32>} : memref<128x128xf32, #tpu.memory_space<vmem>>, vector<16xf32>,
          %mul3A_289 = arith.mulf %get3A_288, %gather3A_278 : vector<16xf32>
          %swap3A_290 = arith.index_cast %add3A_273 : i32 to index
          %swap3A_291 = arith.constant 16 : index
          %swap3A_292 = tpu.vector_load %arg10[%swap3A_290, %swap3A_291] {strides = array<i32>} : memref<128x128xf32, #tpu.memory_space<vmem>>, vector<16xf32>,
          tpu.vector_store %arg10[%swap3A_290, %swap3A_291], %mul3A_289 {strides = array<i32>} : memref<128x128xf32, #tpu.memory_space<vmem>>, vector<16xf32>,
          %get3A_293 = arith.index_cast %add3A_273 : i32 to index
          %get3A_294 = arith.constant 32 : index
          %get3A_295 = tpu.vector_load %arg10[%get3A_293, %get3A_294] {strides = array<i32>} : memref<128x128xf32, #tpu.memory_space<vmem>>, vector<16xf32>,
          %mul3A_296 = arith.mulf %get3A_295, %gather3A_278 : vector<16xf32>
          %swap3A_297 = arith.index_cast %add3A_273 : i32 to index
          %swap3A_298 = arith.constant 32 : index
          %swap3A_299 = tpu.vector_load %arg10[%swap3A_297, %swap3A_298] {strides = array<i32>} : memref<128x128xf32, #tpu.memory_space<vmem>>, vector<16xf32>,
          tpu.vector_store %arg10[%swap3A_297, %swap3A_298], %mul3A_296 {strides = array<i32>} : memref<128x128xf32, #tpu.memory_space<vmem>>, vector<16xf32>,
          %get3A_300 = arith.index_cast %add3A_273 : i32 to index
          %get3A_301 = arith.constant 48 : index
          %get3A_302 = tpu.vector_load %arg10[%get3A_300, %get3A_301] {strides = array<i32>} : memref<128x128xf32, #tpu.memory_space<vmem>>, vector<16xf32>,
          %mul3A_303 = arith.mulf %get3A_302, %gather3A_278 : vector<16xf32>
          %swap3A_304 = arith.index_cast %add3A_273 : i32 to index
          %swap3A_305 = arith.constant 48 : index
          %swap3A_306 = tpu.vector_load %arg10[%swap3A_304, %swap3A_305] {strides = array<i32>} : memref<128x128xf32, #tpu.memory_space<vmem>>, vector<16xf32>,
          tpu.vector_store %arg10[%swap3A_304, %swap3A_305], %mul3A_303 {strides = array<i32>} : memref<128x128xf32, #tpu.memory_space<vmem>>, vector<16xf32>,
          %get3A_307 = arith.index_cast %add3A_273 : i32 to index
          %get3A_308 = arith.constant 64 : index
          %get3A_309 = tpu.vector_load %arg10[%get3A_307, %get3A_308] {strides = array<i32>} : memref<128x128xf32, #tpu.memory_space<vmem>>, vector<16xf32>,
          %mul3A_310 = arith.mulf %get3A_309, %gather3A_278 : vector<16xf32>
          %swap3A_311 = arith.index_cast %add3A_273 : i32 to index
          %swap3A_312 = arith.constant 64 : index
          %swap3A_313 = tpu.vector_load %arg10[%swap3A_311, %swap3A_312] {strides = array<i32>} : memref<128x128xf32, #tpu.memory_space<vmem>>, vector<16xf32>,
          tpu.vector_store %arg10[%swap3A_311, %swap3A_312], %mul3A_310 {strides = array<i32>} : memref<128x128xf32, #tpu.memory_space<vmem>>, vector<16xf32>,
          %get3A_314 = arith.index_cast %add3A_273 : i32 to index
          %get3A_315 = arith.constant 80 : index
          %get3A_316 = tpu.vector_load %arg10[%get3A_314, %get3A_315] {strides = array<i32>} : memref<128x128xf32, #tpu.memory_space<vmem>>, vector<16xf32>,
          %mul3A_317 = arith.mulf %get3A_316, %gather3A_278 : vector<16xf32>
          %swap3A_318 = arith.index_cast %add3A_273 : i32 to index
          %swap3A_319 = arith.constant 80 : index
          %swap3A_320 = tpu.vector_load %arg10[%swap3A_318, %swap3A_319] {strides = array<i32>} : memref<128x128xf32, #tpu.memory_space<vmem>>, vector<16xf32>,
          tpu.vector_store %arg10[%swap3A_318, %swap3A_319], %mul3A_317 {strides = array<i32>} : memref<128x128xf32, #tpu.memory_space<vmem>>, vector<16xf32>,
          %get3A_321 = arith.index_cast %add3A_273 : i32 to index
          %get3A_322 = arith.constant 96 : index
          %get3A_323 = tpu.vector_load %arg10[%get3A_321, %get3A_322] {strides = array<i32>} : memref<128x128xf32, #tpu.memory_space<vmem>>, vector<16xf32>,
          %mul3A_324 = arith.mulf %get3A_323, %gather3A_278 : vector<16xf32>
          %swap3A_325 = arith.index_cast %add3A_273 : i32 to index
          %swap3A_326 = arith.constant 96 : index
          %swap3A_327 = tpu.vector_load %arg10[%swap3A_325, %swap3A_326] {strides = array<i32>} : memref<128x128xf32, #tpu.memory_space<vmem>>, vector<16xf32>,
          tpu.vector_store %arg10[%swap3A_325, %swap3A_326], %mul3A_324 {strides = array<i32>} : memref<128x128xf32, #tpu.memory_space<vmem>>, vector<16xf32>,
          %get3A_328 = arith.index_cast %add3A_273 : i32 to index
          %get3A_329 = arith.constant 112 : index
          %get3A_330 = tpu.vector_load %arg10[%get3A_328, %get3A_329] {strides = array<i32>} : memref<128x128xf32, #tpu.memory_space<vmem>>, vector<16xf32>,
          %mul3A_331 = arith.mulf %get3A_330, %gather3A_278 : vector<16xf32>
          %swap3A_332 = arith.index_cast %add3A_273 : i32 to index
          %swap3A_333 = arith.constant 112 : index
          %swap3A_334 = tpu.vector_load %arg10[%swap3A_332, %swap3A_333] {strides = array<i32>} : memref<128x128xf32, #tpu.memory_space<vmem>>, vector<16xf32>,
          tpu.vector_store %arg10[%swap3A_332, %swap3A_333], %mul3A_331 {strides = array<i32>} : memref<128x128xf32, #tpu.memory_space<vmem>>, vector<16xf32>,
          %mul3A_335 = arith.constant 4 : i32
          %mul3A_336 = arith.muli %scan3A_206, %mul3A_335 : i32
          %add3A_337 = arith.constant 2 : i32
          %add3A_338 = arith.addi %mul3A_336, %add3A_337 : i32
          %add3A_339 = vector.broadcast %mul3A_111 : i32 to vector<16xi32>
          %add3A_340 = arith.addi %broadcast_in_dim3A_3, %add3A_339 : vector<16xi32>
          %add3A_341 = vector.broadcast %add3A_338 : i32 to vector<16xi32>
          %add3A_342 = arith.addi %broadcast_in_dim3A_3, %add3A_341 : vector<16xi32>
          %gather3A_343 = tpu.vector_load_idx %arg9[%add3A_340, %add3A_342] : memref<40x128xf32, #tpu.memory_space<vmem>>[vector<16xi32>, vector<16xi32>], vector<16xf32>,
          %get3A_344 = arith.index_cast %add3A_338 : i32 to index
          %get3A_345 = arith.constant 0 : index
          %get3A_346 = tpu.vector_load %arg10[%get3A_344, %get3A_345] {strides = array<i32>} : memref<128x128xf32, #tpu.memory_space<vmem>>, vector<16xf32>,
          %mul3A_347 = arith.mulf %get3A_346, %gather3A_343 : vector<16xf32>
          %swap3A_348 = arith.index_cast %add3A_338 : i32 to index
          %swap3A_349 = arith.constant 0 : index
          %swap3A_350 = tpu.vector_load %arg10[%swap3A_348, %swap3A_349] {strides = array<i32>} : memref<128x128xf32, #tpu.memory_space<vmem>>, vector<16xf32>,
          tpu.vector_store %arg10[%swap3A_348, %swap3A_349], %mul3A_347 {strides = array<i32>} : memref<128x128xf32, #tpu.memory_space<vmem>>, vector<16xf32>,
          %get3A_351 = arith.index_cast %add3A_338 : i32 to index
          %get3A_352 = arith.constant 16 : index
          %get3A_353 = tpu.vector_load %arg10[%get3A_351, %get3A_352] {strides = array<i32>} : memref<128x128xf32, #tpu.memory_space<vmem>>, vector<16xf32>,
          %mul3A_354 = arith.mulf %get3A_353, %gather3A_343 : vector<16xf32>
          %swap3A_355 = arith.index_cast %add3A_338 : i32 to index
          %swap3A_356 = arith.constant 16 : index
          %swap3A_357 = tpu.vector_load %arg10[%swap3A_355, %swap3A_356] {strides = array<i32>} : memref<128x128xf32, #tpu.memory_space<vmem>>, vector<16xf32>,
          tpu.vector_store %arg10[%swap3A_355, %swap3A_356], %mul3A_354 {strides = array<i32>} : memref<128x128xf32, #tpu.memory_space<vmem>>, vector<16xf32>,
          %get3A_358 = arith.index_cast %add3A_338 : i32 to index
          %get3A_359 = arith.constant 32 : index
          %get3A_360 = tpu.vector_load %arg10[%get3A_358, %get3A_359] {strides = array<i32>} : memref<128x128xf32, #tpu.memory_space<vmem>>, vector<16xf32>,
          %mul3A_361 = arith.mulf %get3A_360, %gather3A_343 : vector<16xf32>
          %swap3A_362 = arith.index_cast %add3A_338 : i32 to index
          %swap3A_363 = arith.constant 32 : index
          %swap3A_364 = tpu.vector_load %arg10[%swap3A_362, %swap3A_363] {strides = array<i32>} : memref<128x128xf32, #tpu.memory_space<vmem>>, vector<16xf32>,
          tpu.vector_store %arg10[%swap3A_362, %swap3A_363], %mul3A_361 {strides = array<i32>} : memref<128x128xf32, #tpu.memory_space<vmem>>, vector<16xf32>,
          %get3A_365 = arith.index_cast %add3A_338 : i32 to index
          %get3A_366 = arith.constant 48 : index
          %get3A_367 = tpu.vector_load %arg10[%get3A_365, %get3A_366] {strides = array<i32>} : memref<128x128xf32, #tpu.memory_space<vmem>>, vector<16xf32>,
          %mul3A_368 = arith.mulf %get3A_367, %gather3A_343 : vector<16xf32>
          %swap3A_369 = arith.index_cast %add3A_338 : i32 to index
          %swap3A_370 = arith.constant 48 : index
          %swap3A_371 = tpu.vector_load %arg10[%swap3A_369, %swap3A_370] {strides = array<i32>} : memref<128x128xf32, #tpu.memory_space<vmem>>, vector<16xf32>,
          tpu.vector_store %arg10[%swap3A_369, %swap3A_370], %mul3A_368 {strides = array<i32>} : memref<128x128xf32, #tpu.memory_space<vmem>>, vector<16xf32>,
          %get3A_372 = arith.index_cast %add3A_338 : i32 to index
          %get3A_373 = arith.constant 64 : index
          %get3A_374 = tpu.vector_load %arg10[%get3A_372, %get3A_373] {strides = array<i32>} : memref<128x128xf32, #tpu.memory_space<vmem>>, vector<16xf32>,
          %mul3A_375 = arith.mulf %get3A_374, %gather3A_343 : vector<16xf32>
          %swap3A_376 = arith.index_cast %add3A_338 : i32 to index
          %swap3A_377 = arith.constant 64 : index
          %swap3A_378 = tpu.vector_load %arg10[%swap3A_376, %swap3A_377] {strides = array<i32>} : memref<128x128xf32, #tpu.memory_space<vmem>>, vector<16xf32>,
          tpu.vector_store %arg10[%swap3A_376, %swap3A_377], %mul3A_375 {strides = array<i32>} : memref<128x128xf32, #tpu.memory_space<vmem>>, vector<16xf32>,
          %get3A_379 = arith.index_cast %add3A_338 : i32 to index
          %get3A_380 = arith.constant 80 : index
          %get3A_381 = tpu.vector_load %arg10[%get3A_379, %get3A_380] {strides = array<i32>} : memref<128x128xf32, #tpu.memory_space<vmem>>, vector<16xf32>,
          %mul3A_382 = arith.mulf %get3A_381, %gather3A_343 : vector<16xf32>
          %swap3A_383 = arith.index_cast %add3A_338 : i32 to index
          %swap3A_384 = arith.constant 80 : index
          %swap3A_385 = tpu.vector_load %arg10[%swap3A_383, %swap3A_384] {strides = array<i32>} : memref<128x128xf32, #tpu.memory_space<vmem>>, vector<16xf32>,
          tpu.vector_store %arg10[%swap3A_383, %swap3A_384], %mul3A_382 {strides = array<i32>} : memref<128x128xf32, #tpu.memory_space<vmem>>, vector<16xf32>,
          %get3A_386 = arith.index_cast %add3A_338 : i32 to index
          %get3A_387 = arith.constant 96 : index
          %get3A_388 = tpu.vector_load %arg10[%get3A_386, %get3A_387] {strides = array<i32>} : memref<128x128xf32, #tpu.memory_space<vmem>>, vector<16xf32>,
          %mul3A_389 = arith.mulf %get3A_388, %gather3A_343 : vector<16xf32>
          %swap3A_390 = arith.index_cast %add3A_338 : i32 to index
          %swap3A_391 = arith.constant 96 : index
          %swap3A_392 = tpu.vector_load %arg10[%swap3A_390, %swap3A_391] {strides = array<i32>} : memref<128x128xf32, #tpu.memory_space<vmem>>, vector<16xf32>,
          tpu.vector_store %arg10[%swap3A_390, %swap3A_391], %mul3A_389 {strides = array<i32>} : memref<128x128xf32, #tpu.memory_space<vmem>>, vector<16xf32>,
          %get3A_393 = arith.index_cast %add3A_338 : i32 to index
          %get3A_394 = arith.constant 112 : index
          %get3A_395 = tpu.vector_load %arg10[%get3A_393, %get3A_394] {strides = array<i32>} : memref<128x128xf32, #tpu.memory_space<vmem>>, vector<16xf32>,
          %mul3A_396 = arith.mulf %get3A_395, %gather3A_343 : vector<16xf32>
          %swap3A_397 = arith.index_cast %add3A_338 : i32 to index
          %swap3A_398 = arith.constant 112 : index
          %swap3A_399 = tpu.vector_load %arg10[%swap3A_397, %swap3A_398] {strides = array<i32>} : memref<128x128xf32, #tpu.memory_space<vmem>>, vector<16xf32>,
          tpu.vector_store %arg10[%swap3A_397, %swap3A_398], %mul3A_396 {strides = array<i32>} : memref<128x128xf32, #tpu.memory_space<vmem>>, vector<16xf32>,
          %mul3A_400 = arith.constant 4 : i32
          %mul3A_401 = arith.muli %scan3A_206, %mul3A_400 : i32
          %add3A_402 = arith.constant 3 : i32
          %add3A_403 = arith.addi %mul3A_401, %add3A_402 : i32
          %add3A_404 = vector.broadcast %mul3A_111 : i32 to vector<16xi32>
          %add3A_405 = arith.addi %broadcast_in_dim3A_3, %add3A_404 : vector<16xi32>
          %add3A_406 = vector.broadcast %add3A_403 : i32 to vector<16xi32>
          %add3A_407 = arith.addi %broadcast_in_dim3A_3, %add3A_406 : vector<16xi32>
          %gather3A_408 = tpu.vector_load_idx %arg9[%add3A_405, %add3A_407] : memref<40x128xf32, #tpu.memory_space<vmem>>[vector<16xi32>, vector<16xi32>], vector<16xf32>,
          %get3A_409 = arith.index_cast %add3A_403 : i32 to index
          %get3A_410 = arith.constant 0 : index
          %get3A_411 = tpu.vector_load %arg10[%get3A_409, %get3A_410] {strides = array<i32>} : memref<128x128xf32, #tpu.memory_space<vmem>>, vector<16xf32>,
          %mul3A_412 = arith.mulf %get3A_411, %gather3A_408 : vector<16xf32>
          %swap3A_413 = arith.index_cast %add3A_403 : i32 to index
          %swap3A_414 = arith.constant 0 : index
          %swap3A_415 = tpu.vector_load %arg10[%swap3A_413, %swap3A_414] {strides = array<i32>} : memref<128x128xf32, #tpu.memory_space<vmem>>, vector<16xf32>,
          tpu.vector_store %arg10[%swap3A_413, %swap3A_414], %mul3A_412 {strides = array<i32>} : memref<128x128xf32, #tpu.memory_space<vmem>>, vector<16xf32>,
          %get3A_416 = arith.index_cast %add3A_403 : i32 to index
          %get3A_417 = arith.constant 16 : index
          %get3A_418 = tpu.vector_load %arg10[%get3A_416, %get3A_417] {strides = array<i32>} : memref<128x128xf32, #tpu.memory_space<vmem>>, vector<16xf32>,
          %mul3A_419 = arith.mulf %get3A_418, %gather3A_408 : vector<16xf32>
          %swap3A_420 = arith.index_cast %add3A_403 : i32 to index
          %swap3A_421 = arith.constant 16 : index
          %swap3A_422 = tpu.vector_load %arg10[%swap3A_420, %swap3A_421] {strides = array<i32>} : memref<128x128xf32, #tpu.memory_space<vmem>>, vector<16xf32>,
          tpu.vector_store %arg10[%swap3A_420, %swap3A_421], %mul3A_419 {strides = array<i32>} : memref<128x128xf32, #tpu.memory_space<vmem>>, vector<16xf32>,
          %get3A_423 = arith.index_cast %add3A_403 : i32 to index
          %get3A_424 = arith.constant 32 : index
          %get3A_425 = tpu.vector_load %arg10[%get3A_423, %get3A_424] {strides = array<i32>} : memref<128x128xf32, #tpu.memory_space<vmem>>, vector<16xf32>,
          %mul3A_426 = arith.mulf %get3A_425, %gather3A_408 : vector<16xf32>
          %swap3A_427 = arith.index_cast %add3A_403 : i32 to index
          %swap3A_428 = arith.constant 32 : index
          %swap3A_429 = tpu.vector_load %arg10[%swap3A_427, %swap3A_428] {strides = array<i32>} : memref<128x128xf32, #tpu.memory_space<vmem>>, vector<16xf32>,
          tpu.vector_store %arg10[%swap3A_427, %swap3A_428], %mul3A_426 {strides = array<i32>} : memref<128x128xf32, #tpu.memory_space<vmem>>, vector<16xf32>,
          %get3A_430 = arith.index_cast %add3A_403 : i32 to index
          %get3A_431 = arith.constant 48 : index
          %get3A_432 = tpu.vector_load %arg10[%get3A_430, %get3A_431] {strides = array<i32>} : memref<128x128xf32, #tpu.memory_space<vmem>>, vector<16xf32>,
          %mul3A_433 = arith.mulf %get3A_432, %gather3A_408 : vector<16xf32>
          %swap3A_434 = arith.index_cast %add3A_403 : i32 to index
          %swap3A_435 = arith.constant 48 : index
          %swap3A_436 = tpu.vector_load %arg10[%swap3A_434, %swap3A_435] {strides = array<i32>} : memref<128x128xf32, #tpu.memory_space<vmem>>, vector<16xf32>,
          tpu.vector_store %arg10[%swap3A_434, %swap3A_435], %mul3A_433 {strides = array<i32>} : memref<128x128xf32, #tpu.memory_space<vmem>>, vector<16xf32>,
          %get3A_437 = arith.index_cast %add3A_403 : i32 to index
          %get3A_438 = arith.constant 64 : index
          %get3A_439 = tpu.vector_load %arg10[%get3A_437, %get3A_438] {strides = array<i32>} : memref<128x128xf32, #tpu.memory_space<vmem>>, vector<16xf32>,
          %mul3A_440 = arith.mulf %get3A_439, %gather3A_408 : vector<16xf32>
          %swap3A_441 = arith.index_cast %add3A_403 : i32 to index
          %swap3A_442 = arith.constant 64 : index
          %swap3A_443 = tpu.vector_load %arg10[%swap3A_441, %swap3A_442] {strides = array<i32>} : memref<128x128xf32, #tpu.memory_space<vmem>>, vector<16xf32>,
          tpu.vector_store %arg10[%swap3A_441, %swap3A_442], %mul3A_440 {strides = array<i32>} : memref<128x128xf32, #tpu.memory_space<vmem>>, vector<16xf32>,
          %get3A_444 = arith.index_cast %add3A_403 : i32 to index
          %get3A_445 = arith.constant 80 : index
          %get3A_446 = tpu.vector_load %arg10[%get3A_444, %get3A_445] {strides = array<i32>} : memref<128x128xf32, #tpu.memory_space<vmem>>, vector<16xf32>,
          %mul3A_447 = arith.mulf %get3A_446, %gather3A_408 : vector<16xf32>
          %swap3A_448 = arith.index_cast %add3A_403 : i32 to index
          %swap3A_449 = arith.constant 80 : index
          %swap3A_450 = tpu.vector_load %arg10[%swap3A_448, %swap3A_449] {strides = array<i32>} : memref<128x128xf32, #tpu.memory_space<vmem>>, vector<16xf32>,
          tpu.vector_store %arg10[%swap3A_448, %swap3A_449], %mul3A_447 {strides = array<i32>} : memref<128x128xf32, #tpu.memory_space<vmem>>, vector<16xf32>,
          %get3A_451 = arith.index_cast %add3A_403 : i32 to index
          %get3A_452 = arith.constant 96 : index
          %get3A_453 = tpu.vector_load %arg10[%get3A_451, %get3A_452] {strides = array<i32>} : memref<128x128xf32, #tpu.memory_space<vmem>>, vector<16xf32>,
          %mul3A_454 = arith.mulf %get3A_453, %gather3A_408 : vector<16xf32>
          %swap3A_455 = arith.index_cast %add3A_403 : i32 to index
          %swap3A_456 = arith.constant 96 : index
          %swap3A_457 = tpu.vector_load %arg10[%swap3A_455, %swap3A_456] {strides = array<i32>} : memref<128x128xf32, #tpu.memory_space<vmem>>, vector<16xf32>,
          tpu.vector_store %arg10[%swap3A_455, %swap3A_456], %mul3A_454 {strides = array<i32>} : memref<128x128xf32, #tpu.memory_space<vmem>>, vector<16xf32>,
          %get3A_458 = arith.index_cast %add3A_403 : i32 to index
          %get3A_459 = arith.constant 112 : index
          %get3A_460 = tpu.vector_load %arg10[%get3A_458, %get3A_459] {strides = array<i32>} : memref<128x128xf32, #tpu.memory_space<vmem>>, vector<16xf32>,
          %mul3A_461 = arith.mulf %get3A_460, %gather3A_408 : vector<16xf32>
          %swap3A_462 = arith.index_cast %add3A_403 : i32 to index
          %swap3A_463 = arith.constant 112 : index
          %swap3A_464 = tpu.vector_load %arg10[%swap3A_462, %swap3A_463] {strides = array<i32>} : memref<128x128xf32, #tpu.memory_space<vmem>>, vector<16xf32>,
          tpu.vector_store %arg10[%swap3A_462, %swap3A_463], %mul3A_461 {strides = array<i32>} : memref<128x128xf32, #tpu.memory_space<vmem>>, vector<16xf32>,
          %scan3A_465 = arith.constant 0 : i32
          scf.yield %scan3A_465 : i32
        }
        %scan3A_138 = arith.constant 32 : i32
        "tpu.region"() ({
          %run_scoped3A = tpu.sem_alloc : memref<!tpu.dma_semaphore, #tpu.memory_space<semaphore_mem>>
          %dma_start3A_206 = arith.constant 0 : i32
          %dma_start3A_207 = tpu.memref_slice %arg8[%mul3A_111, %dma_start3A_206] : memref<40x128xi32, #tpu.memory_space<vmem>> -> memref<1x128xi32, #tpu.memory_space<vmem>>
          %dma_start3A_208 = tpu.memref_squeeze %dma_start3A_207 : memref<1x128xi32, #tpu.memory_space<vmem>> -> memref<128xi32, #tpu.memory_space<vmem>>
          %dma_start3A_209 = arith.constant 0 : i32
          %dma_start3A_210 = arith.constant 0 : i32
          %dma_start3A_211 = tpu.memref_slice %arg12[%dma_start3A_209, %dma_start3A_210] : memref<10240x128xf32, #tpu.memory_space<vmem_shared>> -> memref<10240x128xf32, #tpu.memory_space<vmem_shared>>
          tpu.enqueue_indirect_dma source(%arg10 : memref<128x128xf32, #tpu.memory_space<vmem>>) target(%dma_start3A_211 : memref<10240x128xf32, #tpu.memory_space<vmem_shared>>) offsets(%dma_start3A_208 : memref<128xi32, #tpu.memory_space<vmem>>) semaphore(%run_scoped3A : memref<!tpu.dma_semaphore, #tpu.memory_space<semaphore_mem>>) {add = true}
          %dma_wait3A_212 = arith.constant 0 : i32
          %dma_wait3A_213 = tpu.memref_slice %arg8[%mul3A_111, %dma_wait3A_212] : memref<40x128xi32, #tpu.memory_space<vmem>> -> memref<1x128xi32, #tpu.memory_space<vmem>>
          %dma_wait3A_214 = tpu.memref_squeeze %dma_wait3A_213 : memref<1x128xi32, #tpu.memory_space<vmem>> -> memref<128xi32, #tpu.memory_space<vmem>>
          %dma_wait3A_215 = arith.constant 0 : i32
          %dma_wait3A_216 = arith.constant 0 : i32
          %dma_wait3A_217 = tpu.memref_slice %arg12[%dma_wait3A_215, %dma_wait3A_216] : memref<10240x128xf32, #tpu.memory_space<vmem_shared>> -> memref<10240x128xf32, #tpu.memory_space<vmem_shared>>
          tpu.wait_indirect_dma semaphore(%run_scoped3A : memref<!tpu.dma_semaphore, #tpu.memory_space<semaphore_mem>>) src(%arg10 : memref<128x128xf32, #tpu.memory_space<vmem>>) dst(%dma_wait3A_217 : memref<10240x128xf32, #tpu.memory_space<vmem_shared>>)
          tpu.yield
        }) : () -> ()
        %dma_wait3A_139 = arith.constant 0 : i32
        %dma_wait3A_140 = arith.constant 0 : i32
        %dma_wait3A_141 = tpu.memref_slice %arg11[%dma_wait3A_139, %dma_wait3A_140] : memref<128x128xf32, #tpu.memory_space<vmem>> -> memref<64x128xf32, #tpu.memory_space<vmem>>
        %dma_wait3A_142 = arith.constant 0 : i32
        %dma_wait3A_143 = tpu.memref_slice %arg7[%add3A_113, %dma_wait3A_142] : memref<40x128xi32, #tpu.memory_space<vmem>> -> memref<1x64xi32, #tpu.memory_space<vmem>>
        %dma_wait3A_144 = tpu.memref_squeeze %dma_wait3A_143 : memref<1x64xi32, #tpu.memory_space<vmem>> -> memref<64xi32, #tpu.memory_space<vmem>>
        %dma_wait3A_145 = arith.constant 0 : i32
        %dma_wait3A_146 = arith.constant 0 : i32
        %dma_wait3A_147 = tpu.memref_slice %arg5[%dma_wait3A_145, %dma_wait3A_146] : memref<10240x128xf32, #tpu.memory_space<hbm>> -> memref<10240x128xf32, #tpu.memory_space<hbm>>
        tpu.wait_indirect_dma semaphore(%arg13 : memref<!tpu.dma_semaphore, #tpu.memory_space<semaphore_mem>>) src(%dma_wait3A_147 : memref<10240x128xf32, #tpu.memory_space<hbm>>) dst(%dma_wait3A_141 : memref<64x128xf32, #tpu.memory_space<vmem>>)
        %dma_wait3A_148 = arith.constant 64 : i32
        %dma_wait3A_149 = arith.constant 0 : i32
        %dma_wait3A_150 = tpu.memref_slice %arg11[%dma_wait3A_148, %dma_wait3A_149] : memref<128x128xf32, #tpu.memory_space<vmem>> -> memref<64x128xf32, #tpu.memory_space<vmem>>
        %dma_wait3A_151 = arith.constant 64 : i32
        %dma_wait3A_152 = tpu.memref_slice %arg7[%add3A_113, %dma_wait3A_151] : memref<40x128xi32, #tpu.memory_space<vmem>> -> memref<1x64xi32, #tpu.memory_space<vmem>>
        %dma_wait3A_153 = tpu.memref_squeeze %dma_wait3A_152 : memref<1x64xi32, #tpu.memory_space<vmem>> -> memref<64xi32, #tpu.memory_space<vmem>>
        %dma_wait3A_154 = arith.constant 0 : i32
        %dma_wait3A_155 = arith.constant 0 : i32
        %dma_wait3A_156 = tpu.memref_slice %arg5[%dma_wait3A_154, %dma_wait3A_155] : memref<10240x128xf32, #tpu.memory_space<hbm>> -> memref<10240x128xf32, #tpu.memory_space<hbm>>
        tpu.wait_indirect_dma semaphore(%arg13 : memref<!tpu.dma_semaphore, #tpu.memory_space<semaphore_mem>>) src(%dma_wait3A_156 : memref<10240x128xf32, #tpu.memory_space<hbm>>) dst(%dma_wait3A_150 : memref<64x128xf32, #tpu.memory_space<vmem>>)
        %add3A_157 = arith.constant 2 : i32
        %add3A_158 = arith.addi %mul3A_111, %add3A_157 : i32
        %min3A = arith.constant 39 : i32
        %min3A_159 = arith.minsi %add3A_158, %min3A : i32
        %dma_start3A_160 = arith.constant 0 : i32
        %dma_start3A_161 = arith.constant 0 : i32
        %dma_start3A_162 = tpu.memref_slice %arg10[%dma_start3A_160, %dma_start3A_161] : memref<128x128xf32, #tpu.memory_space<vmem>> -> memref<64x128xf32, #tpu.memory_space<vmem>>
        %dma_start3A_163 = arith.constant 0 : i32
        %dma_start3A_164 = tpu.memref_slice %arg7[%min3A_159, %dma_start3A_163] : memref<40x128xi32, #tpu.memory_space<vmem>> -> memref<1x64xi32, #tpu.memory_space<vmem>>
        %dma_start3A_165 = tpu.memref_squeeze %dma_start3A_164 : memref<1x64xi32, #tpu.memory_space<vmem>> -> memref<64xi32, #tpu.memory_space<vmem>>
        %dma_start3A_166 = arith.constant 0 : i32
        %dma_start3A_167 = arith.constant 0 : i32
        %dma_start3A_168 = tpu.memref_slice %arg5[%dma_start3A_166, %dma_start3A_167] : memref<10240x128xf32, #tpu.memory_space<hbm>> -> memref<10240x128xf32, #tpu.memory_space<hbm>>
        tpu.enqueue_indirect_dma source(%dma_start3A_168 : memref<10240x128xf32, #tpu.memory_space<hbm>>) target(%dma_start3A_162 : memref<64x128xf32, #tpu.memory_space<vmem>>) offsets(%dma_start3A_165 : memref<64xi32, #tpu.memory_space<vmem>>) semaphore(%arg13 : memref<!tpu.dma_semaphore, #tpu.memory_space<semaphore_mem>>)
        %dma_start3A_169 = arith.constant 64 : i32
        %dma_start3A_170 = arith.constant 0 : i32
        %dma_start3A_171 = tpu.memref_slice %arg10[%dma_start3A_169, %dma_start3A_170] : memref<128x128xf32, #tpu.memory_space<vmem>> -> memref<64x128xf32, #tpu.memory_space<vmem>>
        %dma_start3A_172 = arith.constant 64 : i32
        %dma_start3A_173 = tpu.memref_slice %arg7[%min3A_159, %dma_start3A_172] : memref<40x128xi32, #tpu.memory_space<vmem>> -> memref<1x64xi32, #tpu.memory_space<vmem>>
        %dma_start3A_174 = tpu.memref_squeeze %dma_start3A_173 : memref<1x64xi32, #tpu.memory_space<vmem>> -> memref<64xi32, #tpu.memory_space<vmem>>
        %dma_start3A_175 = arith.constant 0 : i32
        %dma_start3A_176 = arith.constant 0 : i32
        %dma_start3A_177 = tpu.memref_slice %arg5[%dma_start3A_175, %dma_start3A_176] : memref<10240x128xf32, #tpu.memory_space<hbm>> -> memref<10240x128xf32, #tpu.memory_space<hbm>>
        tpu.enqueue_indirect_dma source(%dma_start3A_177 : memref<10240x128xf32, #tpu.memory_space<hbm>>) target(%dma_start3A_171 : memref<64x128xf32, #tpu.memory_space<vmem>>) offsets(%dma_start3A_174 : memref<64xi32, #tpu.memory_space<vmem>>) semaphore(%arg13 : memref<!tpu.dma_semaphore, #tpu.memory_space<semaphore_mem>>)
        %add3A_178 = arith.constant 1 : i32
        %add3A_179 = arith.addi %mul3A_111, %add3A_178 : i32
        %scan3A_180 = arith.constant 0 : i32
        %scan3A_181 = arith.constant 0 : i32
        %scan3A_182 = arith.constant 32 : i32
        %scan3A_183 = arith.addi %scan3A_181, %scan3A_182 : i32
        %scan3A_184 = arith.constant 1 : i32
        %scan3A_185 = scf.for %scan3A_206 = %scan3A_181 to %scan3A_183 step %scan3A_184 iter_args(%scan3A_207 = %scan3A_180) -> (i32)  : i32 {
          %mul3A_208 = arith.constant 4 : i32
          %mul3A_209 = arith.muli %scan3A_206, %mul3A_208 : i32
          %add3A_210 = arith.constant 0 : i32
          %add3A_211 = arith.addi %mul3A_209, %add3A_210 : i32
          %add3A_212 = vector.broadcast %add3A_179 : i32 to vector<16xi32>
          %add3A_213 = arith.addi %broadcast_in_dim3A_3, %add3A_212 : vector<16xi32>
          %add3A_214 = vector.broadcast %add3A_211 : i32 to vector<16xi32>
          %add3A_215 = arith.addi %broadcast_in_dim3A_3, %add3A_214 : vector<16xi32>
          %gather3A = tpu.vector_load_idx %arg9[%add3A_213, %add3A_215] : memref<40x128xf32, #tpu.memory_space<vmem>>[vector<16xi32>, vector<16xi32>], vector<16xf32>,
          %get3A = arith.index_cast %add3A_211 : i32 to index
          %get3A_216 = arith.constant 0 : index
          %get3A_217 = tpu.vector_load %arg11[%get3A, %get3A_216] {strides = array<i32>} : memref<128x128xf32, #tpu.memory_space<vmem>>, vector<16xf32>,
          %mul3A_218 = arith.mulf %get3A_217, %gather3A : vector<16xf32>
          %swap3A = arith.index_cast %add3A_211 : i32 to index
          %swap3A_219 = arith.constant 0 : index
          %swap3A_220 = tpu.vector_load %arg11[%swap3A, %swap3A_219] {strides = array<i32>} : memref<128x128xf32, #tpu.memory_space<vmem>>, vector<16xf32>,
          tpu.vector_store %arg11[%swap3A, %swap3A_219], %mul3A_218 {strides = array<i32>} : memref<128x128xf32, #tpu.memory_space<vmem>>, vector<16xf32>,
          %get3A_221 = arith.index_cast %add3A_211 : i32 to index
          %get3A_222 = arith.constant 16 : index
          %get3A_223 = tpu.vector_load %arg11[%get3A_221, %get3A_222] {strides = array<i32>} : memref<128x128xf32, #tpu.memory_space<vmem>>, vector<16xf32>,
          %mul3A_224 = arith.mulf %get3A_223, %gather3A : vector<16xf32>
          %swap3A_225 = arith.index_cast %add3A_211 : i32 to index
          %swap3A_226 = arith.constant 16 : index
          %swap3A_227 = tpu.vector_load %arg11[%swap3A_225, %swap3A_226] {strides = array<i32>} : memref<128x128xf32, #tpu.memory_space<vmem>>, vector<16xf32>,
          tpu.vector_store %arg11[%swap3A_225, %swap3A_226], %mul3A_224 {strides = array<i32>} : memref<128x128xf32, #tpu.memory_space<vmem>>, vector<16xf32>,
          %get3A_228 = arith.index_cast %add3A_211 : i32 to index
          %get3A_229 = arith.constant 32 : index
          %get3A_230 = tpu.vector_load %arg11[%get3A_228, %get3A_229] {strides = array<i32>} : memref<128x128xf32, #tpu.memory_space<vmem>>, vector<16xf32>,
          %mul3A_231 = arith.mulf %get3A_230, %gather3A : vector<16xf32>
          %swap3A_232 = arith.index_cast %add3A_211 : i32 to index
          %swap3A_233 = arith.constant 32 : index
          %swap3A_234 = tpu.vector_load %arg11[%swap3A_232, %swap3A_233] {strides = array<i32>} : memref<128x128xf32, #tpu.memory_space<vmem>>, vector<16xf32>,
          tpu.vector_store %arg11[%swap3A_232, %swap3A_233], %mul3A_231 {strides = array<i32>} : memref<128x128xf32, #tpu.memory_space<vmem>>, vector<16xf32>,
          %get3A_235 = arith.index_cast %add3A_211 : i32 to index
          %get3A_236 = arith.constant 48 : index
          %get3A_237 = tpu.vector_load %arg11[%get3A_235, %get3A_236] {strides = array<i32>} : memref<128x128xf32, #tpu.memory_space<vmem>>, vector<16xf32>,
          %mul3A_238 = arith.mulf %get3A_237, %gather3A : vector<16xf32>
          %swap3A_239 = arith.index_cast %add3A_211 : i32 to index
          %swap3A_240 = arith.constant 48 : index
          %swap3A_241 = tpu.vector_load %arg11[%swap3A_239, %swap3A_240] {strides = array<i32>} : memref<128x128xf32, #tpu.memory_space<vmem>>, vector<16xf32>,
          tpu.vector_store %arg11[%swap3A_239, %swap3A_240], %mul3A_238 {strides = array<i32>} : memref<128x128xf32, #tpu.memory_space<vmem>>, vector<16xf32>,
          %get3A_242 = arith.index_cast %add3A_211 : i32 to index
          %get3A_243 = arith.constant 64 : index
          %get3A_244 = tpu.vector_load %arg11[%get3A_242, %get3A_243] {strides = array<i32>} : memref<128x128xf32, #tpu.memory_space<vmem>>, vector<16xf32>,
          %mul3A_245 = arith.mulf %get3A_244, %gather3A : vector<16xf32>
          %swap3A_246 = arith.index_cast %add3A_211 : i32 to index
          %swap3A_247 = arith.constant 64 : index
          %swap3A_248 = tpu.vector_load %arg11[%swap3A_246, %swap3A_247] {strides = array<i32>} : memref<128x128xf32, #tpu.memory_space<vmem>>, vector<16xf32>,
          tpu.vector_store %arg11[%swap3A_246, %swap3A_247], %mul3A_245 {strides = array<i32>} : memref<128x128xf32, #tpu.memory_space<vmem>>, vector<16xf32>,
          %get3A_249 = arith.index_cast %add3A_211 : i32 to index
          %get3A_250 = arith.constant 80 : index
          %get3A_251 = tpu.vector_load %arg11[%get3A_249, %get3A_250] {strides = array<i32>} : memref<128x128xf32, #tpu.memory_space<vmem>>, vector<16xf32>,
          %mul3A_252 = arith.mulf %get3A_251, %gather3A : vector<16xf32>
          %swap3A_253 = arith.index_cast %add3A_211 : i32 to index
          %swap3A_254 = arith.constant 80 : index
          %swap3A_255 = tpu.vector_load %arg11[%swap3A_253, %swap3A_254] {strides = array<i32>} : memref<128x128xf32, #tpu.memory_space<vmem>>, vector<16xf32>,
          tpu.vector_store %arg11[%swap3A_253, %swap3A_254], %mul3A_252 {strides = array<i32>} : memref<128x128xf32, #tpu.memory_space<vmem>>, vector<16xf32>,
          %get3A_256 = arith.index_cast %add3A_211 : i32 to index
          %get3A_257 = arith.constant 96 : index
          %get3A_258 = tpu.vector_load %arg11[%get3A_256, %get3A_257] {strides = array<i32>} : memref<128x128xf32, #tpu.memory_space<vmem>>, vector<16xf32>,
          %mul3A_259 = arith.mulf %get3A_258, %gather3A : vector<16xf32>
          %swap3A_260 = arith.index_cast %add3A_211 : i32 to index
          %swap3A_261 = arith.constant 96 : index
          %swap3A_262 = tpu.vector_load %arg11[%swap3A_260, %swap3A_261] {strides = array<i32>} : memref<128x128xf32, #tpu.memory_space<vmem>>, vector<16xf32>,
          tpu.vector_store %arg11[%swap3A_260, %swap3A_261], %mul3A_259 {strides = array<i32>} : memref<128x128xf32, #tpu.memory_space<vmem>>, vector<16xf32>,
          %get3A_263 = arith.index_cast %add3A_211 : i32 to index
          %get3A_264 = arith.constant 112 : index
          %get3A_265 = tpu.vector_load %arg11[%get3A_263, %get3A_264] {strides = array<i32>} : memref<128x128xf32, #tpu.memory_space<vmem>>, vector<16xf32>,
          %mul3A_266 = arith.mulf %get3A_265, %gather3A : vector<16xf32>
          %swap3A_267 = arith.index_cast %add3A_211 : i32 to index
          %swap3A_268 = arith.constant 112 : index
          %swap3A_269 = tpu.vector_load %arg11[%swap3A_267, %swap3A_268] {strides = array<i32>} : memref<128x128xf32, #tpu.memory_space<vmem>>, vector<16xf32>,
          tpu.vector_store %arg11[%swap3A_267, %swap3A_268], %mul3A_266 {strides = array<i32>} : memref<128x128xf32, #tpu.memory_space<vmem>>, vector<16xf32>,
          %mul3A_270 = arith.constant 4 : i32
          %mul3A_271 = arith.muli %scan3A_206, %mul3A_270 : i32
          %add3A_272 = arith.constant 1 : i32
          %add3A_273 = arith.addi %mul3A_271, %add3A_272 : i32
          %add3A_274 = vector.broadcast %add3A_179 : i32 to vector<16xi32>
          %add3A_275 = arith.addi %broadcast_in_dim3A_3, %add3A_274 : vector<16xi32>
          %add3A_276 = vector.broadcast %add3A_273 : i32 to vector<16xi32>
          %add3A_277 = arith.addi %broadcast_in_dim3A_3, %add3A_276 : vector<16xi32>
          %gather3A_278 = tpu.vector_load_idx %arg9[%add3A_275, %add3A_277] : memref<40x128xf32, #tpu.memory_space<vmem>>[vector<16xi32>, vector<16xi32>], vector<16xf32>,
          %get3A_279 = arith.index_cast %add3A_273 : i32 to index
          %get3A_280 = arith.constant 0 : index
          %get3A_281 = tpu.vector_load %arg11[%get3A_279, %get3A_280] {strides = array<i32>} : memref<128x128xf32, #tpu.memory_space<vmem>>, vector<16xf32>,
          %mul3A_282 = arith.mulf %get3A_281, %gather3A_278 : vector<16xf32>
          %swap3A_283 = arith.index_cast %add3A_273 : i32 to index
          %swap3A_284 = arith.constant 0 : index
          %swap3A_285 = tpu.vector_load %arg11[%swap3A_283, %swap3A_284] {strides = array<i32>} : memref<128x128xf32, #tpu.memory_space<vmem>>, vector<16xf32>,
          tpu.vector_store %arg11[%swap3A_283, %swap3A_284], %mul3A_282 {strides = array<i32>} : memref<128x128xf32, #tpu.memory_space<vmem>>, vector<16xf32>,
          %get3A_286 = arith.index_cast %add3A_273 : i32 to index
          %get3A_287 = arith.constant 16 : index
          %get3A_288 = tpu.vector_load %arg11[%get3A_286, %get3A_287] {strides = array<i32>} : memref<128x128xf32, #tpu.memory_space<vmem>>, vector<16xf32>,
          %mul3A_289 = arith.mulf %get3A_288, %gather3A_278 : vector<16xf32>
          %swap3A_290 = arith.index_cast %add3A_273 : i32 to index
          %swap3A_291 = arith.constant 16 : index
          %swap3A_292 = tpu.vector_load %arg11[%swap3A_290, %swap3A_291] {strides = array<i32>} : memref<128x128xf32, #tpu.memory_space<vmem>>, vector<16xf32>,
          tpu.vector_store %arg11[%swap3A_290, %swap3A_291], %mul3A_289 {strides = array<i32>} : memref<128x128xf32, #tpu.memory_space<vmem>>, vector<16xf32>,
          %get3A_293 = arith.index_cast %add3A_273 : i32 to index
          %get3A_294 = arith.constant 32 : index
          %get3A_295 = tpu.vector_load %arg11[%get3A_293, %get3A_294] {strides = array<i32>} : memref<128x128xf32, #tpu.memory_space<vmem>>, vector<16xf32>,
          %mul3A_296 = arith.mulf %get3A_295, %gather3A_278 : vector<16xf32>
          %swap3A_297 = arith.index_cast %add3A_273 : i32 to index
          %swap3A_298 = arith.constant 32 : index
          %swap3A_299 = tpu.vector_load %arg11[%swap3A_297, %swap3A_298] {strides = array<i32>} : memref<128x128xf32, #tpu.memory_space<vmem>>, vector<16xf32>,
          tpu.vector_store %arg11[%swap3A_297, %swap3A_298], %mul3A_296 {strides = array<i32>} : memref<128x128xf32, #tpu.memory_space<vmem>>, vector<16xf32>,
          %get3A_300 = arith.index_cast %add3A_273 : i32 to index
          %get3A_301 = arith.constant 48 : index
          %get3A_302 = tpu.vector_load %arg11[%get3A_300, %get3A_301] {strides = array<i32>} : memref<128x128xf32, #tpu.memory_space<vmem>>, vector<16xf32>,
          %mul3A_303 = arith.mulf %get3A_302, %gather3A_278 : vector<16xf32>
          %swap3A_304 = arith.index_cast %add3A_273 : i32 to index
          %swap3A_305 = arith.constant 48 : index
          %swap3A_306 = tpu.vector_load %arg11[%swap3A_304, %swap3A_305] {strides = array<i32>} : memref<128x128xf32, #tpu.memory_space<vmem>>, vector<16xf32>,
          tpu.vector_store %arg11[%swap3A_304, %swap3A_305], %mul3A_303 {strides = array<i32>} : memref<128x128xf32, #tpu.memory_space<vmem>>, vector<16xf32>,
          %get3A_307 = arith.index_cast %add3A_273 : i32 to index
          %get3A_308 = arith.constant 64 : index
          %get3A_309 = tpu.vector_load %arg11[%get3A_307, %get3A_308] {strides = array<i32>} : memref<128x128xf32, #tpu.memory_space<vmem>>, vector<16xf32>,
          %mul3A_310 = arith.mulf %get3A_309, %gather3A_278 : vector<16xf32>
          %swap3A_311 = arith.index_cast %add3A_273 : i32 to index
          %swap3A_312 = arith.constant 64 : index
          %swap3A_313 = tpu.vector_load %arg11[%swap3A_311, %swap3A_312] {strides = array<i32>} : memref<128x128xf32, #tpu.memory_space<vmem>>, vector<16xf32>,
          tpu.vector_store %arg11[%swap3A_311, %swap3A_312], %mul3A_310 {strides = array<i32>} : memref<128x128xf32, #tpu.memory_space<vmem>>, vector<16xf32>,
          %get3A_314 = arith.index_cast %add3A_273 : i32 to index
          %get3A_315 = arith.constant 80 : index
          %get3A_316 = tpu.vector_load %arg11[%get3A_314, %get3A_315] {strides = array<i32>} : memref<128x128xf32, #tpu.memory_space<vmem>>, vector<16xf32>,
          %mul3A_317 = arith.mulf %get3A_316, %gather3A_278 : vector<16xf32>
          %swap3A_318 = arith.index_cast %add3A_273 : i32 to index
          %swap3A_319 = arith.constant 80 : index
          %swap3A_320 = tpu.vector_load %arg11[%swap3A_318, %swap3A_319] {strides = array<i32>} : memref<128x128xf32, #tpu.memory_space<vmem>>, vector<16xf32>,
          tpu.vector_store %arg11[%swap3A_318, %swap3A_319], %mul3A_317 {strides = array<i32>} : memref<128x128xf32, #tpu.memory_space<vmem>>, vector<16xf32>,
          %get3A_321 = arith.index_cast %add3A_273 : i32 to index
          %get3A_322 = arith.constant 96 : index
          %get3A_323 = tpu.vector_load %arg11[%get3A_321, %get3A_322] {strides = array<i32>} : memref<128x128xf32, #tpu.memory_space<vmem>>, vector<16xf32>,
          %mul3A_324 = arith.mulf %get3A_323, %gather3A_278 : vector<16xf32>
          %swap3A_325 = arith.index_cast %add3A_273 : i32 to index
          %swap3A_326 = arith.constant 96 : index
          %swap3A_327 = tpu.vector_load %arg11[%swap3A_325, %swap3A_326] {strides = array<i32>} : memref<128x128xf32, #tpu.memory_space<vmem>>, vector<16xf32>,
          tpu.vector_store %arg11[%swap3A_325, %swap3A_326], %mul3A_324 {strides = array<i32>} : memref<128x128xf32, #tpu.memory_space<vmem>>, vector<16xf32>,
          %get3A_328 = arith.index_cast %add3A_273 : i32 to index
          %get3A_329 = arith.constant 112 : index
          %get3A_330 = tpu.vector_load %arg11[%get3A_328, %get3A_329] {strides = array<i32>} : memref<128x128xf32, #tpu.memory_space<vmem>>, vector<16xf32>,
          %mul3A_331 = arith.mulf %get3A_330, %gather3A_278 : vector<16xf32>
          %swap3A_332 = arith.index_cast %add3A_273 : i32 to index
          %swap3A_333 = arith.constant 112 : index
          %swap3A_334 = tpu.vector_load %arg11[%swap3A_332, %swap3A_333] {strides = array<i32>} : memref<128x128xf32, #tpu.memory_space<vmem>>, vector<16xf32>,
          tpu.vector_store %arg11[%swap3A_332, %swap3A_333], %mul3A_331 {strides = array<i32>} : memref<128x128xf32, #tpu.memory_space<vmem>>, vector<16xf32>,
          %mul3A_335 = arith.constant 4 : i32
          %mul3A_336 = arith.muli %scan3A_206, %mul3A_335 : i32
          %add3A_337 = arith.constant 2 : i32
          %add3A_338 = arith.addi %mul3A_336, %add3A_337 : i32
          %add3A_339 = vector.broadcast %add3A_179 : i32 to vector<16xi32>
          %add3A_340 = arith.addi %broadcast_in_dim3A_3, %add3A_339 : vector<16xi32>
          %add3A_341 = vector.broadcast %add3A_338 : i32 to vector<16xi32>
          %add3A_342 = arith.addi %broadcast_in_dim3A_3, %add3A_341 : vector<16xi32>
          %gather3A_343 = tpu.vector_load_idx %arg9[%add3A_340, %add3A_342] : memref<40x128xf32, #tpu.memory_space<vmem>>[vector<16xi32>, vector<16xi32>], vector<16xf32>,
          %get3A_344 = arith.index_cast %add3A_338 : i32 to index
          %get3A_345 = arith.constant 0 : index
          %get3A_346 = tpu.vector_load %arg11[%get3A_344, %get3A_345] {strides = array<i32>} : memref<128x128xf32, #tpu.memory_space<vmem>>, vector<16xf32>,
          %mul3A_347 = arith.mulf %get3A_346, %gather3A_343 : vector<16xf32>
          %swap3A_348 = arith.index_cast %add3A_338 : i32 to index
          %swap3A_349 = arith.constant 0 : index
          %swap3A_350 = tpu.vector_load %arg11[%swap3A_348, %swap3A_349] {strides = array<i32>} : memref<128x128xf32, #tpu.memory_space<vmem>>, vector<16xf32>,
          tpu.vector_store %arg11[%swap3A_348, %swap3A_349], %mul3A_347 {strides = array<i32>} : memref<128x128xf32, #tpu.memory_space<vmem>>, vector<16xf32>,
          %get3A_351 = arith.index_cast %add3A_338 : i32 to index
          %get3A_352 = arith.constant 16 : index
          %get3A_353 = tpu.vector_load %arg11[%get3A_351, %get3A_352] {strides = array<i32>} : memref<128x128xf32, #tpu.memory_space<vmem>>, vector<16xf32>,
          %mul3A_354 = arith.mulf %get3A_353, %gather3A_343 : vector<16xf32>
          %swap3A_355 = arith.index_cast %add3A_338 : i32 to index
          %swap3A_356 = arith.constant 16 : index
          %swap3A_357 = tpu.vector_load %arg11[%swap3A_355, %swap3A_356] {strides = array<i32>} : memref<128x128xf32, #tpu.memory_space<vmem>>, vector<16xf32>,
          tpu.vector_store %arg11[%swap3A_355, %swap3A_356], %mul3A_354 {strides = array<i32>} : memref<128x128xf32, #tpu.memory_space<vmem>>, vector<16xf32>,
          %get3A_358 = arith.index_cast %add3A_338 : i32 to index
          %get3A_359 = arith.constant 32 : index
          %get3A_360 = tpu.vector_load %arg11[%get3A_358, %get3A_359] {strides = array<i32>} : memref<128x128xf32, #tpu.memory_space<vmem>>, vector<16xf32>,
          %mul3A_361 = arith.mulf %get3A_360, %gather3A_343 : vector<16xf32>
          %swap3A_362 = arith.index_cast %add3A_338 : i32 to index
          %swap3A_363 = arith.constant 32 : index
          %swap3A_364 = tpu.vector_load %arg11[%swap3A_362, %swap3A_363] {strides = array<i32>} : memref<128x128xf32, #tpu.memory_space<vmem>>, vector<16xf32>,
          tpu.vector_store %arg11[%swap3A_362, %swap3A_363], %mul3A_361 {strides = array<i32>} : memref<128x128xf32, #tpu.memory_space<vmem>>, vector<16xf32>,
          %get3A_365 = arith.index_cast %add3A_338 : i32 to index
          %get3A_366 = arith.constant 48 : index
          %get3A_367 = tpu.vector_load %arg11[%get3A_365, %get3A_366] {strides = array<i32>} : memref<128x128xf32, #tpu.memory_space<vmem>>, vector<16xf32>,
          %mul3A_368 = arith.mulf %get3A_367, %gather3A_343 : vector<16xf32>
          %swap3A_369 = arith.index_cast %add3A_338 : i32 to index
          %swap3A_370 = arith.constant 48 : index
          %swap3A_371 = tpu.vector_load %arg11[%swap3A_369, %swap3A_370] {strides = array<i32>} : memref<128x128xf32, #tpu.memory_space<vmem>>, vector<16xf32>,
          tpu.vector_store %arg11[%swap3A_369, %swap3A_370], %mul3A_368 {strides = array<i32>} : memref<128x128xf32, #tpu.memory_space<vmem>>, vector<16xf32>,
          %get3A_372 = arith.index_cast %add3A_338 : i32 to index
          %get3A_373 = arith.constant 64 : index
          %get3A_374 = tpu.vector_load %arg11[%get3A_372, %get3A_373] {strides = array<i32>} : memref<128x128xf32, #tpu.memory_space<vmem>>, vector<16xf32>,
          %mul3A_375 = arith.mulf %get3A_374, %gather3A_343 : vector<16xf32>
          %swap3A_376 = arith.index_cast %add3A_338 : i32 to index
          %swap3A_377 = arith.constant 64 : index
          %swap3A_378 = tpu.vector_load %arg11[%swap3A_376, %swap3A_377] {strides = array<i32>} : memref<128x128xf32, #tpu.memory_space<vmem>>, vector<16xf32>,
          tpu.vector_store %arg11[%swap3A_376, %swap3A_377], %mul3A_375 {strides = array<i32>} : memref<128x128xf32, #tpu.memory_space<vmem>>, vector<16xf32>,
          %get3A_379 = arith.index_cast %add3A_338 : i32 to index
          %get3A_380 = arith.constant 80 : index
          %get3A_381 = tpu.vector_load %arg11[%get3A_379, %get3A_380] {strides = array<i32>} : memref<128x128xf32, #tpu.memory_space<vmem>>, vector<16xf32>,
          %mul3A_382 = arith.mulf %get3A_381, %gather3A_343 : vector<16xf32>
          %swap3A_383 = arith.index_cast %add3A_338 : i32 to index
          %swap3A_384 = arith.constant 80 : index
          %swap3A_385 = tpu.vector_load %arg11[%swap3A_383, %swap3A_384] {strides = array<i32>} : memref<128x128xf32, #tpu.memory_space<vmem>>, vector<16xf32>,
          tpu.vector_store %arg11[%swap3A_383, %swap3A_384], %mul3A_382 {strides = array<i32>} : memref<128x128xf32, #tpu.memory_space<vmem>>, vector<16xf32>,
          %get3A_386 = arith.index_cast %add3A_338 : i32 to index
          %get3A_387 = arith.constant 96 : index
          %get3A_388 = tpu.vector_load %arg11[%get3A_386, %get3A_387] {strides = array<i32>} : memref<128x128xf32, #tpu.memory_space<vmem>>, vector<16xf32>,
          %mul3A_389 = arith.mulf %get3A_388, %gather3A_343 : vector<16xf32>
          %swap3A_390 = arith.index_cast %add3A_338 : i32 to index
          %swap3A_391 = arith.constant 96 : index
          %swap3A_392 = tpu.vector_load %arg11[%swap3A_390, %swap3A_391] {strides = array<i32>} : memref<128x128xf32, #tpu.memory_space<vmem>>, vector<16xf32>,
          tpu.vector_store %arg11[%swap3A_390, %swap3A_391], %mul3A_389 {strides = array<i32>} : memref<128x128xf32, #tpu.memory_space<vmem>>, vector<16xf32>,
          %get3A_393 = arith.index_cast %add3A_338 : i32 to index
          %get3A_394 = arith.constant 112 : index
          %get3A_395 = tpu.vector_load %arg11[%get3A_393, %get3A_394] {strides = array<i32>} : memref<128x128xf32, #tpu.memory_space<vmem>>, vector<16xf32>,
          %mul3A_396 = arith.mulf %get3A_395, %gather3A_343 : vector<16xf32>
          %swap3A_397 = arith.index_cast %add3A_338 : i32 to index
          %swap3A_398 = arith.constant 112 : index
          %swap3A_399 = tpu.vector_load %arg11[%swap3A_397, %swap3A_398] {strides = array<i32>} : memref<128x128xf32, #tpu.memory_space<vmem>>, vector<16xf32>,
          tpu.vector_store %arg11[%swap3A_397, %swap3A_398], %mul3A_396 {strides = array<i32>} : memref<128x128xf32, #tpu.memory_space<vmem>>, vector<16xf32>,
          %mul3A_400 = arith.constant 4 : i32
          %mul3A_401 = arith.muli %scan3A_206, %mul3A_400 : i32
          %add3A_402 = arith.constant 3 : i32
          %add3A_403 = arith.addi %mul3A_401, %add3A_402 : i32
          %add3A_404 = vector.broadcast %add3A_179 : i32 to vector<16xi32>
          %add3A_405 = arith.addi %broadcast_in_dim3A_3, %add3A_404 : vector<16xi32>
          %add3A_406 = vector.broadcast %add3A_403 : i32 to vector<16xi32>
          %add3A_407 = arith.addi %broadcast_in_dim3A_3, %add3A_406 : vector<16xi32>
          %gather3A_408 = tpu.vector_load_idx %arg9[%add3A_405, %add3A_407] : memref<40x128xf32, #tpu.memory_space<vmem>>[vector<16xi32>, vector<16xi32>], vector<16xf32>,
          %get3A_409 = arith.index_cast %add3A_403 : i32 to index
          %get3A_410 = arith.constant 0 : index
          %get3A_411 = tpu.vector_load %arg11[%get3A_409, %get3A_410] {strides = array<i32>} : memref<128x128xf32, #tpu.memory_space<vmem>>, vector<16xf32>,
          %mul3A_412 = arith.mulf %get3A_411, %gather3A_408 : vector<16xf32>
          %swap3A_413 = arith.index_cast %add3A_403 : i32 to index
          %swap3A_414 = arith.constant 0 : index
          %swap3A_415 = tpu.vector_load %arg11[%swap3A_413, %swap3A_414] {strides = array<i32>} : memref<128x128xf32, #tpu.memory_space<vmem>>, vector<16xf32>,
          tpu.vector_store %arg11[%swap3A_413, %swap3A_414], %mul3A_412 {strides = array<i32>} : memref<128x128xf32, #tpu.memory_space<vmem>>, vector<16xf32>,
          %get3A_416 = arith.index_cast %add3A_403 : i32 to index
          %get3A_417 = arith.constant 16 : index
          %get3A_418 = tpu.vector_load %arg11[%get3A_416, %get3A_417] {strides = array<i32>} : memref<128x128xf32, #tpu.memory_space<vmem>>, vector<16xf32>,
          %mul3A_419 = arith.mulf %get3A_418, %gather3A_408 : vector<16xf32>
          %swap3A_420 = arith.index_cast %add3A_403 : i32 to index
          %swap3A_421 = arith.constant 16 : index
          %swap3A_422 = tpu.vector_load %arg11[%swap3A_420, %swap3A_421] {strides = array<i32>} : memref<128x128xf32, #tpu.memory_space<vmem>>, vector<16xf32>,
          tpu.vector_store %arg11[%swap3A_420, %swap3A_421], %mul3A_419 {strides = array<i32>} : memref<128x128xf32, #tpu.memory_space<vmem>>, vector<16xf32>,
          %get3A_423 = arith.index_cast %add3A_403 : i32 to index
          %get3A_424 = arith.constant 32 : index
          %get3A_425 = tpu.vector_load %arg11[%get3A_423, %get3A_424] {strides = array<i32>} : memref<128x128xf32, #tpu.memory_space<vmem>>, vector<16xf32>,
          %mul3A_426 = arith.mulf %get3A_425, %gather3A_408 : vector<16xf32>
          %swap3A_427 = arith.index_cast %add3A_403 : i32 to index
          %swap3A_428 = arith.constant 32 : index
          %swap3A_429 = tpu.vector_load %arg11[%swap3A_427, %swap3A_428] {strides = array<i32>} : memref<128x128xf32, #tpu.memory_space<vmem>>, vector<16xf32>,
          tpu.vector_store %arg11[%swap3A_427, %swap3A_428], %mul3A_426 {strides = array<i32>} : memref<128x128xf32, #tpu.memory_space<vmem>>, vector<16xf32>,
          %get3A_430 = arith.index_cast %add3A_403 : i32 to index
          %get3A_431 = arith.constant 48 : index
          %get3A_432 = tpu.vector_load %arg11[%get3A_430, %get3A_431] {strides = array<i32>} : memref<128x128xf32, #tpu.memory_space<vmem>>, vector<16xf32>,
          %mul3A_433 = arith.mulf %get3A_432, %gather3A_408 : vector<16xf32>
          %swap3A_434 = arith.index_cast %add3A_403 : i32 to index
          %swap3A_435 = arith.constant 48 : index
          %swap3A_436 = tpu.vector_load %arg11[%swap3A_434, %swap3A_435] {strides = array<i32>} : memref<128x128xf32, #tpu.memory_space<vmem>>, vector<16xf32>,
          tpu.vector_store %arg11[%swap3A_434, %swap3A_435], %mul3A_433 {strides = array<i32>} : memref<128x128xf32, #tpu.memory_space<vmem>>, vector<16xf32>,
          %get3A_437 = arith.index_cast %add3A_403 : i32 to index
          %get3A_438 = arith.constant 64 : index
          %get3A_439 = tpu.vector_load %arg11[%get3A_437, %get3A_438] {strides = array<i32>} : memref<128x128xf32, #tpu.memory_space<vmem>>, vector<16xf32>,
          %mul3A_440 = arith.mulf %get3A_439, %gather3A_408 : vector<16xf32>
          %swap3A_441 = arith.index_cast %add3A_403 : i32 to index
          %swap3A_442 = arith.constant 64 : index
          %swap3A_443 = tpu.vector_load %arg11[%swap3A_441, %swap3A_442] {strides = array<i32>} : memref<128x128xf32, #tpu.memory_space<vmem>>, vector<16xf32>,
          tpu.vector_store %arg11[%swap3A_441, %swap3A_442], %mul3A_440 {strides = array<i32>} : memref<128x128xf32, #tpu.memory_space<vmem>>, vector<16xf32>,
          %get3A_444 = arith.index_cast %add3A_403 : i32 to index
          %get3A_445 = arith.constant 80 : index
          %get3A_446 = tpu.vector_load %arg11[%get3A_444, %get3A_445] {strides = array<i32>} : memref<128x128xf32, #tpu.memory_space<vmem>>, vector<16xf32>,
          %mul3A_447 = arith.mulf %get3A_446, %gather3A_408 : vector<16xf32>
          %swap3A_448 = arith.index_cast %add3A_403 : i32 to index
          %swap3A_449 = arith.constant 80 : index
          %swap3A_450 = tpu.vector_load %arg11[%swap3A_448, %swap3A_449] {strides = array<i32>} : memref<128x128xf32, #tpu.memory_space<vmem>>, vector<16xf32>,
          tpu.vector_store %arg11[%swap3A_448, %swap3A_449], %mul3A_447 {strides = array<i32>} : memref<128x128xf32, #tpu.memory_space<vmem>>, vector<16xf32>,
          %get3A_451 = arith.index_cast %add3A_403 : i32 to index
          %get3A_452 = arith.constant 96 : index
          %get3A_453 = tpu.vector_load %arg11[%get3A_451, %get3A_452] {strides = array<i32>} : memref<128x128xf32, #tpu.memory_space<vmem>>, vector<16xf32>,
          %mul3A_454 = arith.mulf %get3A_453, %gather3A_408 : vector<16xf32>
          %swap3A_455 = arith.index_cast %add3A_403 : i32 to index
          %swap3A_456 = arith.constant 96 : index
          %swap3A_457 = tpu.vector_load %arg11[%swap3A_455, %swap3A_456] {strides = array<i32>} : memref<128x128xf32, #tpu.memory_space<vmem>>, vector<16xf32>,
          tpu.vector_store %arg11[%swap3A_455, %swap3A_456], %mul3A_454 {strides = array<i32>} : memref<128x128xf32, #tpu.memory_space<vmem>>, vector<16xf32>,
          %get3A_458 = arith.index_cast %add3A_403 : i32 to index
          %get3A_459 = arith.constant 112 : index
          %get3A_460 = tpu.vector_load %arg11[%get3A_458, %get3A_459] {strides = array<i32>} : memref<128x128xf32, #tpu.memory_space<vmem>>, vector<16xf32>,
          %mul3A_461 = arith.mulf %get3A_460, %gather3A_408 : vector<16xf32>
          %swap3A_462 = arith.index_cast %add3A_403 : i32 to index
          %swap3A_463 = arith.constant 112 : index
          %swap3A_464 = tpu.vector_load %arg11[%swap3A_462, %swap3A_463] {strides = array<i32>} : memref<128x128xf32, #tpu.memory_space<vmem>>, vector<16xf32>,
          tpu.vector_store %arg11[%swap3A_462, %swap3A_463], %mul3A_461 {strides = array<i32>} : memref<128x128xf32, #tpu.memory_space<vmem>>, vector<16xf32>,
          %scan3A_465 = arith.constant 0 : i32
          scf.yield %scan3A_465 : i32
        }
        %scan3A_186 = arith.constant 32 : i32
        "tpu.region"() ({
          %run_scoped3A = tpu.sem_alloc : memref<!tpu.dma_semaphore, #tpu.memory_space<semaphore_mem>>
          %dma_start3A_206 = arith.constant 0 : i32
          %dma_start3A_207 = tpu.memref_slice %arg8[%add3A_179, %dma_start3A_206] : memref<40x128xi32, #tpu.memory_space<vmem>> -> memref<1x128xi32, #tpu.memory_space<vmem>>
          %dma_start3A_208 = tpu.memref_squeeze %dma_start3A_207 : memref<1x128xi32, #tpu.memory_space<vmem>> -> memref<128xi32, #tpu.memory_space<vmem>>
          %dma_start3A_209 = arith.constant 0 : i32
          %dma_start3A_210 = arith.constant 0 : i32
          %dma_start3A_211 = tpu.memref_slice %arg12[%dma_start3A_209, %dma_start3A_210] : memref<10240x128xf32, #tpu.memory_space<vmem_shared>> -> memref<10240x128xf32, #tpu.memory_space<vmem_shared>>
          tpu.enqueue_indirect_dma source(%arg11 : memref<128x128xf32, #tpu.memory_space<vmem>>) target(%dma_start3A_211 : memref<10240x128xf32, #tpu.memory_space<vmem_shared>>) offsets(%dma_start3A_208 : memref<128xi32, #tpu.memory_space<vmem>>) semaphore(%run_scoped3A : memref<!tpu.dma_semaphore, #tpu.memory_space<semaphore_mem>>) {add = true}
          %dma_wait3A_212 = arith.constant 0 : i32
          %dma_wait3A_213 = tpu.memref_slice %arg8[%add3A_179, %dma_wait3A_212] : memref<40x128xi32, #tpu.memory_space<vmem>> -> memref<1x128xi32, #tpu.memory_space<vmem>>
          %dma_wait3A_214 = tpu.memref_squeeze %dma_wait3A_213 : memref<1x128xi32, #tpu.memory_space<vmem>> -> memref<128xi32, #tpu.memory_space<vmem>>
          %dma_wait3A_215 = arith.constant 0 : i32
          %dma_wait3A_216 = arith.constant 0 : i32
          %dma_wait3A_217 = tpu.memref_slice %arg12[%dma_wait3A_215, %dma_wait3A_216] : memref<10240x128xf32, #tpu.memory_space<vmem_shared>> -> memref<10240x128xf32, #tpu.memory_space<vmem_shared>>
          tpu.wait_indirect_dma semaphore(%run_scoped3A : memref<!tpu.dma_semaphore, #tpu.memory_space<semaphore_mem>>) src(%arg11 : memref<128x128xf32, #tpu.memory_space<vmem>>) dst(%dma_wait3A_217 : memref<10240x128xf32, #tpu.memory_space<vmem_shared>>)
          tpu.yield
        }) : () -> ()
        %dma_wait3A_187 = arith.constant 0 : i32
        %dma_wait3A_188 = arith.constant 0 : i32
        %dma_wait3A_189 = tpu.memref_slice %arg10[%dma_wait3A_187, %dma_wait3A_188] : memref<128x128xf32, #tpu.memory_space<vmem>> -> memref<64x128xf32, #tpu.memory_space<vmem>>
        %dma_wait3A_190 = arith.constant 0 : i32
        %dma_wait3A_191 = tpu.memref_slice %arg7[%min3A_159, %dma_wait3A_190] : memref<40x128xi32, #tpu.memory_space<vmem>> -> memref<1x64xi32, #tpu.memory_space<vmem>>
        %dma_wait3A_192 = tpu.memref_squeeze %dma_wait3A_191 : memref<1x64xi32, #tpu.memory_space<vmem>> -> memref<64xi32, #tpu.memory_space<vmem>>
        %dma_wait3A_193 = arith.constant 0 : i32
        %dma_wait3A_194 = arith.constant 0 : i32
        %dma_wait3A_195 = tpu.memref_slice %arg5[%dma_wait3A_193, %dma_wait3A_194] : memref<10240x128xf32, #tpu.memory_space<hbm>> -> memref<10240x128xf32, #tpu.memory_space<hbm>>
        tpu.wait_indirect_dma semaphore(%arg13 : memref<!tpu.dma_semaphore, #tpu.memory_space<semaphore_mem>>) src(%dma_wait3A_195 : memref<10240x128xf32, #tpu.memory_space<hbm>>) dst(%dma_wait3A_189 : memref<64x128xf32, #tpu.memory_space<vmem>>)
        %dma_wait3A_196 = arith.constant 64 : i32
        %dma_wait3A_197 = arith.constant 0 : i32
        %dma_wait3A_198 = tpu.memref_slice %arg10[%dma_wait3A_196, %dma_wait3A_197] : memref<128x128xf32, #tpu.memory_space<vmem>> -> memref<64x128xf32, #tpu.memory_space<vmem>>
        %dma_wait3A_199 = arith.constant 64 : i32
        %dma_wait3A_200 = tpu.memref_slice %arg7[%min3A_159, %dma_wait3A_199] : memref<40x128xi32, #tpu.memory_space<vmem>> -> memref<1x64xi32, #tpu.memory_space<vmem>>
        %dma_wait3A_201 = tpu.memref_squeeze %dma_wait3A_200 : memref<1x64xi32, #tpu.memory_space<vmem>> -> memref<64xi32, #tpu.memory_space<vmem>>
        %dma_wait3A_202 = arith.constant 0 : i32
        %dma_wait3A_203 = arith.constant 0 : i32
        %dma_wait3A_204 = tpu.memref_slice %arg5[%dma_wait3A_202, %dma_wait3A_203] : memref<10240x128xf32, #tpu.memory_space<hbm>> -> memref<10240x128xf32, #tpu.memory_space<hbm>>
        tpu.wait_indirect_dma semaphore(%arg13 : memref<!tpu.dma_semaphore, #tpu.memory_space<semaphore_mem>>) src(%dma_wait3A_204 : memref<10240x128xf32, #tpu.memory_space<hbm>>) dst(%dma_wait3A_198 : memref<64x128xf32, #tpu.memory_space<vmem>>)
        %scan3A_205 = arith.constant 0 : i32
        scf.yield %scan3A_205 : i32
      }
      %scan3A_106 = arith.constant 20 : i32
      %while3A_107 = arith.constant 0 : i32
      scf.yield %while3A_107 : i32
    }
    %barrier3A_52 = arith.constant 0 : index
    tpu.barrier barrier_id(%barrier3A_52)
    %mul3A_53 = arith.constant 640 : i32
    %mul3A_54 = arith.muli %arg1, %mul3A_53 : i32
    %mul3A_55 = arith.constant 640 : i32
    %mul3A_56 = arith.muli %arg1, %mul3A_55 : i32
    "tpu.region"() ({
      %run_scoped3A = tpu.sem_alloc : memref<!tpu.dma_semaphore, #tpu.memory_space<semaphore_mem>>
      %dma_start3A = arith.constant 0 : i32
      %dma_start3A_57 = tpu.memref_slice %arg6[%arg0, %mul3A_56, %dma_start3A] : memref<2x10240x128xf32, #tpu.memory_space<hbm>> -> memref<1x640x128xf32, #tpu.memory_space<hbm>>
      %dma_start3A_58 = tpu.memref_squeeze %dma_start3A_57 : memref<1x640x128xf32, #tpu.memory_space<hbm>> -> memref<640x128xf32, #tpu.memory_space<hbm>>
      %dma_start3A_59 = arith.constant 0 : i32
      %dma_start3A_60 = tpu.memref_slice %arg12[%mul3A_54, %dma_start3A_59] : memref<10240x128xf32, #tpu.memory_space<vmem_shared>> -> memref<640x128xf32, #tpu.memory_space<vmem_shared>>
      tpu.enqueue_dma source(%dma_start3A_60 : memref<640x128xf32, #tpu.memory_space<vmem_shared>>) target(%dma_start3A_58 : memref<640x128xf32, #tpu.memory_space<hbm>>) target_semaphore(%run_scoped3A : memref<!tpu.dma_semaphore, #tpu.memory_space<semaphore_mem>>)
      %dma_wait3A = arith.constant 0 : i32
      %dma_wait3A_61 = tpu.memref_slice %arg6[%arg0, %mul3A_56, %dma_wait3A] : memref<2x10240x128xf32, #tpu.memory_space<hbm>> -> memref<1x640x128xf32, #tpu.memory_space<hbm>>
      %dma_wait3A_62 = tpu.memref_squeeze %dma_wait3A_61 : memref<1x640x128xf32, #tpu.memory_space<hbm>> -> memref<640x128xf32, #tpu.memory_space<hbm>>
      %dma_wait3A_63 = arith.constant 0 : i32
      %dma_wait3A_64 = tpu.memref_slice %arg12[%mul3A_54, %dma_wait3A_63] : memref<10240x128xf32, #tpu.memory_space<vmem_shared>> -> memref<640x128xf32, #tpu.memory_space<vmem_shared>>
      tpu.wait_dma2 semaphore(%run_scoped3A : memref<!tpu.dma_semaphore, #tpu.memory_space<semaphore_mem>>) src(%dma_wait3A_64 : memref<640x128xf32, #tpu.memory_space<vmem_shared>>) dst(%dma_wait3A_62 : memref<640x128xf32, #tpu.memory_space<hbm>>)
      tpu.yield
    }) : () -> ()
    return
  }
}

#map = affine_map<(d0, d1) -> (0)>
module attributes {stable_mosaic.version = 14 : i64} {
  func.func @k(%arg0: i32, %arg1: i32, %arg2: memref<327680xi32, #tpu.memory_space<hbm>>, %arg3: memref<327680xi32, #tpu.memory_space<hbm>>, %arg4: memref<10240xf32, #tpu.memory_space<hbm>>, %arg5: memref<10240xf32, #tpu.memory_space<hbm>>, %arg6: memref<327680xf32, #tpu.memory_space<hbm>>, %arg7: memref<327680xf32, #tpu.memory_space<hbm>>, %arg8: memref<327680xf32, #tpu.memory_space<hbm>>, %arg9: memref<10240xi32, #tpu.memory_space<vmem>>, %arg10: memref<10240xi32, #tpu.memory_space<vmem>>, %arg11: memref<10240xf32, #tpu.memory_space<vmem>>, %arg12: memref<10240xf32, #tpu.memory_space<vmem>>, %arg13: memref<10240xf32, #tpu.memory_space<vmem>>, %arg14: memref<10240xf32, #tpu.memory_space<vmem>>, %arg15: memref<10240xf32, #tpu.memory_space<vmem>>) attributes {dimension_semantics = [#tpu.dimension_semantics<core_parallel>, #tpu.dimension_semantics<subcore_parallel>], iteration_bounds = array<i64: 2, 16>, scalar_prefetch = 0 : i64, scratch_operands = 7 : i64, tpu.core_type = #tpu.core_type<sc_vector_subcore>, window_params = [{transform_indices = #map}, {transform_indices = #map}, {transform_indices = #map}, {transform_indices = #map}, {transform_indices = #map}, {transform_indices = #map}, {transform_indices = #map}]} {
    %mul3A = arith.constant 2 : i32
    %mul3A_0 = arith.muli %arg1, %mul3A : i32
    %add3A = arith.addi %mul3A_0, %arg0 : i32
    %mul3A_1 = arith.constant 10240 : i32
    %mul3A_2 = arith.muli %add3A, %mul3A_1 : i32
    "tpu.region"() ({
      %run_scoped3A = tpu.sem_alloc : memref<!tpu.dma_semaphore, #tpu.memory_space<semaphore_mem>>
      %dma_start3A = tpu.memref_slice %arg2[%mul3A_2] : memref<327680xi32, #tpu.memory_space<hbm>> -> memref<10240xi32, #tpu.memory_space<hbm>>
      %dma_start3A_27 = tpu.memref_slice %arg2[%mul3A_2] : memref<327680xi32, #tpu.memory_space<hbm>> -> memref<10240xi32, #tpu.memory_space<hbm>>
      tpu.enqueue_dma source(%dma_start3A_27 : memref<10240xi32, #tpu.memory_space<hbm>>) target(%arg9 : memref<10240xi32, #tpu.memory_space<vmem>>) target_semaphore(%run_scoped3A : memref<!tpu.dma_semaphore, #tpu.memory_space<semaphore_mem>>)
      %dma_wait3A = tpu.memref_slice %arg2[%mul3A_2] : memref<327680xi32, #tpu.memory_space<hbm>> -> memref<10240xi32, #tpu.memory_space<hbm>>
      %dma_wait3A_28 = tpu.memref_slice %arg2[%mul3A_2] : memref<327680xi32, #tpu.memory_space<hbm>> -> memref<10240xi32, #tpu.memory_space<hbm>>
      tpu.wait_dma2 semaphore(%run_scoped3A : memref<!tpu.dma_semaphore, #tpu.memory_space<semaphore_mem>>) src(%dma_wait3A_28 : memref<10240xi32, #tpu.memory_space<hbm>>) dst(%arg9 : memref<10240xi32, #tpu.memory_space<vmem>>)
      tpu.yield
    }) : () -> ()
    %mul3A_3 = arith.constant 10240 : i32
    %mul3A_4 = arith.muli %add3A, %mul3A_3 : i32
    "tpu.region"() ({
      %run_scoped3A = tpu.sem_alloc : memref<!tpu.dma_semaphore, #tpu.memory_space<semaphore_mem>>
      %dma_start3A = tpu.memref_slice %arg3[%mul3A_4] : memref<327680xi32, #tpu.memory_space<hbm>> -> memref<10240xi32, #tpu.memory_space<hbm>>
      %dma_start3A_27 = tpu.memref_slice %arg3[%mul3A_4] : memref<327680xi32, #tpu.memory_space<hbm>> -> memref<10240xi32, #tpu.memory_space<hbm>>
      tpu.enqueue_dma source(%dma_start3A_27 : memref<10240xi32, #tpu.memory_space<hbm>>) target(%arg10 : memref<10240xi32, #tpu.memory_space<vmem>>) target_semaphore(%run_scoped3A : memref<!tpu.dma_semaphore, #tpu.memory_space<semaphore_mem>>)
      %dma_wait3A = tpu.memref_slice %arg3[%mul3A_4] : memref<327680xi32, #tpu.memory_space<hbm>> -> memref<10240xi32, #tpu.memory_space<hbm>>
      %dma_wait3A_28 = tpu.memref_slice %arg3[%mul3A_4] : memref<327680xi32, #tpu.memory_space<hbm>> -> memref<10240xi32, #tpu.memory_space<hbm>>
      tpu.wait_dma2 semaphore(%run_scoped3A : memref<!tpu.dma_semaphore, #tpu.memory_space<semaphore_mem>>) src(%dma_wait3A_28 : memref<10240xi32, #tpu.memory_space<hbm>>) dst(%arg10 : memref<10240xi32, #tpu.memory_space<vmem>>)
      tpu.yield
    }) : () -> ()
    "tpu.region"() ({
      %run_scoped3A = tpu.sem_alloc : memref<!tpu.dma_semaphore, #tpu.memory_space<semaphore_mem>>
      tpu.enqueue_dma source(%arg4 : memref<10240xf32, #tpu.memory_space<hbm>>) target(%arg12 : memref<10240xf32, #tpu.memory_space<vmem>>) target_semaphore(%run_scoped3A : memref<!tpu.dma_semaphore, #tpu.memory_space<semaphore_mem>>)
      tpu.wait_dma2 semaphore(%run_scoped3A : memref<!tpu.dma_semaphore, #tpu.memory_space<semaphore_mem>>) src(%arg4 : memref<10240xf32, #tpu.memory_space<hbm>>) dst(%arg12 : memref<10240xf32, #tpu.memory_space<vmem>>)
      tpu.yield
    }) : () -> ()
    "tpu.region"() ({
      %run_scoped3A = tpu.sem_alloc : memref<!tpu.dma_semaphore, #tpu.memory_space<semaphore_mem>>
      tpu.enqueue_dma source(%arg5 : memref<10240xf32, #tpu.memory_space<hbm>>) target(%arg13 : memref<10240xf32, #tpu.memory_space<vmem>>) target_semaphore(%run_scoped3A : memref<!tpu.dma_semaphore, #tpu.memory_space<semaphore_mem>>)
      tpu.wait_dma2 semaphore(%run_scoped3A : memref<!tpu.dma_semaphore, #tpu.memory_space<semaphore_mem>>) src(%arg5 : memref<10240xf32, #tpu.memory_space<hbm>>) dst(%arg13 : memref<10240xf32, #tpu.memory_space<vmem>>)
      tpu.yield
    }) : () -> ()
    %broadcast_in_dim3A = arith.constant 0.000000e+00 : f32
    %broadcast_in_dim3A_5 = vector.broadcast %broadcast_in_dim3A : f32 to vector<16xf32>
    %broadcast_in_dim3A_6 = arith.constant 1.000000e+00 : f32
    %broadcast_in_dim3A_7 = vector.broadcast %broadcast_in_dim3A_6 : f32 to vector<16xf32>
    %scan3A = arith.constant 0 : i32
    %scan3A_8 = arith.constant 0 : i32
    %scan3A_9 = arith.constant 640 : i32
    %scan3A_10 = arith.addi %scan3A_8, %scan3A_9 : i32
    %scan3A_11 = arith.constant 1 : i32
    %scan3A_12 = scf.for %scan3A_27 = %scan3A_8 to %scan3A_10 step %scan3A_11 iter_args(%scan3A_28 = %scan3A) -> (i32)  : i32 {
      %mul3A_29 = arith.constant 16 : i32
      %mul3A_30 = arith.muli %scan3A_27, %mul3A_29 : i32
      %swap3A = arith.index_cast %mul3A_30 : i32 to index
      %swap3A_31 = tpu.vector_load %arg14[%swap3A] {strides = array<i32>} : memref<10240xf32, #tpu.memory_space<vmem>>, vector<16xf32>,
      tpu.vector_store %arg14[%swap3A], %broadcast_in_dim3A_5 {strides = array<i32>} : memref<10240xf32, #tpu.memory_space<vmem>>, vector<16xf32>,
      %mul3A_32 = arith.constant 16 : i32
      %mul3A_33 = arith.muli %scan3A_27, %mul3A_32 : i32
      %swap3A_34 = arith.index_cast %mul3A_33 : i32 to index
      %swap3A_35 = tpu.vector_load %arg15[%swap3A_34] {strides = array<i32>} : memref<10240xf32, #tpu.memory_space<vmem>>, vector<16xf32>,
      tpu.vector_store %arg15[%swap3A_34], %broadcast_in_dim3A_5 {strides = array<i32>} : memref<10240xf32, #tpu.memory_space<vmem>>, vector<16xf32>,
      %scan3A_36 = arith.constant 0 : i32
      scf.yield %scan3A_36 : i32
    }
    %scan3A_13 = arith.constant 640 : i32
    %scan3A_14 = arith.constant 0 : i32
    %scan3A_15 = arith.constant 0 : i32
    %scan3A_16 = arith.constant 320 : i32
    %scan3A_17 = arith.addi %scan3A_15, %scan3A_16 : i32
    %scan3A_18 = arith.constant 1 : i32
    %scan3A_19 = scf.for %scan3A_27 = %scan3A_15 to %scan3A_17 step %scan3A_18 iter_args(%scan3A_28 = %scan3A_14) -> (i32)  : i32 {
      %mul3A_29 = arith.constant 2 : i32
      %mul3A_30 = arith.muli %scan3A_27, %mul3A_29 : i32
      %add3A_31 = arith.constant 0 : i32
      %add3A_32 = arith.addi %mul3A_30, %add3A_31 : i32
      %mul3A_33 = arith.constant 16 : i32
      %mul3A_34 = arith.muli %add3A_32, %mul3A_33 : i32
      %get3A = arith.index_cast %mul3A_34 : i32 to index
      %get3A_35 = tpu.vector_load %arg9[%get3A] {strides = array<i32>} : memref<10240xi32, #tpu.memory_space<vmem>>, vector<16xi32>,
      %mul3A_36 = arith.constant 16 : i32
      %mul3A_37 = arith.muli %add3A_32, %mul3A_36 : i32
      %get3A_38 = arith.index_cast %mul3A_37 : i32 to index
      %get3A_39 = tpu.vector_load %arg10[%get3A_38] {strides = array<i32>} : memref<10240xi32, #tpu.memory_space<vmem>>, vector<16xi32>,
      %gather3A = tpu.vector_load_idx %arg12[%get3A_35] : memref<10240xf32, #tpu.memory_space<vmem>>[vector<16xi32>], vector<16xf32>,
      %gather3A_40 = tpu.vector_load_idx %arg13[%get3A_39] : memref<10240xf32, #tpu.memory_space<vmem>>[vector<16xi32>], vector<16xf32>,
      %add3A_41 = arith.addf %gather3A, %gather3A_40 : vector<16xf32>
      %ge3A = arith.constant 0.000000e+00 : f32
      %ge3A_42 = vector.broadcast %ge3A : f32 to vector<16xf32>
      %ge3A_43 = arith.cmpf oge, %add3A_41, %ge3A_42 : vector<16xf32>
      %mul3A_44 = arith.constant 2.000000e-01 : f32
      %mul3A_45 = vector.broadcast %mul3A_44 : f32 to vector<16xf32>
      %mul3A_46 = arith.mulf %add3A_41, %mul3A_45 : vector<16xf32>
      %select_n3A = arith.select %ge3A_43, %add3A_41, %mul3A_46 : vector<16xi1>, vector<16xf32>
      %exp3A = math.exp %select_n3A : vector<16xf32>
      tpu.vector_store_idx %arg14[%get3A_39], %exp3A {add = true} : memref<10240xf32, #tpu.memory_space<vmem>>[vector<16xi32>], vector<16xf32>,
      tpu.vector_store_idx %arg15[%get3A_39], %broadcast_in_dim3A_7 {add = true} : memref<10240xf32, #tpu.memory_space<vmem>>[vector<16xi32>], vector<16xf32>,
      %mul3A_47 = arith.constant 16 : i32
      %mul3A_48 = arith.muli %add3A_32, %mul3A_47 : i32
      %swap3A = arith.index_cast %mul3A_48 : i32 to index
      %swap3A_49 = tpu.vector_load %arg11[%swap3A] {strides = array<i32>} : memref<10240xf32, #tpu.memory_space<vmem>>, vector<16xf32>,
      tpu.vector_store %arg11[%swap3A], %exp3A {strides = array<i32>} : memref<10240xf32, #tpu.memory_space<vmem>>, vector<16xf32>,
      %mul3A_50 = arith.constant 2 : i32
      %mul3A_51 = arith.muli %scan3A_27, %mul3A_50 : i32
      %add3A_52 = arith.constant 1 : i32
      %add3A_53 = arith.addi %mul3A_51, %add3A_52 : i32
      %mul3A_54 = arith.constant 16 : i32
      %mul3A_55 = arith.muli %add3A_53, %mul3A_54 : i32
      %get3A_56 = arith.index_cast %mul3A_55 : i32 to index
      %get3A_57 = tpu.vector_load %arg9[%get3A_56] {strides = array<i32>} : memref<10240xi32, #tpu.memory_space<vmem>>, vector<16xi32>,
      %mul3A_58 = arith.constant 16 : i32
      %mul3A_59 = arith.muli %add3A_53, %mul3A_58 : i32
      %get3A_60 = arith.index_cast %mul3A_59 : i32 to index
      %get3A_61 = tpu.vector_load %arg10[%get3A_60] {strides = array<i32>} : memref<10240xi32, #tpu.memory_space<vmem>>, vector<16xi32>,
      %gather3A_62 = tpu.vector_load_idx %arg12[%get3A_57] : memref<10240xf32, #tpu.memory_space<vmem>>[vector<16xi32>], vector<16xf32>,
      %gather3A_63 = tpu.vector_load_idx %arg13[%get3A_61] : memref<10240xf32, #tpu.memory_space<vmem>>[vector<16xi32>], vector<16xf32>,
      %add3A_64 = arith.addf %gather3A_62, %gather3A_63 : vector<16xf32>
      %ge3A_65 = arith.constant 0.000000e+00 : f32
      %ge3A_66 = vector.broadcast %ge3A_65 : f32 to vector<16xf32>
      %ge3A_67 = arith.cmpf oge, %add3A_64, %ge3A_66 : vector<16xf32>
      %mul3A_68 = arith.constant 2.000000e-01 : f32
      %mul3A_69 = vector.broadcast %mul3A_68 : f32 to vector<16xf32>
      %mul3A_70 = arith.mulf %add3A_64, %mul3A_69 : vector<16xf32>
      %select_n3A_71 = arith.select %ge3A_67, %add3A_64, %mul3A_70 : vector<16xi1>, vector<16xf32>
      %exp3A_72 = math.exp %select_n3A_71 : vector<16xf32>
      tpu.vector_store_idx %arg14[%get3A_61], %exp3A_72 {add = true} : memref<10240xf32, #tpu.memory_space<vmem>>[vector<16xi32>], vector<16xf32>,
      tpu.vector_store_idx %arg15[%get3A_61], %broadcast_in_dim3A_7 {add = true} : memref<10240xf32, #tpu.memory_space<vmem>>[vector<16xi32>], vector<16xf32>,
      %mul3A_73 = arith.constant 16 : i32
      %mul3A_74 = arith.muli %add3A_53, %mul3A_73 : i32
      %swap3A_75 = arith.index_cast %mul3A_74 : i32 to index
      %swap3A_76 = tpu.vector_load %arg11[%swap3A_75] {strides = array<i32>} : memref<10240xf32, #tpu.memory_space<vmem>>, vector<16xf32>,
      tpu.vector_store %arg11[%swap3A_75], %exp3A_72 {strides = array<i32>} : memref<10240xf32, #tpu.memory_space<vmem>>, vector<16xf32>,
      %scan3A_77 = arith.constant 0 : i32
      scf.yield %scan3A_77 : i32
    }
    %scan3A_20 = arith.constant 320 : i32
    %mul3A_21 = arith.constant 10240 : i32
    %mul3A_22 = arith.muli %add3A, %mul3A_21 : i32
    "tpu.region"() ({
      %run_scoped3A = tpu.sem_alloc : memref<!tpu.dma_semaphore, #tpu.memory_space<semaphore_mem>>
      %dma_start3A = tpu.memref_slice %arg6[%mul3A_22] : memref<327680xf32, #tpu.memory_space<hbm>> -> memref<10240xf32, #tpu.memory_space<hbm>>
      %dma_start3A_27 = tpu.memref_slice %arg6[%mul3A_22] : memref<327680xf32, #tpu.memory_space<hbm>> -> memref<10240xf32, #tpu.memory_space<hbm>>
      tpu.enqueue_dma source(%arg11 : memref<10240xf32, #tpu.memory_space<vmem>>) target(%dma_start3A_27 : memref<10240xf32, #tpu.memory_space<hbm>>) target_semaphore(%run_scoped3A : memref<!tpu.dma_semaphore, #tpu.memory_space<semaphore_mem>>)
      %dma_wait3A = tpu.memref_slice %arg6[%mul3A_22] : memref<327680xf32, #tpu.memory_space<hbm>> -> memref<10240xf32, #tpu.memory_space<hbm>>
      %dma_wait3A_28 = tpu.memref_slice %arg6[%mul3A_22] : memref<327680xf32, #tpu.memory_space<hbm>> -> memref<10240xf32, #tpu.memory_space<hbm>>
      tpu.wait_dma2 semaphore(%run_scoped3A : memref<!tpu.dma_semaphore, #tpu.memory_space<semaphore_mem>>) src(%arg11 : memref<10240xf32, #tpu.memory_space<vmem>>) dst(%dma_wait3A_28 : memref<10240xf32, #tpu.memory_space<hbm>>)
      tpu.yield
    }) : () -> ()
    %mul3A_23 = arith.constant 10240 : i32
    %mul3A_24 = arith.muli %add3A, %mul3A_23 : i32
    "tpu.region"() ({
      %run_scoped3A = tpu.sem_alloc : memref<!tpu.dma_semaphore, #tpu.memory_space<semaphore_mem>>
      %dma_start3A = tpu.memref_slice %arg7[%mul3A_24] : memref<327680xf32, #tpu.memory_space<hbm>> -> memref<10240xf32, #tpu.memory_space<hbm>>
      %dma_start3A_27 = tpu.memref_slice %arg7[%mul3A_24] : memref<327680xf32, #tpu.memory_space<hbm>> -> memref<10240xf32, #tpu.memory_space<hbm>>
      tpu.enqueue_dma source(%arg14 : memref<10240xf32, #tpu.memory_space<vmem>>) target(%dma_start3A_27 : memref<10240xf32, #tpu.memory_space<hbm>>) target_semaphore(%run_scoped3A : memref<!tpu.dma_semaphore, #tpu.memory_space<semaphore_mem>>)
      %dma_wait3A = tpu.memref_slice %arg7[%mul3A_24] : memref<327680xf32, #tpu.memory_space<hbm>> -> memref<10240xf32, #tpu.memory_space<hbm>>
      %dma_wait3A_28 = tpu.memref_slice %arg7[%mul3A_24] : memref<327680xf32, #tpu.memory_space<hbm>> -> memref<10240xf32, #tpu.memory_space<hbm>>
      tpu.wait_dma2 semaphore(%run_scoped3A : memref<!tpu.dma_semaphore, #tpu.memory_space<semaphore_mem>>) src(%arg14 : memref<10240xf32, #tpu.memory_space<vmem>>) dst(%dma_wait3A_28 : memref<10240xf32, #tpu.memory_space<hbm>>)
      tpu.yield
    }) : () -> ()
    %mul3A_25 = arith.constant 10240 : i32
    %mul3A_26 = arith.muli %add3A, %mul3A_25 : i32
    "tpu.region"() ({
      %run_scoped3A = tpu.sem_alloc : memref<!tpu.dma_semaphore, #tpu.memory_space<semaphore_mem>>
      %dma_start3A = tpu.memref_slice %arg8[%mul3A_26] : memref<327680xf32, #tpu.memory_space<hbm>> -> memref<10240xf32, #tpu.memory_space<hbm>>
      %dma_start3A_27 = tpu.memref_slice %arg8[%mul3A_26] : memref<327680xf32, #tpu.memory_space<hbm>> -> memref<10240xf32, #tpu.memory_space<hbm>>
      tpu.enqueue_dma source(%arg15 : memref<10240xf32, #tpu.memory_space<vmem>>) target(%dma_start3A_27 : memref<10240xf32, #tpu.memory_space<hbm>>) target_semaphore(%run_scoped3A : memref<!tpu.dma_semaphore, #tpu.memory_space<semaphore_mem>>)
      %dma_wait3A = tpu.memref_slice %arg8[%mul3A_26] : memref<327680xf32, #tpu.memory_space<hbm>> -> memref<10240xf32, #tpu.memory_space<hbm>>
      %dma_wait3A_28 = tpu.memref_slice %arg8[%mul3A_26] : memref<327680xf32, #tpu.memory_space<hbm>> -> memref<10240xf32, #tpu.memory_space<hbm>>
      tpu.wait_dma2 semaphore(%run_scoped3A : memref<!tpu.dma_semaphore, #tpu.memory_space<semaphore_mem>>) src(%arg15 : memref<10240xf32, #tpu.memory_space<vmem>>) dst(%dma_wait3A_28 : memref<10240xf32, #tpu.memory_space<hbm>>)
      tpu.yield
    }) : () -> ()
    return
  }
}

#map = affine_map<(d0, d1) -> (0)>
module attributes {stable_mosaic.version = 14 : i64} {
  func.func @k(%arg0: i32, %arg1: i32, %arg2: memref<327680xi32, #tpu.memory_space<hbm>>, %arg3: memref<327680xi32, #tpu.memory_space<hbm>>, %arg4: memref<10240xf32, #tpu.memory_space<hbm>>, %arg5: memref<327680xf32, #tpu.memory_space<hbm>>, %arg6: memref<10240xi32, #tpu.memory_space<vmem>>, %arg7: memref<10240xi32, #tpu.memory_space<vmem>>, %arg8: memref<10240xf32, #tpu.memory_space<vmem>>, %arg9: memref<10240xf32, #tpu.memory_space<vmem>>) attributes {dimension_semantics = [#tpu.dimension_semantics<core_parallel>, #tpu.dimension_semantics<subcore_parallel>], iteration_bounds = array<i64: 2, 16>, scalar_prefetch = 0 : i64, scratch_operands = 4 : i64, tpu.core_type = #tpu.core_type<sc_vector_subcore>, window_params = [{transform_indices = #map}, {transform_indices = #map}, {transform_indices = #map}, {transform_indices = #map}]} {
    %mul3A = arith.constant 2 : i32
    %mul3A_0 = arith.muli %arg1, %mul3A : i32
    %add3A = arith.addi %mul3A_0, %arg0 : i32
    %mul3A_1 = arith.constant 10240 : i32
    %mul3A_2 = arith.muli %add3A, %mul3A_1 : i32
    "tpu.region"() ({
      %run_scoped3A = tpu.sem_alloc : memref<!tpu.dma_semaphore, #tpu.memory_space<semaphore_mem>>
      %dma_start3A = tpu.memref_slice %arg2[%mul3A_2] : memref<327680xi32, #tpu.memory_space<hbm>> -> memref<10240xi32, #tpu.memory_space<hbm>>
      %dma_start3A_21 = tpu.memref_slice %arg2[%mul3A_2] : memref<327680xi32, #tpu.memory_space<hbm>> -> memref<10240xi32, #tpu.memory_space<hbm>>
      tpu.enqueue_dma source(%dma_start3A_21 : memref<10240xi32, #tpu.memory_space<hbm>>) target(%arg6 : memref<10240xi32, #tpu.memory_space<vmem>>) target_semaphore(%run_scoped3A : memref<!tpu.dma_semaphore, #tpu.memory_space<semaphore_mem>>)
      %dma_wait3A = tpu.memref_slice %arg2[%mul3A_2] : memref<327680xi32, #tpu.memory_space<hbm>> -> memref<10240xi32, #tpu.memory_space<hbm>>
      %dma_wait3A_22 = tpu.memref_slice %arg2[%mul3A_2] : memref<327680xi32, #tpu.memory_space<hbm>> -> memref<10240xi32, #tpu.memory_space<hbm>>
      tpu.wait_dma2 semaphore(%run_scoped3A : memref<!tpu.dma_semaphore, #tpu.memory_space<semaphore_mem>>) src(%dma_wait3A_22 : memref<10240xi32, #tpu.memory_space<hbm>>) dst(%arg6 : memref<10240xi32, #tpu.memory_space<vmem>>)
      tpu.yield
    }) : () -> ()
    %mul3A_3 = arith.constant 10240 : i32
    %mul3A_4 = arith.muli %add3A, %mul3A_3 : i32
    "tpu.region"() ({
      %run_scoped3A = tpu.sem_alloc : memref<!tpu.dma_semaphore, #tpu.memory_space<semaphore_mem>>
      %dma_start3A = tpu.memref_slice %arg3[%mul3A_4] : memref<327680xi32, #tpu.memory_space<hbm>> -> memref<10240xi32, #tpu.memory_space<hbm>>
      %dma_start3A_21 = tpu.memref_slice %arg3[%mul3A_4] : memref<327680xi32, #tpu.memory_space<hbm>> -> memref<10240xi32, #tpu.memory_space<hbm>>
      tpu.enqueue_dma source(%dma_start3A_21 : memref<10240xi32, #tpu.memory_space<hbm>>) target(%arg7 : memref<10240xi32, #tpu.memory_space<vmem>>) target_semaphore(%run_scoped3A : memref<!tpu.dma_semaphore, #tpu.memory_space<semaphore_mem>>)
      %dma_wait3A = tpu.memref_slice %arg3[%mul3A_4] : memref<327680xi32, #tpu.memory_space<hbm>> -> memref<10240xi32, #tpu.memory_space<hbm>>
      %dma_wait3A_22 = tpu.memref_slice %arg3[%mul3A_4] : memref<327680xi32, #tpu.memory_space<hbm>> -> memref<10240xi32, #tpu.memory_space<hbm>>
      tpu.wait_dma2 semaphore(%run_scoped3A : memref<!tpu.dma_semaphore, #tpu.memory_space<semaphore_mem>>) src(%dma_wait3A_22 : memref<10240xi32, #tpu.memory_space<hbm>>) dst(%arg7 : memref<10240xi32, #tpu.memory_space<vmem>>)
      tpu.yield
    }) : () -> ()
    "tpu.region"() ({
      %run_scoped3A = tpu.sem_alloc : memref<!tpu.dma_semaphore, #tpu.memory_space<semaphore_mem>>
      tpu.enqueue_dma source(%arg4 : memref<10240xf32, #tpu.memory_space<hbm>>) target(%arg8 : memref<10240xf32, #tpu.memory_space<vmem>>) target_semaphore(%run_scoped3A : memref<!tpu.dma_semaphore, #tpu.memory_space<semaphore_mem>>)
      tpu.wait_dma2 semaphore(%run_scoped3A : memref<!tpu.dma_semaphore, #tpu.memory_space<semaphore_mem>>) src(%arg4 : memref<10240xf32, #tpu.memory_space<hbm>>) dst(%arg8 : memref<10240xf32, #tpu.memory_space<vmem>>)
      tpu.yield
    }) : () -> ()
    %broadcast_in_dim3A = arith.constant 0.000000e+00 : f32
    %broadcast_in_dim3A_5 = vector.broadcast %broadcast_in_dim3A : f32 to vector<16xf32>
    %scan3A = arith.constant 0 : i32
    %scan3A_6 = arith.constant 0 : i32
    %scan3A_7 = arith.constant 640 : i32
    %scan3A_8 = arith.addi %scan3A_6, %scan3A_7 : i32
    %scan3A_9 = arith.constant 1 : i32
    %scan3A_10 = scf.for %scan3A_21 = %scan3A_6 to %scan3A_8 step %scan3A_9 iter_args(%scan3A_22 = %scan3A) -> (i32)  : i32 {
      %mul3A_23 = arith.constant 16 : i32
      %mul3A_24 = arith.muli %scan3A_21, %mul3A_23 : i32
      %swap3A = arith.index_cast %mul3A_24 : i32 to index
      %swap3A_25 = tpu.vector_load %arg9[%swap3A] {strides = array<i32>} : memref<10240xf32, #tpu.memory_space<vmem>>, vector<16xf32>,
      tpu.vector_store %arg9[%swap3A], %broadcast_in_dim3A_5 {strides = array<i32>} : memref<10240xf32, #tpu.memory_space<vmem>>, vector<16xf32>,
      %scan3A_26 = arith.constant 0 : i32
      scf.yield %scan3A_26 : i32
    }
    %scan3A_11 = arith.constant 640 : i32
    %scan3A_12 = arith.constant 0 : i32
    %scan3A_13 = arith.constant 0 : i32
    %scan3A_14 = arith.constant 320 : i32
    %scan3A_15 = arith.addi %scan3A_13, %scan3A_14 : i32
    %scan3A_16 = arith.constant 1 : i32
    %scan3A_17 = scf.for %scan3A_21 = %scan3A_13 to %scan3A_15 step %scan3A_16 iter_args(%scan3A_22 = %scan3A_12) -> (i32)  : i32 {
      %mul3A_23 = arith.constant 2 : i32
      %mul3A_24 = arith.muli %scan3A_21, %mul3A_23 : i32
      %add3A_25 = arith.constant 0 : i32
      %add3A_26 = arith.addi %mul3A_24, %add3A_25 : i32
      %mul3A_27 = arith.constant 16 : i32
      %mul3A_28 = arith.muli %add3A_26, %mul3A_27 : i32
      %get3A = arith.index_cast %mul3A_28 : i32 to index
      %get3A_29 = tpu.vector_load %arg6[%get3A] {strides = array<i32>} : memref<10240xi32, #tpu.memory_space<vmem>>, vector<16xi32>,
      %mul3A_30 = arith.constant 16 : i32
      %mul3A_31 = arith.muli %add3A_26, %mul3A_30 : i32
      %get3A_32 = arith.index_cast %mul3A_31 : i32 to index
      %get3A_33 = tpu.vector_load %arg7[%get3A_32] {strides = array<i32>} : memref<10240xi32, #tpu.memory_space<vmem>>, vector<16xi32>,
      %gather3A = tpu.vector_load_idx %arg8[%get3A_29] : memref<10240xf32, #tpu.memory_space<vmem>>[vector<16xi32>], vector<16xf32>,
      tpu.vector_store_idx %arg9[%get3A_33], %gather3A {add = true} : memref<10240xf32, #tpu.memory_space<vmem>>[vector<16xi32>], vector<16xf32>,
      %mul3A_34 = arith.constant 2 : i32
      %mul3A_35 = arith.muli %scan3A_21, %mul3A_34 : i32
      %add3A_36 = arith.constant 1 : i32
      %add3A_37 = arith.addi %mul3A_35, %add3A_36 : i32
      %mul3A_38 = arith.constant 16 : i32
      %mul3A_39 = arith.muli %add3A_37, %mul3A_38 : i32
      %get3A_40 = arith.index_cast %mul3A_39 : i32 to index
      %get3A_41 = tpu.vector_load %arg6[%get3A_40] {strides = array<i32>} : memref<10240xi32, #tpu.memory_space<vmem>>, vector<16xi32>,
      %mul3A_42 = arith.constant 16 : i32
      %mul3A_43 = arith.muli %add3A_37, %mul3A_42 : i32
      %get3A_44 = arith.index_cast %mul3A_43 : i32 to index
      %get3A_45 = tpu.vector_load %arg7[%get3A_44] {strides = array<i32>} : memref<10240xi32, #tpu.memory_space<vmem>>, vector<16xi32>,
      %gather3A_46 = tpu.vector_load_idx %arg8[%get3A_41] : memref<10240xf32, #tpu.memory_space<vmem>>[vector<16xi32>], vector<16xf32>,
      tpu.vector_store_idx %arg9[%get3A_45], %gather3A_46 {add = true} : memref<10240xf32, #tpu.memory_space<vmem>>[vector<16xi32>], vector<16xf32>,
      %scan3A_47 = arith.constant 0 : i32
      scf.yield %scan3A_47 : i32
    }
    %scan3A_18 = arith.constant 320 : i32
    %mul3A_19 = arith.constant 10240 : i32
    %mul3A_20 = arith.muli %add3A, %mul3A_19 : i32
    "tpu.region"() ({
      %run_scoped3A = tpu.sem_alloc : memref<!tpu.dma_semaphore, #tpu.memory_space<semaphore_mem>>
      %dma_start3A = tpu.memref_slice %arg5[%mul3A_20] : memref<327680xf32, #tpu.memory_space<hbm>> -> memref<10240xf32, #tpu.memory_space<hbm>>
      %dma_start3A_21 = tpu.memref_slice %arg5[%mul3A_20] : memref<327680xf32, #tpu.memory_space<hbm>> -> memref<10240xf32, #tpu.memory_space<hbm>>
      tpu.enqueue_dma source(%arg9 : memref<10240xf32, #tpu.memory_space<vmem>>) target(%dma_start3A_21 : memref<10240xf32, #tpu.memory_space<hbm>>) target_semaphore(%run_scoped3A : memref<!tpu.dma_semaphore, #tpu.memory_space<semaphore_mem>>)
      %dma_wait3A = tpu.memref_slice %arg5[%mul3A_20] : memref<327680xf32, #tpu.memory_space<hbm>> -> memref<10240xf32, #tpu.memory_space<hbm>>
      %dma_wait3A_22 = tpu.memref_slice %arg5[%mul3A_20] : memref<327680xf32, #tpu.memory_space<hbm>> -> memref<10240xf32, #tpu.memory_space<hbm>>
      tpu.wait_dma2 semaphore(%run_scoped3A : memref<!tpu.dma_semaphore, #tpu.memory_space<semaphore_mem>>) src(%arg9 : memref<10240xf32, #tpu.memory_space<vmem>>) dst(%dma_wait3A_22 : memref<10240xf32, #tpu.memory_space<hbm>>)
      tpu.yield
    }) : () -> ()
    return
  }
}

module attributes {stable_mosaic.version = 14 : i64} {
  func.func @_tc1_body(%arg0: i32, %arg1: memref<1000x128xf32, #tpu.memory_space<vmem>>, %arg2: memref<128x128xf32, #tpu.memory_space<vmem>>, %arg3: memref<128xf32, #tpu.memory_space<vmem>>, %arg4: memref<128xf32, #tpu.memory_space<vmem>>, %arg5: memref<1000x128xf32, #tpu.memory_space<vmem>>, %arg6: memref<1000x1xf32, #tpu.memory_space<vmem>>, %arg7: memref<1000x1xf32, #tpu.memory_space<vmem>>) attributes {dimension_semantics = [#tpu.dimension_semantics<arbitrary>], iteration_bounds = array<i64: 10>, scalar_prefetch = 0 : i64, scratch_operands = 0 : i64, tpu.core_type = #tpu.core_type<tc>, window_params = [{transform_indices = @transform_0, window_bounds = array<i64: 1000, 128>}, {pipeline_mode = #tpu.pipeline_mode<synchronous>, transform_indices = @transform_1, window_bounds = array<i64: 128, 128>}, {pipeline_mode = #tpu.pipeline_mode<synchronous>, transform_indices = @transform_2, window_bounds = array<i64: 128>}, {pipeline_mode = #tpu.pipeline_mode<synchronous>, transform_indices = @transform_3, window_bounds = array<i64: 128>}, {transform_indices = @transform_4, window_bounds = array<i64: 1000, 128>}, {transform_indices = @transform_5, window_bounds = array<i64: 1000, 1>}, {transform_indices = @transform_6, window_bounds = array<i64: 1000, 1>}]} {
    %get3A = arith.constant 0 : index
    %get3A_0 = arith.constant 0 : index
    %get3A_1 = vector.load %arg1[%get3A, %get3A_0] : memref<1000x128xf32, #tpu.memory_space<vmem>>, vector<1000x128xf32>
    %get3A_2 = arith.constant 0 : index
    %get3A_3 = arith.constant 0 : index
    %get3A_4 = vector.load %arg2[%get3A_2, %get3A_3] : memref<128x128xf32, #tpu.memory_space<vmem>>, vector<128x128xf32>
    %dot_general3A = arith.constant dense<0.000000e+00> : vector<1000x128xf32>
    %dot_general3A_5 = tpu.matmul %get3A_1, %get3A_4, %dot_general3A {dimension_numbers = #tpu.dot_dimension_numbers<[1], [0], [0], [1], [0, 0, 1, 1], [], []>, transpose_lhs_hint = false} : vector<1000x128xf32>, vector<128x128xf32>, vector<1000x128xf32> -> vector<1000x128xf32>
    %swap3A = arith.constant 0 : index
    %swap3A_6 = arith.constant 0 : index
    %swap3A_7 = vector.load %arg5[%swap3A, %swap3A_6] : memref<1000x128xf32, #tpu.memory_space<vmem>>, vector<1000x128xf32>
    tpu.vector_store %arg5[%swap3A, %swap3A_6], %dot_general3A_5 {strides = array<i32>} : memref<1000x128xf32, #tpu.memory_space<vmem>>, vector<1000x128xf32>,
    %get3A_8 = arith.constant 0 : index
    %get3A_9 = vector.load %arg3[%get3A_8] : memref<128xf32, #tpu.memory_space<vmem>>, vector<128xf32>
    %broadcast_in_dim3A = vector.shape_cast %get3A_9 : vector<128xf32> to vector<1x128xf32>
    %mul3A = vector.broadcast %broadcast_in_dim3A : vector<1x128xf32> to vector<1000x128xf32>
    %mul3A_10 = arith.mulf %dot_general3A_5, %mul3A : vector<1000x128xf32>
    %reduce_sum3A = arith.constant dense<0.000000e+00> : vector<1000xf32>
    %reduce_sum3A_11 = vector.multi_reduction <add>, %mul3A_10, %reduce_sum3A [1] : vector<1000x128xf32> to vector<1000xf32>
    %broadcast_in_dim3A_12 = vector.shape_cast %reduce_sum3A_11 : vector<1000xf32> to vector<1000x1xf32>
    %swap3A_13 = arith.constant 0 : index
    %swap3A_14 = arith.constant 0 : index
    %swap3A_15 = vector.load %arg6[%swap3A_13, %swap3A_14] : memref<1000x1xf32, #tpu.memory_space<vmem>>, vector<1000x1xf32>
    tpu.vector_store %arg6[%swap3A_13, %swap3A_14], %broadcast_in_dim3A_12 {strides = array<i32>} : memref<1000x1xf32, #tpu.memory_space<vmem>>, vector<1000x1xf32>,
    %get3A_16 = arith.constant 0 : index
    %get3A_17 = vector.load %arg4[%get3A_16] : memref<128xf32, #tpu.memory_space<vmem>>, vector<128xf32>
    %broadcast_in_dim3A_18 = vector.shape_cast %get3A_17 : vector<128xf32> to vector<1x128xf32>
    %mul3A_19 = vector.broadcast %broadcast_in_dim3A_18 : vector<1x128xf32> to vector<1000x128xf32>
    %mul3A_20 = arith.mulf %dot_general3A_5, %mul3A_19 : vector<1000x128xf32>
    %reduce_sum3A_21 = arith.constant dense<0.000000e+00> : vector<1000xf32>
    %reduce_sum3A_22 = vector.multi_reduction <add>, %mul3A_20, %reduce_sum3A_21 [1] : vector<1000x128xf32> to vector<1000xf32>
    %broadcast_in_dim3A_23 = vector.shape_cast %reduce_sum3A_22 : vector<1000xf32> to vector<1000x1xf32>
    %swap3A_24 = arith.constant 0 : index
    %swap3A_25 = arith.constant 0 : index
    %swap3A_26 = vector.load %arg7[%swap3A_24, %swap3A_25] : memref<1000x1xf32, #tpu.memory_space<vmem>>, vector<1000x1xf32>
    tpu.vector_store %arg7[%swap3A_24, %swap3A_25], %broadcast_in_dim3A_23 {strides = array<i32>} : memref<1000x1xf32, #tpu.memory_space<vmem>>, vector<1000x1xf32>,
    return
  }
  func.func @transform_0(%arg0: i32) -> (i32, i32) {
    %c0_i32 = arith.constant 0 : i32
    %c0_i32_0 = arith.constant 0 : i32
    return %arg0, %c0_i32 : i32, i32
  }
  func.func @transform_1(%arg0: i32) -> (i32, i32) {
    %c0_i32 = arith.constant 0 : i32
    %c0_i32_0 = arith.constant 0 : i32
    %c0_i32_1 = arith.constant 0 : i32
    return %c0_i32, %c0_i32_0 : i32, i32
  }
  func.func @transform_2(%arg0: i32) -> i32 {
    %c0_i32 = arith.constant 0 : i32
    %c0_i32_0 = arith.constant 0 : i32
    return %c0_i32 : i32
  }
  func.func @transform_3(%arg0: i32) -> i32 {
    %c0_i32 = arith.constant 0 : i32
    %c0_i32_0 = arith.constant 0 : i32
    return %c0_i32 : i32
  }
  func.func @transform_4(%arg0: i32) -> (i32, i32) {
    %c0_i32 = arith.constant 0 : i32
    %c0_i32_0 = arith.constant 0 : i32
    return %arg0, %c0_i32 : i32, i32
  }
  func.func @transform_5(%arg0: i32) -> (i32, i32) {
    %c0_i32 = arith.constant 0 : i32
    %c0_i32_0 = arith.constant 0 : i32
    return %arg0, %c0_i32 : i32, i32
  }
  func.func @transform_6(%arg0: i32) -> (i32, i32) {
    %c0_i32 = arith.constant 0 : i32
    %c0_i32_0 = arith.constant 0 : i32
    return %arg0, %c0_i32 : i32, i32
  }
}

module attributes {stable_mosaic.version = 14 : i64} {
  func.func @_tc3_body(%arg0: i32, %arg1: memref<2x1024x128xf32, #tpu.memory_space<vmem>>, %arg2: memref<32x1024xf32, #tpu.memory_space<vmem>>, %arg3: memref<32x1024xf32, #tpu.memory_space<vmem>>, %arg4: memref<1024x128xf32, #tpu.memory_space<vmem>>, %arg5: memref<1024x1xf32, #tpu.memory_space<vmem>>, %arg6: memref<1024x1xf32, #tpu.memory_space<vmem>>, %arg7: memref<128xf32, #tpu.memory_space<vmem>>, %arg8: memref<128xf32, #tpu.memory_space<vmem>>, %arg9: memref<128xf32, #tpu.memory_space<vmem>>, %arg10: memref<128x1xf32, #tpu.memory_space<vmem>>, %arg11: memref<1024x1xf32, #tpu.memory_space<vmem>>, %arg12: memref<1024x1xf32, #tpu.memory_space<vmem>>) attributes {dimension_semantics = [#tpu.dimension_semantics<arbitrary>], iteration_bounds = array<i64: 10>, scalar_prefetch = 0 : i64, scratch_operands = 0 : i64, tpu.core_type = #tpu.core_type<tc>, window_params = [{transform_indices = @transform_0, window_bounds = array<i64: 2, 1024, 128>}, {transform_indices = @transform_1, window_bounds = array<i64: 32, 1024>}, {transform_indices = @transform_2, window_bounds = array<i64: 32, 1024>}, {transform_indices = @transform_3, window_bounds = array<i64: 1024, 128>}, {transform_indices = @transform_4, window_bounds = array<i64: 1024, 1>}, {transform_indices = @transform_5, window_bounds = array<i64: 1024, 1>}, {pipeline_mode = #tpu.pipeline_mode<synchronous>, transform_indices = @transform_6, window_bounds = array<i64: 128>}, {pipeline_mode = #tpu.pipeline_mode<synchronous>, transform_indices = @transform_7, window_bounds = array<i64: 128>}, {pipeline_mode = #tpu.pipeline_mode<synchronous>, transform_indices = @transform_8, window_bounds = array<i64: 128>}, {pipeline_mode = #tpu.pipeline_mode<synchronous>, transform_indices = @transform_9, window_bounds = array<i64: 128, 1>}, {transform_indices = @transform_10, window_bounds = array<i64: 1024, 1>}, {transform_indices = @transform_11, window_bounds = array<i64: 1024, 1>}]} {
    %get3A = arith.constant 0 : index
    %get3A_0 = arith.constant 0 : index
    %get3A_1 = vector.load %arg5[%get3A, %get3A_0] : memref<1024x1xf32, #tpu.memory_space<vmem>>, vector<1024x1xf32>
    %squeeze3A = vector.shape_cast %get3A_1 : vector<1024x1xf32> to vector<1024xf32>
    %get3A_2 = arith.constant 0 : index
    %get3A_3 = arith.constant 0 : index
    %get3A_4 = vector.load %arg6[%get3A_2, %get3A_3] : memref<1024x1xf32, #tpu.memory_space<vmem>>, vector<1024x1xf32>
    %squeeze3A_5 = vector.shape_cast %get3A_4 : vector<1024x1xf32> to vector<1024xf32>
    %add3A = arith.addf %squeeze3A, %squeeze3A_5 : vector<1024xf32>
    %ge3A = arith.constant 0.000000e+00 : f32
    %ge3A_6 = vector.broadcast %ge3A : f32 to vector<1024xf32>
    %ge3A_7 = arith.cmpf oge, %add3A, %ge3A_6 : vector<1024xf32>
    %mul3A = arith.constant 2.000000e-01 : f32
    %mul3A_8 = vector.broadcast %mul3A : f32 to vector<1024xf32>
    %mul3A_9 = arith.mulf %add3A, %mul3A_8 : vector<1024xf32>
    %select_n3A = arith.select %ge3A_7, %add3A, %mul3A_9 : vector<1024xi1>, vector<1024xf32>
    %exp3A = math.exp %select_n3A : vector<1024xf32>
    %get3A_10 = arith.constant 0 : index
    %get3A_11 = arith.constant 0 : index
    %get3A_12 = vector.load %arg2[%get3A_10, %get3A_11] : memref<32x1024xf32, #tpu.memory_space<vmem>>, vector<32x1024xf32>
    %reduce_sum3A = arith.constant dense<0.000000e+00> : vector<1024xf32>
    %reduce_sum3A_13 = vector.multi_reduction <add>, %get3A_12, %reduce_sum3A [0] : vector<32x1024xf32> to vector<1024xf32>
    %add3A_14 = arith.addf %reduce_sum3A_13, %exp3A : vector<1024xf32>
    %add3A_15 = arith.constant 1.000000e-16 : f32
    %add3A_16 = vector.broadcast %add3A_15 : f32 to vector<1024xf32>
    %add3A_17 = arith.addf %add3A_14, %add3A_16 : vector<1024xf32>
    %get3A_18 = arith.constant 0 : index
    %get3A_19 = arith.constant 0 : index
    %get3A_20 = arith.constant 0 : index
    %get3A_21 = vector.load %arg1[%get3A_18, %get3A_19, %get3A_20] : memref<2x1024x128xf32, #tpu.memory_space<vmem>>, vector<1x1024x128xf32>
    %get3A_22 = vector.shape_cast %get3A_21 : vector<1x1024x128xf32> to vector<1024x128xf32>
    %get3A_23 = arith.constant 1 : index
    %get3A_24 = arith.constant 0 : index
    %get3A_25 = arith.constant 0 : index
    %get3A_26 = vector.load %arg1[%get3A_23, %get3A_24, %get3A_25] : memref<2x1024x128xf32, #tpu.memory_space<vmem>>, vector<1x1024x128xf32>
    %get3A_27 = vector.shape_cast %get3A_26 : vector<1x1024x128xf32> to vector<1024x128xf32>
    %add3A_28 = arith.addf %get3A_22, %get3A_27 : vector<1024x128xf32>
    %broadcast_in_dim3A = vector.shape_cast %exp3A : vector<1024xf32> to vector<1024x1xf32>
    %get3A_29 = arith.constant 0 : index
    %get3A_30 = arith.constant 0 : index
    %get3A_31 = vector.load %arg4[%get3A_29, %get3A_30] : memref<1024x128xf32, #tpu.memory_space<vmem>>, vector<1024x128xf32>
    %mul3A_32 = vector.broadcast %broadcast_in_dim3A : vector<1024x1xf32> to vector<1024x128xf32>
    %mul3A_33 = arith.mulf %mul3A_32, %get3A_31 : vector<1024x128xf32>
    %add3A_34 = arith.addf %add3A_28, %mul3A_33 : vector<1024x128xf32>
    %broadcast_in_dim3A_35 = vector.shape_cast %add3A_17 : vector<1024xf32> to vector<1024x1xf32>
    %div3A = vector.broadcast %broadcast_in_dim3A_35 : vector<1024x1xf32> to vector<1024x128xf32>
    %div3A_36 = arith.divf %add3A_34, %div3A : vector<1024x128xf32>
    %get3A_37 = arith.constant 0 : index
    %get3A_38 = vector.load %arg7[%get3A_37] : memref<128xf32, #tpu.memory_space<vmem>>, vector<128xf32>
    %broadcast_in_dim3A_39 = vector.shape_cast %get3A_38 : vector<128xf32> to vector<1x128xf32>
    %add3A_40 = vector.broadcast %broadcast_in_dim3A_39 : vector<1x128xf32> to vector<1024x128xf32>
    %add3A_41 = arith.addf %div3A_36, %add3A_40 : vector<1024x128xf32>
    %max3A = arith.constant 0.000000e+00 : f32
    %max3A_42 = vector.broadcast %max3A : f32 to vector<1024x128xf32>
    %max3A_43 = arith.maximumf %add3A_41, %max3A_42 : vector<1024x128xf32>
    %reduce_sum3A_44 = arith.constant dense<0.000000e+00> : vector<1024xf32>
    %reduce_sum3A_45 = vector.multi_reduction <add>, %max3A_43, %reduce_sum3A_44 [1] : vector<1024x128xf32> to vector<1024xf32>
    %broadcast_in_dim3A_46 = vector.shape_cast %reduce_sum3A_45 : vector<1024xf32> to vector<1024x1xf32>
    %div3A_47 = arith.constant 1.280000e+02 : f32
    %div3A_48 = vector.broadcast %div3A_47 : f32 to vector<1024x1xf32>
    %div3A_49 = arith.divf %broadcast_in_dim3A_46, %div3A_48 : vector<1024x1xf32>
    %sub3A = vector.broadcast %div3A_49 : vector<1024x1xf32> to vector<1024x128xf32>
    %sub3A_50 = arith.subf %max3A_43, %sub3A : vector<1024x128xf32>
    %integer_pow3A = arith.mulf %sub3A_50, %sub3A_50 : vector<1024x128xf32>
    %reduce_sum3A_51 = arith.constant dense<0.000000e+00> : vector<1024xf32>
    %reduce_sum3A_52 = vector.multi_reduction <add>, %integer_pow3A, %reduce_sum3A_51 [1] : vector<1024x128xf32> to vector<1024xf32>
    %broadcast_in_dim3A_53 = vector.shape_cast %reduce_sum3A_52 : vector<1024xf32> to vector<1024x1xf32>
    %div3A_54 = arith.constant 1.280000e+02 : f32
    %div3A_55 = vector.broadcast %div3A_54 : f32 to vector<1024x1xf32>
    %div3A_56 = arith.divf %broadcast_in_dim3A_53, %div3A_55 : vector<1024x1xf32>
    %sub3A_57 = vector.broadcast %div3A_49 : vector<1024x1xf32> to vector<1024x128xf32>
    %sub3A_58 = arith.subf %max3A_43, %sub3A_57 : vector<1024x128xf32>
    %add3A_59 = arith.constant 9.99999974E-6 : f32
    %add3A_60 = vector.broadcast %add3A_59 : f32 to vector<1024x1xf32>
    %add3A_61 = arith.addf %div3A_56, %add3A_60 : vector<1024x1xf32>
    %sqrt3A = math.sqrt %add3A_61 : vector<1024x1xf32>
    %div3A_62 = vector.broadcast %sqrt3A : vector<1024x1xf32> to vector<1024x128xf32>
    %div3A_63 = arith.divf %sub3A_58, %div3A_62 : vector<1024x128xf32>
    %get3A_64 = arith.constant 0 : index
    %get3A_65 = vector.load %arg8[%get3A_64] : memref<128xf32, #tpu.memory_space<vmem>>, vector<128xf32>
    %broadcast_in_dim3A_66 = vector.shape_cast %get3A_65 : vector<128xf32> to vector<1x128xf32>
    %mul3A_67 = vector.broadcast %broadcast_in_dim3A_66 : vector<1x128xf32> to vector<1024x128xf32>
    %mul3A_68 = arith.mulf %div3A_63, %mul3A_67 : vector<1024x128xf32>
    %get3A_69 = arith.constant 0 : index
    %get3A_70 = vector.load %arg9[%get3A_69] : memref<128xf32, #tpu.memory_space<vmem>>, vector<128xf32>
    %broadcast_in_dim3A_71 = vector.shape_cast %get3A_70 : vector<128xf32> to vector<1x128xf32>
    %add3A_72 = vector.broadcast %broadcast_in_dim3A_71 : vector<1x128xf32> to vector<1024x128xf32>
    %add3A_73 = arith.addf %mul3A_68, %add3A_72 : vector<1024x128xf32>
    %get3A_74 = arith.constant 0 : index
    %get3A_75 = arith.constant 0 : index
    %get3A_76 = vector.load %arg10[%get3A_74, %get3A_75] : memref<128x1xf32, #tpu.memory_space<vmem>>, vector<128x1xf32>
    %squeeze3A_77 = vector.shape_cast %get3A_76 : vector<128x1xf32> to vector<128xf32>
    %broadcast_in_dim3A_78 = vector.shape_cast %squeeze3A_77 : vector<128xf32> to vector<1x128xf32>
    %mul3A_79 = vector.broadcast %broadcast_in_dim3A_78 : vector<1x128xf32> to vector<1024x128xf32>
    %mul3A_80 = arith.mulf %add3A_73, %mul3A_79 : vector<1024x128xf32>
    %reduce_sum3A_81 = arith.constant dense<0.000000e+00> : vector<1024xf32>
    %reduce_sum3A_82 = vector.multi_reduction <add>, %mul3A_80, %reduce_sum3A_81 [1] : vector<1024x128xf32> to vector<1024xf32>
    %get3A_83 = arith.constant 0 : index
    %get3A_84 = arith.constant 0 : index
    %get3A_85 = vector.load %arg3[%get3A_83, %get3A_84] : memref<32x1024xf32, #tpu.memory_space<vmem>>, vector<32x1024xf32>
    %reduce_sum3A_86 = arith.constant dense<0.000000e+00> : vector<1024xf32>
    %reduce_sum3A_87 = vector.multi_reduction <add>, %get3A_85, %reduce_sum3A_86 [0] : vector<32x1024xf32> to vector<1024xf32>
    %add3A_88 = arith.constant 1.000000e+00 : f32
    %add3A_89 = vector.broadcast %add3A_88 : f32 to vector<1024xf32>
    %add3A_90 = arith.addf %reduce_sum3A_87, %add3A_89 : vector<1024xf32>
    %rsqrt3A = math.rsqrt %add3A_90 : vector<1024xf32>
    %mul3A_91 = arith.mulf %reduce_sum3A_82, %rsqrt3A : vector<1024xf32>
    %broadcast_in_dim3A_92 = vector.shape_cast %mul3A_91 : vector<1024xf32> to vector<1024x1xf32>
    %swap3A = arith.constant 0 : index
    %swap3A_93 = arith.constant 0 : index
    %swap3A_94 = vector.load %arg11[%swap3A, %swap3A_93] : memref<1024x1xf32, #tpu.memory_space<vmem>>, vector<1024x1xf32>
    tpu.vector_store %arg11[%swap3A, %swap3A_93], %broadcast_in_dim3A_92 {strides = array<i32>} : memref<1024x1xf32, #tpu.memory_space<vmem>>, vector<1024x1xf32>,
    %broadcast_in_dim3A_95 = vector.shape_cast %rsqrt3A : vector<1024xf32> to vector<1024x1xf32>
    %swap3A_96 = arith.constant 0 : index
    %swap3A_97 = arith.constant 0 : index
    %swap3A_98 = vector.load %arg12[%swap3A_96, %swap3A_97] : memref<1024x1xf32, #tpu.memory_space<vmem>>, vector<1024x1xf32>
    tpu.vector_store %arg12[%swap3A_96, %swap3A_97], %broadcast_in_dim3A_95 {strides = array<i32>} : memref<1024x1xf32, #tpu.memory_space<vmem>>, vector<1024x1xf32>,
    return
  }
  func.func @transform_0(%arg0: i32) -> (i32, i32, i32) {
    %c0_i32 = arith.constant 0 : i32
    %c0_i32_0 = arith.constant 0 : i32
    %c0_i32_1 = arith.constant 0 : i32
    return %c0_i32, %arg0, %c0_i32_0 : i32, i32, i32
  }
  func.func @transform_1(%arg0: i32) -> (i32, i32) {
    %c0_i32 = arith.constant 0 : i32
    %c0_i32_0 = arith.constant 0 : i32
    return %c0_i32, %arg0 : i32, i32
  }
  func.func @transform_2(%arg0: i32) -> (i32, i32) {
    %c0_i32 = arith.constant 0 : i32
    %c0_i32_0 = arith.constant 0 : i32
    return %c0_i32, %arg0 : i32, i32
  }
  func.func @transform_3(%arg0: i32) -> (i32, i32) {
    %c0_i32 = arith.constant 0 : i32
    %c0_i32_0 = arith.constant 0 : i32
    return %arg0, %c0_i32 : i32, i32
  }
  func.func @transform_4(%arg0: i32) -> (i32, i32) {
    %c0_i32 = arith.constant 0 : i32
    %c0_i32_0 = arith.constant 0 : i32
    return %arg0, %c0_i32 : i32, i32
  }
  func.func @transform_5(%arg0: i32) -> (i32, i32) {
    %c0_i32 = arith.constant 0 : i32
    %c0_i32_0 = arith.constant 0 : i32
    return %arg0, %c0_i32 : i32, i32
  }
  func.func @transform_6(%arg0: i32) -> i32 {
    %c0_i32 = arith.constant 0 : i32
    %c0_i32_0 = arith.constant 0 : i32
    return %c0_i32 : i32
  }
  func.func @transform_7(%arg0: i32) -> i32 {
    %c0_i32 = arith.constant 0 : i32
    %c0_i32_0 = arith.constant 0 : i32
    return %c0_i32 : i32
  }
  func.func @transform_8(%arg0: i32) -> i32 {
    %c0_i32 = arith.constant 0 : i32
    %c0_i32_0 = arith.constant 0 : i32
    return %c0_i32 : i32
  }
  func.func @transform_9(%arg0: i32) -> (i32, i32) {
    %c0_i32 = arith.constant 0 : i32
    %c0_i32_0 = arith.constant 0 : i32
    %c0_i32_1 = arith.constant 0 : i32
    return %c0_i32, %c0_i32_0 : i32, i32
  }
  func.func @transform_10(%arg0: i32) -> (i32, i32) {
    %c0_i32 = arith.constant 0 : i32
    %c0_i32_0 = arith.constant 0 : i32
    return %arg0, %c0_i32 : i32, i32
  }
  func.func @transform_11(%arg0: i32) -> (i32, i32) {
    %c0_i32 = arith.constant 0 : i32
    %c0_i32_0 = arith.constant 0 : i32
    return %arg0, %c0_i32 : i32, i32
  }
}

module attributes {stable_mosaic.version = 14 : i64} {
  func.func @_tc5_body(%arg0: i32, %arg1: memref<32x1024xf32, #tpu.memory_space<vmem>>, %arg2: memref<1024x1xf32, #tpu.memory_space<vmem>>, %arg3: memref<1024x1xf32, #tpu.memory_space<vmem>>, %arg4: memref<1xf32, #tpu.memory_space<vmem>>, %arg5: memref<1024x1xf32, #tpu.memory_space<vmem>>) attributes {dimension_semantics = [#tpu.dimension_semantics<arbitrary>], iteration_bounds = array<i64: 10>, scalar_prefetch = 0 : i64, scratch_operands = 0 : i64, tpu.core_type = #tpu.core_type<tc>, window_params = [{transform_indices = @transform_0, window_bounds = array<i64: 32, 1024>}, {transform_indices = @transform_1, window_bounds = array<i64: 1024, 1>}, {transform_indices = @transform_2, window_bounds = array<i64: 1024, 1>}, {pipeline_mode = #tpu.pipeline_mode<synchronous>, transform_indices = @transform_3, window_bounds = array<i64: 1>}, {transform_indices = @transform_4, window_bounds = array<i64: 1024, 1>}]} {
    %get3A = arith.constant 0 : index
    %get3A_0 = arith.constant 0 : index
    %get3A_1 = vector.load %arg1[%get3A, %get3A_0] : memref<32x1024xf32, #tpu.memory_space<vmem>>, vector<32x1024xf32>
    %reduce_sum3A = arith.constant dense<0.000000e+00> : vector<1024xf32>
    %reduce_sum3A_2 = vector.multi_reduction <add>, %get3A_1, %reduce_sum3A [0] : vector<32x1024xf32> to vector<1024xf32>
    %broadcast_in_dim3A = vector.shape_cast %reduce_sum3A_2 : vector<1024xf32> to vector<1024x1xf32>
    %get3A_3 = arith.constant 0 : index
    %get3A_4 = arith.constant 0 : index
    %get3A_5 = vector.load %arg3[%get3A_3, %get3A_4] : memref<1024x1xf32, #tpu.memory_space<vmem>>, vector<1024x1xf32>
    %get3A_6 = arith.constant 0 : index
    %get3A_7 = arith.constant 0 : index
    %get3A_8 = vector.load %arg2[%get3A_6, %get3A_7] : memref<1024x1xf32, #tpu.memory_space<vmem>>, vector<1024x1xf32>
    %add3A = arith.addf %broadcast_in_dim3A, %get3A_8 : vector<1024x1xf32>
    %mul3A = arith.mulf %get3A_5, %add3A : vector<1024x1xf32>
    %get3A_9 = arith.constant 0 : index
    %get3A_10 = vector.load %arg4[%get3A_9] : memref<1xf32, #tpu.memory_space<vmem>>, vector<1xf32>
    %broadcast_in_dim3A_11 = vector.shape_cast %get3A_10 : vector<1xf32> to vector<1x1xf32>
    %add3A_12 = vector.broadcast %broadcast_in_dim3A_11 : vector<1x1xf32> to vector<1024x1xf32>
    %add3A_13 = arith.addf %mul3A, %add3A_12 : vector<1024x1xf32>
    %swap3A = arith.constant 0 : index
    %swap3A_14 = arith.constant 0 : index
    %swap3A_15 = vector.load %arg5[%swap3A, %swap3A_14] : memref<1024x1xf32, #tpu.memory_space<vmem>>, vector<1024x1xf32>
    tpu.vector_store %arg5[%swap3A, %swap3A_14], %add3A_13 {strides = array<i32>} : memref<1024x1xf32, #tpu.memory_space<vmem>>, vector<1024x1xf32>,
    return
  }
  func.func @transform_0(%arg0: i32) -> (i32, i32) {
    %c0_i32 = arith.constant 0 : i32
    %c0_i32_0 = arith.constant 0 : i32
    return %c0_i32, %arg0 : i32, i32
  }
  func.func @transform_1(%arg0: i32) -> (i32, i32) {
    %c0_i32 = arith.constant 0 : i32
    %c0_i32_0 = arith.constant 0 : i32
    return %arg0, %c0_i32 : i32, i32
  }
  func.func @transform_2(%arg0: i32) -> (i32, i32) {
    %c0_i32 = arith.constant 0 : i32
    %c0_i32_0 = arith.constant 0 : i32
    return %arg0, %c0_i32 : i32, i32
  }
  func.func @transform_3(%arg0: i32) -> i32 {
    %c0_i32 = arith.constant 0 : i32
    %c0_i32_0 = arith.constant 0 : i32
    return %c0_i32 : i32
  }
  func.func @transform_4(%arg0: i32) -> (i32, i32) {
    %c0_i32 = arith.constant 0 : i32
    %c0_i32_0 = arith.constant 0 : i32
    return %arg0, %c0_i32 : i32, i32
  }
}

</mosaic_0001>

<sc_bundles>
// kernel: kernel.11.cloned.1.call-start
scs
__scs_entry_jumppad:
0x0: {  	(pc) =	sbr.rel $0x88, $3  }
0x1: {  	(tag) =	ssettag $0x0;
	lr =	simm.s32 $0x1  }
0x2: {  	[smem:$0x3F97] =	sst lr;
	_ =	strace $0xD0000000  }
0x3: {  	_ = 	snop  }
0x4: {  	_ = 	snop  }
0x5: {  	_ = 	snop  }
0x6: {  	_ = 	snop  }
0x7: {  	_ = 	snop  }
__scs_overlays_trampoline_lowered:
0x8: {  	[smem:$0x3FA6] =	sst s0  }
0x9: {  	[smem:$0x3FA7] =	sst s1  }
0xa: {  	[smem:$0x3FA8] =	sst s2  }
0xb: {  	[smem:$0x3FA9] =	sst s3  }
0xc: {  	[smem:$0x3FAA] =	sst s4  }
0xd: {  	[smem:$0x3FAB] =	sst s5  }
0xe: {  	[smem:$0x3FAC] =	sst s6  }
0xf: {  	[smem:$0x3FAD] =	sst s7  }
0x10: {  	[smem:$0x3FAE] =	sst s8  }
0x11: {  	[smem:$0x3FAF] =	sst s9;
	s0 =	simm.s32 @!p0 $0x0  }
0x12: {  	s1 =	sld [smem:$0x3F95];
	s0 =	simm.s32 @p0 $0x1  }
0x13: {  	[smem:$0x3FB0] =	sst s0;
	s0 =	simm.s32 @!p1 $0x0  }
0x14: {  	s2 =	sld [smem:$0x3F94];
	s0 =	simm.s32 @p1 $0x1  }
0x15: {  	[smem:$0x3FB1] =	sst s0;
	s0 =	simm.s32 @!p2 $0x0  }
0x16: {  	s3 =	sld [smem:$0x3FDB];
	s0 =	simm.s32 @p2 $0x1  }
0x17: {  	s4 =	simm.s32 $0x1BF5;
	[smem:$0x3FB3] =	sst s0  }
0x18: {  	s0 =	sld [smem:$0x3F96];
	_ =	swait.ge [sflag:s4], $0x0  }
0x19: {  	s7 =	sld [smem:$0x3F97]  }
0x1a: {  	s8 =	sadd.s32 $0xFFFFE003, lr  }
0x1b: {  	s9 =	sadd.s32 $0xFFFFFEF7, lr;
	s5 =	simm.s32 $0xFFFFFFFF;
	p2 =	slt.u32 s8, $0xFFFFF086  }
0x1c: {  	p1 =	slt.u32 s9, $0xF7A;
	s5 =	simm.s32 @!p2 $0x0  }
0x1d: {  	s5 =	simm.s32 @p1 $0x1;
	p0 =	seq.s32 s7, s2  }
0x1e: {  	s7 =	smul.u32 @!p0 $0xF7A, s2;
	p2 =	seq.s32 @!p0 s5, $0x0  }
0x1f: {  	s9 =	smul.u32 $0xF7A, s1;
	s8 =	simm.s32 @!p0 $0x1BF5;
	p2 =	por !p2, p0  }
0x20: {  	[sflag:s8] =	ssyncset.s32 @!p0 $0xFFFFF086;
	s6 =	sadd.s32 @!p0 s3, s7;
	s7 =	simm.s32 @!p0 $0x108  }
0x21: {  	s3 =	sadd.s32 s3, s9;
	s6 =	sadd.s32 @!p0 $0x88, s6;
	s7 =	simm.s32 @p2 $0x1082  }
0x22: {  	[simem:s7], [sflag:s8] =	dma.local @!p0 [hbm:s6], $0xF7A  }
0x23: {  	s9 =	sor.u32 $0xD0000000, s2;
	s6 =	simm.s32 $0x108;
	_ =	swait.ge @!p0 [sflag:s8], $0x0  }
0x24: {  	s3 =	sadd.s32 $0x88, s3;
	s6 =	simm.s32 @!p1 $0x1082;
	[sflag:s4] =	ssyncset.s32 $0xFFFFF086  }
0x25: {  	[simem:s6], [sflag:s4] =	dma.local [hbm:s3], $0xF7A  }
0x26: {  	[smem:$0x3F97] =	sst s1;
	(tag) =	ssettag s2;
	_ =	strace s9  }
0x27: {  	s1 =	sld [smem:$0x3FA7]  }
0x28: {  	s2 =	sld [smem:$0x3FA8]  }
0x29: {  	s4 =	sld [smem:$0x3FAA]  }
0x2a: {  	p0 =	seq.s32 s5, $0x0;
	s5 =	sld [smem:$0x3FAB]  }
0x2b: {  	s6 =	sld [smem:$0x3FAC]  }
0x2c: {  	s7 =	sld [smem:$0x3FAD]  }
0x2d: {  	s3 =	simm.s32 $0x108;
	s8 =	sld [smem:$0x3FAE]  }
0x2e: {  	s3 =	simm.s32 @!p0 $0x1082;
	s9 =	sld [smem:$0x3FAF]  }
0x2f: {  	lr =	sadd.s32 s0, s3;
	s0 =	sld [smem:$0x3FA6]  }
0x30: {  	s3 =	sld [smem:$0x3FA9]  }
0x31: {  	[smem:$0x3FB2] =	sst s10  }
0x32: {  	s10 =	sld [smem:$0x3FB0];
	_ =	sdelay $0x3  }
0x33: {  	p0 =	seq.s32 s10, $0x1;
	s10 =	sld [smem:$0x3FB2];
	_ =	sdelay $0x3  }
0x34: {  	[smem:$0x3FB2] =	sst s10  }
0x35: {  	s10 =	sld [smem:$0x3FB1];
	_ =	sdelay $0x3  }
0x36: {  	p1 =	seq.s32 s10, $0x1;
	s10 =	sld [smem:$0x3FB2];
	_ =	sdelay $0x3  }
0x37: {  	[smem:$0x3FB2] =	sst s10  }
0x38: {  	s10 =	sld [smem:$0x3FB3]  }
0x39: {  	_ = 	snop;
	(pc) =	sbr.ind lr, $3  }
0x3a: {  	_ = 	snop  }
0x3b: {  	_ = 	snop  }
0x3c: {  	p2 =	seq.s32 s10, $0x1;
	s10 =	sld [smem:$0x3FB2]  }
0x3d: {  	_ =	shalt  }
0x3e: {  	_ =	shalt  }
0x3f: {  	_ =	shalt  }
0x40: {  	_ =	shalt  }
0x41: {  	_ =	shalt  }
0x42: {  	_ =	shalt  }
0x43: {  	_ =	shalt  }
0x44: {  	_ =	shalt  }
0x45: {  	_ =	shalt  }
0x46: {  	_ =	shalt  }
0x47: {  	_ =	shalt  }
0x48: {  	_ =	shalt  }
0x49: {  	_ =	shalt  }
0x4a: {  	_ =	shalt  }
0x4b: {  	_ =	shalt  }
0x4c: {  	_ =	shalt  }
0x4d: {  	_ =	shalt  }
0x4e: {  	_ =	shalt  }
0x4f: {  	_ =	shalt  }
0x50: {  	_ =	shalt  }
0x51: {  	_ =	shalt  }
0x52: {  	_ =	shalt  }
0x53: {  	_ =	shalt  }
0x54: {  	_ =	shalt  }
0x55: {  	_ =	shalt  }
0x56: {  	_ =	shalt  }
0x57: {  	_ =	shalt  }
0x58: {  	_ =	shalt  }
0x59: {  	_ =	shalt  }
0x5a: {  	_ =	shalt  }
0x5b: {  	_ =	shalt  }
0x5c: {  	_ =	shalt  }
0x5d: {  	_ =	shalt  }
0x5e: {  	_ =	shalt  }
0x5f: {  	_ =	shalt  }
0x60: {  	_ =	shalt  }
0x61: {  	_ =	shalt  }
0x62: {  	_ =	shalt  }
0x63: {  	_ =	shalt  }
0x64: {  	_ =	shalt  }
0x65: {  	_ =	shalt  }
0x66: {  	_ =	shalt  }
0x67: {  	_ =	shalt  }
0x68: {  	_ =	shalt  }
0x69: {  	_ =	shalt  }
0x6a: {  	_ =	shalt  }
0x6b: {  	_ =	shalt  }
0x6c: {  	_ =	shalt  }
0x6d: {  	_ =	shalt  }
0x6e: {  	_ =	shalt  }
0x6f: {  	_ =	shalt  }
0x70: {  	_ =	shalt  }
0x71: {  	_ =	shalt  }
0x72: {  	_ =	shalt  }
0x73: {  	_ =	shalt  }
0x74: {  	_ =	shalt  }
0x75: {  	_ =	shalt  }
0x76: {  	_ =	shalt  }
0x77: {  	_ =	shalt  }
0x78: {  	_ =	shalt  }
0x79: {  	_ =	shalt  }
0x7a: {  	_ =	shalt  }
0x7b: {  	_ =	shalt  }
0x7c: {  	_ =	shalt  }
0x7d: {  	_ =	shalt  }
0x7e: {  	_ =	shalt  }
0x7f: {  	_ =	shalt  }
0x80: {  	_ =	shalt  }
0x81: {  	_ =	shalt  }
0x82: {  	_ =	shalt  }
0x83: {  	_ =	shalt  }
0x84: {  	_ =	shalt  }
0x85: {  	_ =	shalt  }
0x86: {  	_ =	shalt  }
0x87: {  	_ =	shalt  }
.Lfunc_end0:
.L_simem_size_0:
called_computation.1_lowered:
.L_overlay_start_0:
0x88: {  	s2 =	sld [smem:$0x3FD9]  }
0x89: {  	s3 =	sld [smem:$0x3FFE];
	_ =	sdelay $0x1  }
0x8a: {  	s1 =	srdreg.scid  }
0x8b: {  	s0 =	sand.u32 $0x1, s1  }
0x8c: {  	s16 =	sshll.u32 s0, $0xA;
	s2 =	sadd.s32 s3, s2  }
0x8d: {  	s2 =	sadd.s32 s2, s16  }
0x8e: {  	[smem:$0x3FBE] =	sst s2  }
0x8f: {  	_ = 	snop  }
0x90: {  	(tm) =	ssettm $0x1  }
0x91: {  	s17 =	sld [smem:$0x3FFB];
	_ =	sdelay $0x3  }
0x92: {  	_ =	strace s17  }
0x93: {  	s2 =	sld [smem:$0x3FFC];
	_ =	sdelay $0x3  }
0x94: {  	_ =	strace s2  }
0x95: {  	s2 =	sld [smem:$0x3FFD];
	_ =	sdelay $0x3  }
0x96: {  	_ =	strace s2  }
0x97: {  	_ =	strace $0x8FFFFFFF  }
0x98: {  	s18 =	sld [smem:$0x3FDB];
	_ =	sdelay $0x1  }
0x99: {  	s19 =	simm.s32 $_scs_section_size  }
0x9a: {  	s4 =	simm.s32 $_size__tile_overlayer_lowered;
	s5 =	simm.s32 $_tile_overlayer_lowered  }
0x9b: {  	s22 =	simm.s32 $0x1BFF;
	s21 =	sshll.u32 s5, $0x1;
	s2 =	sadd.s32 s19, s18  }
0x9c: {  	s6 =	simm.s32 $0x0;
	s20 =	sshll.u32 s4, $0x1;
	s4 =	sadd.s32 s21, s2  }
0x9d: {  	[timem:s6], [sflag:s22] =	dma.local [hbm:s4], s20  }
0x9e: {  	_ =	swait.ge [sflag:s22], s20  }
0x9f: {  	s3 =	ssub.s32 $0x0, s20;
	[sflag:s22] =	ssyncset.done $0x0  }
0xa0: {  	[sflag:s22] =	ssyncadd.s32 s3;
	_ =	sdelay $0x1  }
0xa1: {  	s23 =	simm.s32 $0x1B8B  }
0xa2: {  	_ =	swait.ge [sflag:s23], $0x1  }
0xa3: {  	[sflag:s23] =	ssyncset.done $0x0  }
0xa4: {  	s25 =	simm.s32 $0x1B8E;
	s24 =	sld [smem:$0x3FFE];
	[sflag:s23] =	ssyncadd.s32 $0xFFFFFFFF  }
0xa5: {  	s26 =	simm.s32 $execute0_lowered;
	[smem:$0x3FD2] =	sst s25  }
0xa6: {  	s4 =	sshll.u32 s26, $0x1;
	_ =	strace $0x80000049;
	[dreg:$0x1] =	wrdreg $0xFFFFFFFF  }
0xa7: {  	s28 =	simm.s32 $_size_execute0_lowered;
	s2 =	sadd.s32 s2, s4;
	[dreg:$0x0] =	wrdreg $0x0  }
0xa8: {  	s4 =	sshll.u32 s28, $0x1;
	[dreg:$0x2] =	wrdreg s2  }
0xa9: {  	[dreg:$0x3] =	wrdreg s4  }
0xaa: {  	[dreg:$0x4] =	wrdreg $0xC0  }
0xab: {  	_ =	task [dreg:s6], $0x5FFFF  }
0xac: {  	[dreg:$0x1] =	wrdreg $0xFFFFFFFF  }
0xad: {  	[dreg:$0x0] =	wrdreg $0x60  }
0xae: {  	[dreg:$0x2] =	wrdreg s24  }
0xaf: {  	[dreg:$0x3] =	wrdreg $0xBC000  }
0xb0: {  	[dreg:$0x4] =	wrdreg $0x9  }
0xb1: {  	_ =	task.clear_ibuf [dreg:s6], $0x5FFFF;
	_ =	strace $0x90000049  }
0xb2: {  	s29 =	simm.s32 $0x9;
	_ =	strace $0x8000004B  }
0xb3: {  	_ =	swait.ge [sflag:s29], $0x1  }
0xb4: {  	[sflag:s29] =	ssyncadd.s32 $0xFFFFFFFF  }
0xb5: {  	_ =	strace $0x9000004B  }
0xb6: {  	_ =	sfence  }
0xb7: {  	s30 =	sld [smem:$0x0];
	_ =	sdelay $0x2  }
0xb8: {  	s31 =	sshll.u32 s1, $0xD;
	s1 =	sshrl.u32 s1, $0x2  }
0xb9: {  	s3 =	sand.u32 $0x4000, s31;
	s1 =	sadd.s32 s1, s30  }
0xba: {  	s0 =	sor.u32 s3, s0;
	s1 =	sshll.u32 s1, $0x11  }
0xbb: {  	s0 =	sor.u32 s1, s0  }
0xbc: {  	s0 =	sadd.s32 $0x8F2B, s0  }
0xbd: {  	[sflag:s0] =	ssyncadd.remote.s32 $0x1  }
0xbe: {  	_ =	sfence.sel $0xFFFF  }
0xbf: {  	[dreg:$0x0] =	wrdreg $0xFFFFFFFF;
	(pc) =	sbr.abs _section_cstart, $3  }
0xc0: {  	[dreg:$0x1] =	wrdreg $0xFFFFFFFF  }
0xc1: {  	_ =	task.clear_ibuf [dreg:s6], $0x2FFFF;
	_ =	strace $0x9FFFFFFF  }
0xc2: {  	(tm) =	ssettm $0x7FFFFFFF  }
0xc3: {  	_ =	shalt  }
tec
execute0_lowered:
.L_overlay_start_1:
0x0: {  	(tag) =	ssettag $0x1  }
0x1: {  	s0 =	rddreg [dreg:$0x0]  }
0x2: {  	s1 =	rddreg [dreg:$0x1];
	s3 =	simm.s32 $0x0  }
0x3: {  	s2 =	srdreg.scid;
	s12 =	stileid.u32;
	s16 =	simm.s32 $0x3C00  }
0x4: {  	s17 =	simm.s32 $0x2;
	s18 =	simm.s32 $0x1400;
	s19 =	simm.s32 $0x2800  }
0x5: {  	s20 =	simm.s32 $0x40;
	s21 =	simm.s32 $0x5C00;
	s22 =	simm.s32 $0x1  }
0x6: {  	s23 =	simm.s32 $0x7C00;
	[smem:$0x7FF] =	sst s3;
	s9 =	smul.u32 $0x14000, s12  }
0x7: {  	s2 =	sand.u32 $0x1, s2;
	s4 =	sadd.s32 $0xBC00, s0;
	s10 =	smul.u32 $0x50000, s12  }
0x8: {  	s5 =	sadd.s32 $0x1C00, s0;
	s6 =	sadd.s32 $0x3DC00, s0;
	s14 =	smul.u32 $0x50, s12  }
0x9: {  	s7 =	sadd.s32 $0x47C00, s0;
	s8 =	smul.u32 $0x140000, s2;
	s11 =	ssub.s32 $0x2, s2  }
0xa: {  	_ =	strace $0x8000004A;
	p0 =	seq.s32 s2, $0x0;
	s25 =	sshrl.u32 s11, $0x1  }
0xb: {  	s24 =	sshrl.u32 s10, $0x2;
	s8 =	sadd.s32 s9, s8;
	s26 =	ssub.s32 s11, s25  }
0xc: {  	s11 =	sadd.s32 $0x500, s14;
	s9 =	sshrl.u32 s8, $0x3;
	s8 =	sadd.s32 s24, s1  }
0xd: {  	s25 =	simm.s32 $0x80;
	s11 =	smov.u32 @p0 s14;
	s28 =	sadd.s32 $0x4000, s8  }
0xe: {  	s15 =	smax.u32 s26, $0x1;
	s29 =	sadd.s32 $0x8000, s8;
	[dreg:$0x3] =	wrdreg s28  }
0xf: {  	s24 =	simm.s32 $0x9C00;
	s30 =	sadd.s32 $0xC000, s8;
	[dreg:$0x4] =	wrdreg s29  }
0x10: {  	s0 =	sadd.s32 s9, s0;
	s31 =	sadd.s32 $0x10000, s8;
	[dreg:$0x5] =	wrdreg s30  }
0x11: {  	v0 =	vimm.f32 $0.0e+00;
	s26 =	simm.s32 $0x0;
	[dreg:$0x6] =	wrdreg s31;
	s14 =	sadd.s32 $0x6FC00, s0  }
.LBB2_1:
0x12: {  	s0 =	simm.s32 $0x0;
	s2 =	simm.s32 $0x200  }
.LBB2_2:
0x13: {  	p0 =	sne.s32 s2, $0xFE00;
	[tilespmem:s0+$0x3C70] =	vst v0  }
0x14: {  	[tilespmem:s0+$0x3C00] =	vst v0  }
0x15: {  	[tilespmem:s0+$0x3C10] =	vst v0  }
.Ltmp0:
0x16: {  	[tilespmem:s0+$0x3C20] =	vst v0;
	(pc) =	sbr.rel @p0 .LBB2_2-.Ltmp0, $4  }
0x17: {  	[tilespmem:s0+$0x3C30] =	vst v0  }
0x18: {  	[tilespmem:s0+$0x3C40] =	vst v0  }
0x19: {  	[tilespmem:s0+$0x3C50] =	vst v0  }
0x1a: {  	[tilespmem:s0+$0x3C60] =	vst v0;
	s0 =	sshra.s32 s2, $0x2;
	s2 =	sadd.s32 $0x200, s2  }
0x1b: {  	[tilespmem:s0+$0x3C70] =	vst v0  }
0x1c: {  	[tilespmem:s0+$0x3C00] =	vst v0  }
0x1d: {  	[tilespmem:s0+$0x3C10] =	vst v0  }
0x1e: {  	[tilespmem:s0+$0x3C20] =	vst v0  }
0x1f: {  	[tilespmem:s0+$0x3C30] =	vst v0  }
0x20: {  	[tilespmem:s0+$0x3C40] =	vst v0  }
0x21: {  	[tilespmem:s0+$0x3C50] =	vst v0  }
0x22: {  	[tilespmem:s0+$0x3C60] =	vst v0  }
0x23: {  	[spmem:s8] =	stream.linear.scatter [tilespmem:s16], [sflag:$0x2], $0x4000, $0x38;
	[tilespmem:$0x1FC00] =	vst v63  }
0x24: {  	_ =	swait.ge [sflag:s17], $0x4000  }
0x25: {  	[sflag:s17] =	ssyncset.done $0x0  }
0x26: {  	s28 =	rddreg [dreg:$0x3];
	[sflag:s17] =	ssyncadd.s32 $0xFFFFC000  }
0x27: {  	[spmem:s28] =	stream.linear.scatter [tilespmem:s16], [sflag:$0x2], $0x4000, $0x38;
	[tilespmem:$0x1FC00] =	vst v63  }
0x28: {  	_ =	swait.ge [sflag:s17], $0x4000  }
0x29: {  	[sflag:s17] =	ssyncset.done $0x0  }
0x2a: {  	s29 =	rddreg [dreg:$0x4];
	[sflag:s17] =	ssyncadd.s32 $0xFFFFC000  }
0x2b: {  	[spmem:s29] =	stream.linear.scatter [tilespmem:s16], [sflag:$0x2], $0x4000, $0x38;
	[tilespmem:$0x1FC00] =	vst v63  }
0x2c: {  	_ =	swait.ge [sflag:s17], $0x4000  }
0x2d: {  	[sflag:s17] =	ssyncset.done $0x0  }
0x2e: {  	s30 =	rddreg [dreg:$0x5];
	[sflag:s17] =	ssyncadd.s32 $0xFFFFC000  }
0x2f: {  	[spmem:s30] =	stream.linear.scatter [tilespmem:s16], [sflag:$0x2], $0x4000, $0x38;
	[tilespmem:$0x1FC00] =	vst v63  }
0x30: {  	_ =	swait.ge [sflag:s17], $0x4000  }
0x31: {  	[sflag:s17] =	ssyncset.done $0x0  }
0x32: {  	s31 =	rddreg [dreg:$0x6];
	[sflag:s17] =	ssyncadd.s32 $0xFFFFC000  }
0x33: {  	[spmem:s31] =	stream.linear.scatter [tilespmem:s16], [sflag:$0x2], $0x4000, $0x38;
	[tilespmem:$0x1FC00] =	vst v63  }
0x34: {  	_ =	swait.ge [sflag:s17], $0x4000  }
0x35: {  	[sflag:s17] =	ssyncset.done $0x0  }
0x36: {  	[sflag:s17] =	ssyncadd.s32 $0xFFFFC000  }
0x37: {  	p1 =	por $0x1, $0x1;
	s0 =	simm.s32 $0x0;
	[bflag:$0x0] =	sbarrier.arrive $0xFFFF  }
.LBB2_4:
0x38: {  	s0 =	sadd.s32 s11, s0  }
0x39: {  	s0 =	sshll.u32 s0, $0x4  }
0x3a: {  	s2 =	sadd.s32 s4, s0  }
0x3b: {  	[tilespmem:s26], [sflag:$0x2] =	stream.linear.gather [hbm4b:s2+s26], $0x1400, $0x38;
	[tilespmem:$0x1FC00] =	vst v63  }
0x3c: {  	_ =	swait.ge [sflag:s17], $0x1400  }
0x3d: {  	[sflag:s17] =	ssyncset.done $0x0  }
0x3e: {  	s31 =	sadd.s32 s5, s0;
	[sflag:s17] =	ssyncadd.s32 $0xFFFFEC00  }
0x3f: {  	[tilespmem:s18], [sflag:$0x2] =	stream.linear.gather [hbm4b:s31+s26], $0x1400, $0x38;
	[tilespmem:$0x1FC00] =	vst v63  }
0x40: {  	_ =	swait.ge [sflag:s17], $0x1400  }
0x41: {  	[sflag:s17] =	ssyncset.done $0x0  }
0x42: {  	s0 =	sadd.s32 s6, s0;
	[sflag:s17] =	ssyncadd.s32 $0xFFFFEC00  }
0x43: {  	[tilespmem:s19], [sflag:$0x2] =	stream.linear.gather [hbm4b:s0+s26], $0x1400, $0x38;
	[tilespmem:$0x1FC00] =	vst v63  }
0x44: {  	_ =	swait.ge [sflag:s17], $0x1400  }
0x45: {  	[sflag:s17] =	ssyncset.done $0x0  }
0x46: {  	[sflag:s17] =	ssyncadd.s32 $0xFFFFEC00  }
0x47: {  	[tilespmem:s16], [sflag:$0x1] =	stream.indirect.gather [hbm4b:s7+s20], $0x80, s26, s20, $0xb8;
	[tilespmem:$0x1FC00] =	vst v63  }
0x48: {  	_ = 	snop  }
0x49: {  	[tilespmem:s21], [sflag:$0x1] =	stream.indirect.gather [hbm4b:s7+s20], $0x80, s20, s20, $0xb8;
	[tilespmem:$0x1FC00] =	vst v63  }
0x4a: {  	_ =	swait.ge [sflag:s22], $0x2000  }
0x4b: {  	[sflag:s22] =	ssyncset.done $0x0  }
0x4c: {  	[sflag:s22] =	ssyncadd.s32 $0xFFFFE000  }
0x4d: {  	_ =	swait.ge [sflag:s22], $0x2000  }
0x4e: {  	[sflag:s22] =	ssyncset.done $0x0  }
0x4f: {  	p0 =	por p1, p1;
	s28 =	simm.s32 $0x0;
	[sflag:s22] =	ssyncadd.s32 $0xFFFFE000  }
.LBB2_5:
0x50: {  	s0 =	simm.s32 $0x0  }
0x51: {  	s30 =	sshll.u32 s28, $0x8;
	v2 =	vmov s0  }
0x52: {  	v1 =	vmov s30;
	v2 =	vand.u32 $0x7C, v2  }
0x53: {  	v2 =	vor.u32 v1, v2  }
0x54: {  	s2 =	sshllo.u32 s28, $0x1;
	v2 =	vbroadcast v2, $0x0  }
0x55: {  	s29 =	sshll.u32 s2, $0x7  }
0x56: {  	[tilespmem:s23], [sflag:$0x1] =	stream.indirect.gather [hbm4b:s7+s20], $0x80, s29, s20, $0xb8;
	[tilespmem:$0x1FC00] =	vst v63  }
0x57: {  	s31 =	simm.s32 $0x3D00;
	s2 =	sor.u32 $0x40, s29  }
0x58: {  	[tilespmem:s24], [sflag:$0x1] =	stream.indirect.gather [hbm4b:s7+s20], $0x80, s2, s20, $0xb8;
	[tilespmem:$0x1FC00] =	vst v63  }
0x59: {  	v4 =	vld [tilespmem:s31+$0xFFFFFF70]  }
0x5a: {  	v2 =	vld.idx.msk [tilespmem:v2+s19+$0x0], $0xffff  }
0x5b: {  	v5 =	vld [tilespmem:s31+$0xFFFFFF00]  }
0x5c: {  	v6 =	vld [tilespmem:s31+$0xFFFFFF20]  }
0x5d: {  	v7 =	vld [tilespmem:s31+$0xFFFFFF30]  }
0x5e: {  	v3 =	vld [tilespmem:s31+$0xFFFFFF50]  }
0x5f: {  	s12 =	simm.s32 $0x1;
	v9 =	vld [tilespmem:s31+$0xFFFFFF10];
	v4 =	vmul.f32 v4, v2  }
0x60: {  	v11 =	vmov s12;
	v8 =	vld [tilespmem:s31+$0xFFFFFF60];
	v5 =	vmul.f32 v5, v2  }
0x61: {  	v10 =	vld [tilespmem:s31+$0xFFFFFF40];
	v6 =	vmul.f32 v6, v2;
	[tilespmem:s31+$0xFFFFFF70] =	vst v4;
	v4 =	vand.u32 $0x7D, v11  }
0x62: {  	v7 =	vmul.f32 v7, v2;
	[tilespmem:s31+$0xFFFFFF00] =	vst v5;
	v4 =	vor.u32 v1, v4  }
0x63: {  	v3 =	vmul.f32 v3, v2;
	[tilespmem:s31+$0xFFFFFF20] =	vst v6;
	v4 =	vbroadcast v4, $0x0  }
0x64: {  	v5 =	vmul.f32 v9, v2;
	[tilespmem:s31+$0xFFFFFF30] =	vst v7  }
0x65: {  	v6 =	vmul.f32 v8, v2;
	[tilespmem:s31+$0xFFFFFF50] =	vst v3  }
0x66: {  	v2 =	vmul.f32 v10, v2;
	[tilespmem:s31+$0xFFFFFF10] =	vst v5  }
0x67: {  	[tilespmem:s31+$0xFFFFFF60] =	vst v6  }
0x68: {  	[tilespmem:s31+$0xFFFFFF40] =	vst v2;
	v2 =	vld [tilespmem:s31+$0xFFFFFF80]  }
0x69: {  	v4 =	vld.idx.msk [tilespmem:v4+s19+$0x0], $0xffff  }
0x6a: {  	v3 =	vld [tilespmem:s31+$0xFFFFFFA0]  }
0x6b: {  	v5 =	vld [tilespmem:s31+$0xFFFFFFF0]  }
0x6c: {  	v6 =	vld [tilespmem:s31+$0xFFFFFFC0]  }
0x6d: {  	v7 =	vld [tilespmem:s31+$0xFFFFFF90]  }
0x6e: {  	s13 =	simm.s32 $0x2;
	v8 =	vld [tilespmem:s31+$0xFFFFFFD0];
	v2 =	vmul.f32 v2, v4  }
0x6f: {  	v9 =	vld [tilespmem:s31+$0xFFFFFFB0];
	v10 =	vmov s13;
	v3 =	vmul.f32 v3, v4  }
0x70: {  	v11 =	vld [tilespmem:s31+$0xFFFFFFE0];
	v5 =	vmul.f32 v5, v4;
	[tilespmem:s31+$0xFFFFFF80] =	vst v2;
	v2 =	vand.u32 $0x7E, v10  }
0x71: {  	v6 =	vmul.f32 v6, v4;
	[tilespmem:s31+$0xFFFFFFA0] =	vst v3;
	v2 =	vor.u32 v1, v2  }
0x72: {  	v3 =	vmul.f32 v7, v4;
	[tilespmem:s31+$0xFFFFFFF0] =	vst v5;
	v5 =	vbroadcast v2, $0x0  }
0x73: {  	v7 =	vmul.f32 v8, v4;
	[tilespmem:s31+$0xFFFFFFC0] =	vst v6;
	v8 =	vld [tilespmem:s31+$0x30]  }
0x74: {  	v6 =	vmul.f32 v9, v4;
	v2 =	vld [tilespmem:s31+$0x60];
	[tilespmem:s31+$0xFFFFFF90] =	vst v3  }
0x75: {  	v4 =	vmul.f32 v11, v4;
	v3 =	vld [tilespmem:s31+$0x70];
	[tilespmem:s31+$0xFFFFFFD0] =	vst v7  }
0x76: {  	[tilespmem:s31+$0xFFFFFFB0] =	vst v6;
	v7 =	vld [tilespmem:s31+$0x20]  }
0x77: {  	[tilespmem:s31+$0xFFFFFFE0] =	vst v4;
	v6 =	vld [tilespmem:s31+$0x0]  }
0x78: {  	v4 =	vld.idx.msk [tilespmem:v5+s19+$0x0], $0xffff  }
0x79: {  	s9 =	simm.s32 $0x4;
	s10 =	simm.s32 $0x3D00;
	s2 =	sshll.u32 s28, $0x1;
	v5 =	vld [tilespmem:s31+$0x10]  }
.LBB2_6:
0x7a: {  	p1 =	sne.s32 s9, $0x7C  }
0x7b: {  	v9 =	vld [tilespmem:s31+$0x50];
	s10 =	sadd.s32 $0x200, s10;
	s12 =	smov.u32 s9;
	s9 =	sadd.s32 $0x4, s9  }
0x7c: {  	v10 =	vld [tilespmem:s31+$0x40];
	_ =	sdelay $0x1  }
0x7d: {  	s13 =	sadd.s32 $0x3, s0;
	s0 =	smov.u32 s12;
	v8 =	vmul.f32 v8, v4;
	v6 =	vmul.f32 v6, v4  }
0x7e: {  	v11 =	vmov s13;
	v7 =	vmul.f32 v7, v4;
	v5 =	vmul.f32 v5, v4  }
0x7f: {  	v2 =	vmul.f32 v2, v4;
	v3 =	vmul.f32 v3, v4;
	[tilespmem:s31+$0x30] =	vst v8;
	v8 =	vand.u32 $0x7F, v11  }
0x80: {  	[tilespmem:s31+$0x20] =	vst v7;
	v7 =	vmul.f32 v10, v4;
	v4 =	vmul.f32 v9, v4;
	v8 =	vor.u32 v1, v8  }
0x81: {  	[tilespmem:s31+$0x70] =	vst v3;
	v8 =	vbroadcast v8, $0x0;
	v9 =	vld [tilespmem:s31+$0x80]  }
0x82: {  	[tilespmem:s31+$0x60] =	vst v2;
	v10 =	vld [tilespmem:s31+$0xF0]  }
0x83: {  	v2 =	vld [tilespmem:s10+$0x60];
	[tilespmem:s31+$0x50] =	vst v4  }
0x84: {  	v3 =	vld [tilespmem:s10+$0x70];
	[tilespmem:s31+$0x40] =	vst v7  }
0x85: {  	[tilespmem:s31+$0x0] =	vst v6;
	v4 =	vld [tilespmem:s31+$0xD0]  }
0x86: {  	[tilespmem:s31+$0x10] =	vst v5;
	v5 =	vld [tilespmem:s31+$0xB0]  }
0x87: {  	v6 =	vld.idx.msk [tilespmem:v8+s19+$0x0], $0xffff  }
0x88: {  	v7 =	vld [tilespmem:s31+$0x90]  }
0x89: {  	v8 =	vld [tilespmem:s31+$0xA0]  }
0x8a: {  	v11 =	vld [tilespmem:s31+$0xC0]  }
0x8b: {  	v12 =	vld [tilespmem:s31+$0xE0];
	_ =	sdelay $0x1  }
0x8c: {  	v9 =	vmul.f32 v9, v6;
	v7 =	vmul.f32 v7, v6  }
0x8d: {  	v13 =	vmov s0;
	v5 =	vmul.f32 v5, v6;
	v8 =	vmul.f32 v8, v6  }
0x8e: {  	v13 =	vand.u32 $0x7C, v13;
	v4 =	vmul.f32 v4, v6;
	[tilespmem:s31+$0x80] =	vst v9;
	v9 =	vmul.f32 v11, v6  }
0x8f: {  	v11 =	vor.u32 v1, v13;
	[tilespmem:s31+$0xB0] =	vst v5;
	v5 =	vmul.f32 v12, v6;
	v6 =	vmul.f32 v10, v6  }
0x90: {  	v10 =	vbroadcast v11, $0x0;
	[tilespmem:s31+$0xA0] =	vst v8  }
0x91: {  	[tilespmem:s31+$0xD0] =	vst v4  }
0x92: {  	v4 =	vld [tilespmem:s10+$0xFFFFFF50];
	[tilespmem:s31+$0xF0] =	vst v6  }
0x93: {  	v6 =	vld [tilespmem:s10+$0xFFFFFF30];
	[tilespmem:s31+$0x90] =	vst v7  }
0x94: {  	v7 =	vld [tilespmem:s10+$0xFFFFFF60];
	[tilespmem:s31+$0xC0] =	vst v9  }
0x95: {  	v8 =	vld [tilespmem:s10+$0xFFFFFF70];
	[tilespmem:s31+$0xE0] =	vst v5;
	s31 =	smov.u32 s10  }
0x96: {  	v5 =	vld.idx.msk [tilespmem:v10+s19+$0x0], $0xffff  }
0x97: {  	v9 =	vld [tilespmem:s10+$0xFFFFFF00]  }
0x98: {  	v10 =	vld [tilespmem:s10+$0xFFFFFF20]  }
0x99: {  	v11 =	vld [tilespmem:s10+$0xFFFFFF10]  }
0x9a: {  	v12 =	vld [tilespmem:s10+$0xFFFFFF40];
	_ =	sdelay $0x1  }
0x9b: {  	s12 =	sadd.s32 $0x1, s0;
	v8 =	vmul.f32 v8, v5;
	v9 =	vmul.f32 v9, v5  }
0x9c: {  	v13 =	vmov s12;
	v7 =	vmul.f32 v7, v5;
	v10 =	vmul.f32 v10, v5  }
0x9d: {  	v6 =	vmul.f32 v6, v5;
	v11 =	vmul.f32 v11, v5;
	[tilespmem:s10+$0xFFFFFF70] =	vst v8;
	v8 =	vand.u32 $0x7D, v13  }
0x9e: {  	v4 =	vmul.f32 v4, v5;
	[tilespmem:s10+$0xFFFFFF00] =	vst v9;
	v9 =	vmul.f32 v12, v5;
	v5 =	vor.u32 v1, v8  }
0x9f: {  	[tilespmem:s10+$0xFFFFFF20] =	vst v10;
	v5 =	vbroadcast v5, $0x0  }
0xa0: {  	[tilespmem:s10+$0xFFFFFF30] =	vst v6  }
0xa1: {  	[tilespmem:s10+$0xFFFFFF50] =	vst v4;
	v4 =	vld [tilespmem:s10+$0xFFFFFFD0]  }
0xa2: {  	[tilespmem:s10+$0xFFFFFF10] =	vst v11;
	v6 =	vld [tilespmem:s10+$0xFFFFFFE0]  }
0xa3: {  	[tilespmem:s10+$0xFFFFFF60] =	vst v7;
	v7 =	vld [tilespmem:s10+$0xFFFFFFB0]  }
0xa4: {  	[tilespmem:s10+$0xFFFFFF40] =	vst v9;
	v8 =	vld [tilespmem:s10+$0xFFFFFFF0]  }
0xa5: {  	v5 =	vld.idx.msk [tilespmem:v5+s19+$0x0], $0xffff  }
0xa6: {  	v9 =	vld [tilespmem:s10+$0xFFFFFF80]  }
0xa7: {  	v10 =	vld [tilespmem:s10+$0xFFFFFFA0]  }
0xa8: {  	v11 =	vld [tilespmem:s10+$0xFFFFFFC0]  }
0xa9: {  	v12 =	vld [tilespmem:s10+$0xFFFFFF90];
	_ =	sdelay $0x1  }
0xaa: {  	s12 =	sadd.s32 $0x2, s0;
	v8 =	vmul.f32 v8, v5;
	v9 =	vmul.f32 v9, v5  }
0xab: {  	v13 =	vmov s12;
	v7 =	vmul.f32 v7, v5;
	v10 =	vmul.f32 v10, v5  }
0xac: {  	v6 =	vmul.f32 v6, v5;
	[tilespmem:s10+$0xFFFFFF80] =	vst v9;
	v9 =	vmul.f32 v11, v5;
	v11 =	vand.u32 $0x7E, v13  }
0xad: {  	v4 =	vmul.f32 v4, v5;
	v12 =	vmul.f32 v12, v5;
	[tilespmem:s10+$0xFFFFFFA0] =	vst v10;
	v5 =	vor.u32 v1, v11  }
0xae: {  	[tilespmem:s10+$0xFFFFFFF0] =	vst v8;
	v5 =	vbroadcast v5, $0x0  }
0xaf: {  	[tilespmem:s10+$0xFFFFFFC0] =	vst v9  }
0xb0: {  	[tilespmem:s10+$0xFFFFFF90] =	vst v12  }
0xb1: {  	[tilespmem:s10+$0xFFFFFFD0] =	vst v4  }
.Ltmp1:
0xb2: {  	[tilespmem:s10+$0xFFFFFFB0] =	vst v7;
	v8 =	vld [tilespmem:s10+$0x30];
	(pc) =	sbr.rel @p1 .LBB2_6-.Ltmp1, $4  }
0xb3: {  	[tilespmem:s10+$0xFFFFFFE0] =	vst v6;
	v7 =	vld [tilespmem:s10+$0x20]  }
0xb4: {  	v4 =	vld.idx.msk [tilespmem:v5+s19+$0x0], $0xffff  }
0xb5: {  	v6 =	vld [tilespmem:s10+$0x0]  }
0xb6: {  	v5 =	vld [tilespmem:s10+$0x10]  }
0xb7: {  	_ =	sdelay $0x1  }
0xb8: {  	v9 =	vld [tilespmem:s31+$0x50];
	s0 =	sadd.s32 $0x3, s0;
	v8 =	vmul.f32 v8, v4  }
0xb9: {  	v10 =	vld [tilespmem:s31+$0x40];
	v11 =	vmov s0;
	v3 =	vmul.f32 v3, v4  }
0xba: {  	v2 =	vmul.f32 v2, v4;
	[tilespmem:s31+$0x30] =	vst v8;
	v8 =	vand.u32 $0x7F, v11  }
0xbb: {  	v7 =	vmul.f32 v7, v4;
	[tilespmem:s31+$0x70] =	vst v3;
	v1 =	vor.u32 v1, v8  }
0xbc: {  	[tilespmem:s31+$0x60] =	vst v2;
	v2 =	vmul.f32 v6, v4;
	v1 =	vbroadcast v1, $0x0  }
0xbd: {  	[tilespmem:s31+$0x20] =	vst v7;
	v3 =	vmul.f32 v9, v4  }
0xbe: {  	v8 =	vmul.f32 v10, v4;
	[tilespmem:s31+$0x0] =	vst v2  }
0xbf: {  	[tilespmem:s31+$0x50] =	vst v3;
	v3 =	vmul.f32 v5, v4  }
0xc0: {  	[tilespmem:s31+$0x40] =	vst v8  }
0xc1: {  	v7 =	vld [tilespmem:s31+$0x80];
	[tilespmem:s31+$0x10] =	vst v3  }
0xc2: {  	v1 =	vld.idx.msk [tilespmem:v1+s19+$0x0], $0xffff  }
0xc3: {  	v2 =	vld [tilespmem:s31+$0xB0]  }
0xc4: {  	v3 =	vld [tilespmem:s31+$0xA0]  }
0xc5: {  	v4 =	vld [tilespmem:s31+$0xD0]  }
0xc6: {  	v5 =	vld [tilespmem:s31+$0xF0]  }
0xc7: {  	v6 =	vld [tilespmem:s31+$0x90];
	v7 =	vmul.f32 v7, v1  }
0xc8: {  	v8 =	vld [tilespmem:s31+$0xC0];
	v2 =	vmul.f32 v2, v1  }
0xc9: {  	v9 =	vld [tilespmem:s31+$0xE0];
	v3 =	vmul.f32 v3, v1;
	[tilespmem:s31+$0x80] =	vst v7  }
0xca: {  	v4 =	vmul.f32 v4, v1;
	[tilespmem:s31+$0xB0] =	vst v2  }
0xcb: {  	v2 =	vmul.f32 v5, v1;
	[tilespmem:s31+$0xA0] =	vst v3  }
0xcc: {  	v3 =	vmul.f32 v6, v1;
	[tilespmem:s31+$0xD0] =	vst v4  }
0xcd: {  	v4 =	vmul.f32 v8, v1;
	[tilespmem:s31+$0xF0] =	vst v2  }
0xce: {  	v1 =	vmul.f32 v9, v1;
	[tilespmem:s31+$0x90] =	vst v3  }
0xcf: {  	s13 =	sand.u32 $0x3FFFFF00, s30;
	[tilespmem:s31+$0xC0] =	vst v4  }
0xd0: {  	s0 =	sadd.s32 $0x1400, s13;
	[tilespmem:s31+$0xE0] =	vst v1  }
0xd1: {  	[spmem:s1] =	stream.indirect.scatter.add.f32 [tilespmem:s16], [sflag:$0x2], $0x80, s0, s25, $0xb8;
	[tilespmem:$0x1FC00] =	vst v63  }
0xd2: {  	_ =	swait.ge [sflag:s17], $0x4000  }
0xd3: {  	[sflag:s17] =	ssyncset.done $0x0  }
0xd4: {  	[sflag:s17] =	ssyncadd.s32 $0xFFFFC000  }
0xd5: {  	s31 =	simm.s32 $0x0;
	_ =	swait.ge [sflag:s22], $0x2000  }
0xd6: {  	v2 =	vmov s31;
	[sflag:s22] =	ssyncset.done $0x0  }
0xd7: {  	v1 =	vmov s29;
	v2 =	vand.u32 $0x7C, v2;
	[sflag:s22] =	ssyncadd.s32 $0xFFFFE000  }
0xd8: {  	s9 =	smin.u32 s2, $0x25;
	v2 =	vor.u32 v1, v2;
	_ =	swait.ge [sflag:s22], $0x2000  }
0xd9: {  	s0 =	sshll.u32 s9, $0x7;
	v2 =	vbroadcast v2, $0x0;
	[sflag:s22] =	ssyncset.done $0x0  }
0xda: {  	s10 =	sadd.s32 $0x100, s0;
	[sflag:s22] =	ssyncadd.s32 $0xFFFFE000  }
0xdb: {  	[tilespmem:s16], [sflag:$0x1] =	stream.indirect.gather [hbm4b:s7+s20], $0x80, s10, s20, $0xb8;
	[tilespmem:$0x1FC00] =	vst v63  }
0xdc: {  	s30 =	simm.s32 $0x7D00;
	s0 =	sadd.s32 $0x140, s0  }
0xdd: {  	[tilespmem:s21], [sflag:$0x1] =	stream.indirect.gather [hbm4b:s7+s20], $0x80, s0, s20, $0xb8;
	[tilespmem:$0x1FC00] =	vst v63  }
0xde: {  	v4 =	vld [tilespmem:s30+$0xFFFFFF70]  }
0xdf: {  	v2 =	vld.idx.msk [tilespmem:v2+s19+$0x0], $0xffff  }
0xe0: {  	v5 =	vld [tilespmem:s30+$0xFFFFFF00]  }
0xe1: {  	v6 =	vld [tilespmem:s30+$0xFFFFFF20]  }
0xe2: {  	v7 =	vld [tilespmem:s30+$0xFFFFFF30]  }
0xe3: {  	v3 =	vld [tilespmem:s30+$0xFFFFFF50]  }
0xe4: {  	s12 =	simm.s32 $0x1;
	v9 =	vld [tilespmem:s30+$0xFFFFFF10];
	v4 =	vmul.f32 v4, v2  }
0xe5: {  	v11 =	vmov s12;
	v8 =	vld [tilespmem:s30+$0xFFFFFF60];
	v5 =	vmul.f32 v5, v2  }
0xe6: {  	v10 =	vld [tilespmem:s30+$0xFFFFFF40];
	v6 =	vmul.f32 v6, v2;
	[tilespmem:s30+$0xFFFFFF70] =	vst v4;
	v4 =	vand.u32 $0x7D, v11  }
0xe7: {  	v7 =	vmul.f32 v7, v2;
	[tilespmem:s30+$0xFFFFFF00] =	vst v5;
	v4 =	vor.u32 v1, v4  }
0xe8: {  	v3 =	vmul.f32 v3, v2;
	[tilespmem:s30+$0xFFFFFF20] =	vst v6;
	v4 =	vbroadcast v4, $0x0  }
0xe9: {  	v5 =	vmul.f32 v9, v2;
	[tilespmem:s30+$0xFFFFFF30] =	vst v7  }
0xea: {  	v6 =	vmul.f32 v8, v2;
	[tilespmem:s30+$0xFFFFFF50] =	vst v3  }
0xeb: {  	v2 =	vmul.f32 v10, v2;
	[tilespmem:s30+$0xFFFFFF10] =	vst v5  }
0xec: {  	[tilespmem:s30+$0xFFFFFF60] =	vst v6  }
0xed: {  	[tilespmem:s30+$0xFFFFFF40] =	vst v2;
	v2 =	vld [tilespmem:s30+$0xFFFFFF80]  }
0xee: {  	v4 =	vld.idx.msk [tilespmem:v4+s19+$0x0], $0xffff  }
0xef: {  	v3 =	vld [tilespmem:s30+$0xFFFFFFA0]  }
0xf0: {  	v5 =	vld [tilespmem:s30+$0xFFFFFFF0]  }
0xf1: {  	v6 =	vld [tilespmem:s30+$0xFFFFFFC0]  }
0xf2: {  	v7 =	vld [tilespmem:s30+$0xFFFFFF90]  }
0xf3: {  	s13 =	simm.s32 $0x2;
	v8 =	vld [tilespmem:s30+$0xFFFFFFD0];
	v2 =	vmul.f32 v2, v4  }
0xf4: {  	v9 =	vld [tilespmem:s30+$0xFFFFFFB0];
	v10 =	vmov s13;
	v3 =	vmul.f32 v3, v4  }
0xf5: {  	v11 =	vld [tilespmem:s30+$0xFFFFFFE0];
	v5 =	vmul.f32 v5, v4;
	[tilespmem:s30+$0xFFFFFF80] =	vst v2;
	v2 =	vand.u32 $0x7E, v10  }
0xf6: {  	v6 =	vmul.f32 v6, v4;
	[tilespmem:s30+$0xFFFFFFA0] =	vst v3;
	v2 =	vor.u32 v1, v2  }
0xf7: {  	v3 =	vmul.f32 v7, v4;
	[tilespmem:s30+$0xFFFFFFF0] =	vst v5;
	v5 =	vbroadcast v2, $0x0  }
0xf8: {  	v7 =	vmul.f32 v8, v4;
	[tilespmem:s30+$0xFFFFFFC0] =	vst v6;
	v8 =	vld [tilespmem:s30+$0x30]  }
0xf9: {  	v6 =	vmul.f32 v9, v4;
	v2 =	vld [tilespmem:s30+$0x60];
	[tilespmem:s30+$0xFFFFFF90] =	vst v3  }
0xfa: {  	v4 =	vmul.f32 v11, v4;
	v3 =	vld [tilespmem:s30+$0x70];
	[tilespmem:s30+$0xFFFFFFD0] =	vst v7  }
0xfb: {  	[tilespmem:s30+$0xFFFFFFB0] =	vst v6;
	v7 =	vld [tilespmem:s30+$0x20]  }
0xfc: {  	[tilespmem:s30+$0xFFFFFFE0] =	vst v4;
	v6 =	vld [tilespmem:s30+$0x0]  }
0xfd: {  	v4 =	vld.idx.msk [tilespmem:v5+s19+$0x0], $0xffff  }
0xfe: {  	s2 =	simm.s32 $0x7D00;
	s0 =	simm.s32 $0x4;
	v5 =	vld [tilespmem:s30+$0x10]  }
.LBB2_8:
0xff: {  	p1 =	sne.s32 s0, $0x7C  }
0x100: {  	v9 =	vld [tilespmem:s30+$0x50];
	s2 =	sadd.s32 $0x200, s2;
	s9 =	smov.u32 s0;
	s0 =	sadd.s32 $0x4, s0  }
0x101: {  	v10 =	vld [tilespmem:s30+$0x40];
	_ =	sdelay $0x1  }
0x102: {  	s10 =	sadd.s32 $0x3, s31;
	s31 =	smov.u32 s9;
	v8 =	vmul.f32 v8, v4;
	v6 =	vmul.f32 v6, v4  }
0x103: {  	v11 =	vmov s10;
	v7 =	vmul.f32 v7, v4;
	v5 =	vmul.f32 v5, v4  }
0x104: {  	v2 =	vmul.f32 v2, v4;
	v3 =	vmul.f32 v3, v4;
	[tilespmem:s30+$0x30] =	vst v8;
	v8 =	vand.u32 $0x7F, v11  }
0x105: {  	[tilespmem:s30+$0x20] =	vst v7;
	v7 =	vmul.f32 v10, v4;
	v4 =	vmul.f32 v9, v4;
	v8 =	vor.u32 v1, v8  }
0x106: {  	[tilespmem:s30+$0x70] =	vst v3;
	v8 =	vbroadcast v8, $0x0;
	v9 =	vld [tilespmem:s30+$0x80]  }
0x107: {  	[tilespmem:s30+$0x60] =	vst v2;
	v10 =	vld [tilespmem:s30+$0xF0]  }
0x108: {  	v2 =	vld [tilespmem:s2+$0x60];
	[tilespmem:s30+$0x50] =	vst v4  }
0x109: {  	v3 =	vld [tilespmem:s2+$0x70];
	[tilespmem:s30+$0x40] =	vst v7  }
0x10a: {  	[tilespmem:s30+$0x0] =	vst v6;
	v4 =	vld [tilespmem:s30+$0xD0]  }
0x10b: {  	[tilespmem:s30+$0x10] =	vst v5;
	v5 =	vld [tilespmem:s30+$0xB0]  }
0x10c: {  	v6 =	vld.idx.msk [tilespmem:v8+s19+$0x0], $0xffff  }
0x10d: {  	v7 =	vld [tilespmem:s30+$0x90]  }
0x10e: {  	v8 =	vld [tilespmem:s30+$0xA0]  }
0x10f: {  	v11 =	vld [tilespmem:s30+$0xC0]  }
0x110: {  	v12 =	vld [tilespmem:s30+$0xE0];
	_ =	sdelay $0x1  }
0x111: {  	v9 =	vmul.f32 v9, v6;
	v7 =	vmul.f32 v7, v6  }
0x112: {  	v13 =	vmov s31;
	v5 =	vmul.f32 v5, v6;
	v8 =	vmul.f32 v8, v6  }
0x113: {  	v13 =	vand.u32 $0x7C, v13;
	v4 =	vmul.f32 v4, v6;
	[tilespmem:s30+$0x80] =	vst v9;
	v9 =	vmul.f32 v11, v6  }
0x114: {  	v11 =	vor.u32 v1, v13;
	[tilespmem:s30+$0xB0] =	vst v5;
	v5 =	vmul.f32 v12, v6;
	v6 =	vmul.f32 v10, v6  }
0x115: {  	v10 =	vbroadcast v11, $0x0;
	[tilespmem:s30+$0xA0] =	vst v8  }
0x116: {  	[tilespmem:s30+$0xD0] =	vst v4  }
0x117: {  	v4 =	vld [tilespmem:s2+$0xFFFFFF50];
	[tilespmem:s30+$0xF0] =	vst v6  }
0x118: {  	v6 =	vld [tilespmem:s2+$0xFFFFFF30];
	[tilespmem:s30+$0x90] =	vst v7  }
0x119: {  	v7 =	vld [tilespmem:s2+$0xFFFFFF60];
	[tilespmem:s30+$0xC0] =	vst v9  }
0x11a: {  	v8 =	vld [tilespmem:s2+$0xFFFFFF70];
	[tilespmem:s30+$0xE0] =	vst v5;
	s30 =	smov.u32 s2  }
0x11b: {  	v5 =	vld.idx.msk [tilespmem:v10+s19+$0x0], $0xffff  }
0x11c: {  	v9 =	vld [tilespmem:s2+$0xFFFFFF00]  }
0x11d: {  	v10 =	vld [tilespmem:s2+$0xFFFFFF20]  }
0x11e: {  	v11 =	vld [tilespmem:s2+$0xFFFFFF10]  }
0x11f: {  	v12 =	vld [tilespmem:s2+$0xFFFFFF40];
	_ =	sdelay $0x1  }
0x120: {  	s9 =	sadd.s32 $0x1, s31;
	v8 =	vmul.f32 v8, v5;
	v9 =	vmul.f32 v9, v5  }
0x121: {  	v13 =	vmov s9;
	v7 =	vmul.f32 v7, v5;
	v10 =	vmul.f32 v10, v5  }
0x122: {  	v6 =	vmul.f32 v6, v5;
	v11 =	vmul.f32 v11, v5;
	[tilespmem:s2+$0xFFFFFF70] =	vst v8;
	v8 =	vand.u32 $0x7D, v13  }
0x123: {  	v4 =	vmul.f32 v4, v5;
	[tilespmem:s2+$0xFFFFFF00] =	vst v9;
	v9 =	vmul.f32 v12, v5;
	v5 =	vor.u32 v1, v8  }
0x124: {  	[tilespmem:s2+$0xFFFFFF20] =	vst v10;
	v5 =	vbroadcast v5, $0x0  }
0x125: {  	[tilespmem:s2+$0xFFFFFF30] =	vst v6  }
0x126: {  	[tilespmem:s2+$0xFFFFFF50] =	vst v4;
	v4 =	vld [tilespmem:s2+$0xFFFFFFD0]  }
0x127: {  	[tilespmem:s2+$0xFFFFFF10] =	vst v11;
	v6 =	vld [tilespmem:s2+$0xFFFFFFE0]  }
0x128: {  	[tilespmem:s2+$0xFFFFFF60] =	vst v7;
	v7 =	vld [tilespmem:s2+$0xFFFFFFB0]  }
0x129: {  	[tilespmem:s2+$0xFFFFFF40] =	vst v9;
	v8 =	vld [tilespmem:s2+$0xFFFFFFF0]  }
0x12a: {  	v5 =	vld.idx.msk [tilespmem:v5+s19+$0x0], $0xffff  }
0x12b: {  	v9 =	vld [tilespmem:s2+$0xFFFFFF80]  }
0x12c: {  	v10 =	vld [tilespmem:s2+$0xFFFFFFA0]  }
0x12d: {  	v11 =	vld [tilespmem:s2+$0xFFFFFFC0]  }
0x12e: {  	v12 =	vld [tilespmem:s2+$0xFFFFFF90];
	_ =	sdelay $0x1  }
0x12f: {  	s9 =	sadd.s32 $0x2, s31;
	v8 =	vmul.f32 v8, v5;
	v9 =	vmul.f32 v9, v5  }
0x130: {  	v13 =	vmov s9;
	v7 =	vmul.f32 v7, v5;
	v10 =	vmul.f32 v10, v5  }
0x131: {  	v6 =	vmul.f32 v6, v5;
	[tilespmem:s2+$0xFFFFFF80] =	vst v9;
	v9 =	vmul.f32 v11, v5;
	v11 =	vand.u32 $0x7E, v13  }
0x132: {  	v4 =	vmul.f32 v4, v5;
	v12 =	vmul.f32 v12, v5;
	[tilespmem:s2+$0xFFFFFFA0] =	vst v10;
	v5 =	vor.u32 v1, v11  }
0x133: {  	[tilespmem:s2+$0xFFFFFFF0] =	vst v8;
	v5 =	vbroadcast v5, $0x0  }
0x134: {  	[tilespmem:s2+$0xFFFFFFC0] =	vst v9  }
0x135: {  	[tilespmem:s2+$0xFFFFFF90] =	vst v12  }
0x136: {  	[tilespmem:s2+$0xFFFFFFD0] =	vst v4  }
.Ltmp2:
0x137: {  	[tilespmem:s2+$0xFFFFFFB0] =	vst v7;
	v8 =	vld [tilespmem:s2+$0x30];
	(pc) =	sbr.rel @p1 .LBB2_8-.Ltmp2, $4  }
0x138: {  	[tilespmem:s2+$0xFFFFFFE0] =	vst v6;
	v7 =	vld [tilespmem:s2+$0x20]  }
0x139: {  	v4 =	vld.idx.msk [tilespmem:v5+s19+$0x0], $0xffff  }
0x13a: {  	v6 =	vld [tilespmem:s2+$0x0]  }
0x13b: {  	v5 =	vld [tilespmem:s2+$0x10]  }
0x13c: {  	_ =	sdelay $0x1  }
0x13d: {  	v9 =	vld [tilespmem:s30+$0x50];
	s0 =	sadd.s32 $0x3, s31;
	v8 =	vmul.f32 v8, v4  }
0x13e: {  	v10 =	vld [tilespmem:s30+$0x40];
	v11 =	vmov s0;
	v3 =	vmul.f32 v3, v4  }
0x13f: {  	v55 =	vand.u32 $0x7F, v11;
	v2 =	vmul.f32 v2, v4;
	[tilespmem:s30+$0x30] =	vst v8  }
0x140: {  	v7 =	vmul.f32 v7, v4;
	v1 =	vor.u32 v1, v55;
	[tilespmem:s30+$0x70] =	vst v3  }
0x141: {  	v1 =	vbroadcast v1, $0x0;
	[tilespmem:s30+$0x60] =	vst v2;
	v2 =	vmul.f32 v6, v4  }
0x142: {  	[tilespmem:s30+$0x20] =	vst v7;
	v3 =	vmul.f32 v9, v4  }
0x143: {  	v57 =	vmul.f32 v10, v4;
	[tilespmem:s30+$0x0] =	vst v2  }
0x144: {  	[tilespmem:s30+$0x50] =	vst v3;
	v3 =	vmul.f32 v5, v4  }
0x145: {  	[tilespmem:s30+$0x40] =	vst v57  }
0x146: {  	v56 =	vld [tilespmem:s30+$0x80];
	[tilespmem:s30+$0x10] =	vst v3  }
0x147: {  	v1 =	vld.idx.msk [tilespmem:v1+s19+$0x0], $0xffff  }
0x148: {  	v2 =	vld [tilespmem:s30+$0xB0]  }
0x149: {  	v3 =	vld [tilespmem:s30+$0xA0]  }
0x14a: {  	v58 =	vld [tilespmem:s30+$0xD0]  }
0x14b: {  	v61 =	vld [tilespmem:s30+$0xC0]  }
0x14c: {  	v59 =	vld [tilespmem:s30+$0xF0];
	v7 =	vmul.f32 v56, v1  }
0x14d: {  	v60 =	vld [tilespmem:s30+$0x90];
	v2 =	vmul.f32 v2, v1  }
0x14e: {  	v62 =	vld [tilespmem:s30+$0xE0];
	v3 =	vmul.f32 v3, v1;
	[tilespmem:s30+$0x80] =	vst v7  }
0x14f: {  	v4 =	vmul.f32 v58, v1;
	[tilespmem:s30+$0xB0] =	vst v2  }
0x150: {  	v63 =	vmul.f32 v61, v1;
	[tilespmem:s30+$0xA0] =	vst v3  }
0x151: {  	v2 =	vmul.f32 v59, v1;
	[tilespmem:s30+$0xD0] =	vst v4  }
0x152: {  	v3 =	vmul.f32 v60, v1;
	[tilespmem:s30+$0xC0] =	vst v63  }
0x153: {  	v1 =	vmul.f32 v62, v1;
	[tilespmem:s30+$0xF0] =	vst v2  }
0x154: {  	[tilespmem:s30+$0x90] =	vst v3  }
0x155: {  	s31 =	sadd.s32 $0x1400, s29;
	[tilespmem:s30+$0xE0] =	vst v1  }
0x156: {  	[spmem:s1] =	stream.indirect.scatter.add.f32 [tilespmem:s23], [sflag:$0x2], $0x80, s31, s25, $0xb8;
	[tilespmem:$0x1FC00] =	vst v63  }
0x157: {  	_ =	swait.ge [sflag:s17], $0x4000  }
0x158: {  	[sflag:s17] =	ssyncset.done $0x0  }
0x159: {  	s28 =	sadd.s32 $0x1, s28;
	[sflag:s17] =	ssyncadd.s32 $0xFFFFC000  }
0x15a: {  	p1 =	sne.s32 s28, $0x14;
	_ =	swait.ge [sflag:s22], $0x2000  }
.Ltmp3:
0x15b: {  	[sflag:s22] =	ssyncset.done $0x0;
	(pc) =	sbr.rel @p1 .LBB2_5-.Ltmp3, $4  }
0x15c: {  	[sflag:s22] =	ssyncadd.s32 $0xFFFFE000  }
0x15d: {  	_ =	swait.ge [sflag:s22], $0x2000  }
0x15e: {  	[sflag:s22] =	ssyncset.done $0x0  }
0x15f: {  	[sflag:s22] =	ssyncadd.s32 $0xFFFFE000  }
.Ltmp4:
0x160: {  	(pc) =	sbr.rel @p0 .LBB2_4-.Ltmp4, $2  }
0x161: {  	_ =	sdelay $0x2  }
0x162: {  	s0 =	simm.s32 $0x28;
	p1 =	por $0x0, $0x0  }
0x163: {  	s0 =	stileid.u32;
	s3 =	sadd.s32 $0x1, s3  }
0x164: {  	[bflag:$0x0] =	sbarrier.arrive $0xFFFF;
	s0 =	sshll.u32 s0, $0x6;
	p0 =	sne.s32 s3, s15  }
.Ltmp5:
0x165: {  	s2 =	sshrl.u32 s8, $0x3;
	s0 =	sor.u32 $0x1C02, s0;
	(pc) =	sbr.rel @p0 .LBB2_1-.Ltmp5, $4  }
0x166: {  	[hbm:s14], [sflag:s0] =	dma.local [spmem:s2], $0x2800  }
0x167: {  	_ =	swait.ge [sflag:s17], $0x2800  }
0x168: {  	[sflag:s17] =	ssyncset.done $0x0  }
0x169: {  	[sflag:s17] =	ssyncadd.s32 $0xFFFFD800  }
0x16a: {  	_ =	sfence.sel $0x180000  }
0x16b: {  	[bflag:$0x0] =	sbarrier.arrive $0xFFFF  }
0x16c: {  	_ =	strace $0x9000004A  }
0x16d: {  	s0 =	stileid.u32;
	[bflag:$0x2] =	sbarrier.arrive $0xFFFF  }
0x16e: {  	p0 =	sne.s32 s0, $0x0;
	s0 =	rddreg [dreg:$0x2]  }
0x16f: {  	s0 =	sadd.s32 @!p0 $0x100000, s0  }
0x170: {  	[sflag:s0] =	ssyncadd.tile.s32 @!p0 $0x1;
	_ =	shalt  }
.Lfunc_end2:
_tile_overlayer_lowered:
.L_overlay_start_2:
0x171: {  	(tag) =	ssettag $0x2  }
0x172: {  	s0 =	rddreg [dreg:$0x0];
	s2 =	stileid.u32  }
0x173: {  	s1 =	rddreg [dreg:$0x1];
	p0 =	sne.s32 s2, $0x0  }
0x174: {  	s3 =	rddreg [dreg:$0x2];
	[bflag:$0x3] =	sbarrier.arrive $0xFFFF;
	s2 =	simm.s32 @!p0 $0x1C02  }
0x175: {  	[timem:s3], [sflag:s2] =	dma.local @!p0 [hbm:s0], s1  }
0x176: {  	s0 =	simm.s32 @!p0 $0x2  }
0x177: {  	_ =	swait.ge @!p0 [sflag:s0], s1  }
0x178: {  	s1 =	ssub.s32 @!p0 $0x0, s1;
	[sflag:s0] =	ssyncset.done @!p0 $0x0  }
0x179: {  	[sflag:s0] =	ssyncadd.s32 @!p0 s1  }
0x17a: {  	[bflag:$0x3] =	sbarrier.arrive $0xFFFF  }
0x17b: {  	_ =	shalt  }

// kernel: kernel.14.cloned.1.call-start
scs
__scs_entry_jumppad:
0x0: {  	(pc) =	sbr.rel $0x88, $3  }
0x1: {  	(tag) =	ssettag $0x0;
	lr =	simm.s32 $0x1  }
0x2: {  	[smem:$0x3F97] =	sst lr;
	_ =	strace $0xD0000000  }
0x3: {  	_ = 	snop  }
0x4: {  	_ = 	snop  }
0x5: {  	_ = 	snop  }
0x6: {  	_ = 	snop  }
0x7: {  	_ = 	snop  }
__scs_overlays_trampoline_lowered:
0x8: {  	[smem:$0x3FA6] =	sst s0  }
0x9: {  	[smem:$0x3FA7] =	sst s1  }
0xa: {  	[smem:$0x3FA8] =	sst s2  }
0xb: {  	[smem:$0x3FA9] =	sst s3  }
0xc: {  	[smem:$0x3FAA] =	sst s4  }
0xd: {  	[smem:$0x3FAB] =	sst s5  }
0xe: {  	[smem:$0x3FAC] =	sst s6  }
0xf: {  	[smem:$0x3FAD] =	sst s7  }
0x10: {  	[smem:$0x3FAE] =	sst s8  }
0x11: {  	[smem:$0x3FAF] =	sst s9;
	s0 =	simm.s32 @!p0 $0x0  }
0x12: {  	s1 =	sld [smem:$0x3F95];
	s0 =	simm.s32 @p0 $0x1  }
0x13: {  	[smem:$0x3FB0] =	sst s0;
	s0 =	simm.s32 @!p1 $0x0  }
0x14: {  	s2 =	sld [smem:$0x3F94];
	s0 =	simm.s32 @p1 $0x1  }
0x15: {  	[smem:$0x3FB1] =	sst s0;
	s0 =	simm.s32 @!p2 $0x0  }
0x16: {  	s3 =	sld [smem:$0x3FDB];
	s0 =	simm.s32 @p2 $0x1  }
0x17: {  	s4 =	simm.s32 $0x1BF5;
	[smem:$0x3FB3] =	sst s0  }
0x18: {  	s0 =	sld [smem:$0x3F96];
	_ =	swait.ge [sflag:s4], $0x0  }
0x19: {  	s7 =	sld [smem:$0x3F97]  }
0x1a: {  	s8 =	sadd.s32 $0xFFFFE003, lr  }
0x1b: {  	s9 =	sadd.s32 $0xFFFFFEF7, lr;
	s5 =	simm.s32 $0xFFFFFFFF;
	p2 =	slt.u32 s8, $0xFFFFF086  }
0x1c: {  	p1 =	slt.u32 s9, $0xF7A;
	s5 =	simm.s32 @!p2 $0x0  }
0x1d: {  	s5 =	simm.s32 @p1 $0x1;
	p0 =	seq.s32 s7, s2  }
0x1e: {  	s7 =	smul.u32 @!p0 $0xF7A, s2;
	p2 =	seq.s32 @!p0 s5, $0x0  }
0x1f: {  	s9 =	smul.u32 $0xF7A, s1;
	s8 =	simm.s32 @!p0 $0x1BF5;
	p2 =	por !p2, p0  }
0x20: {  	[sflag:s8] =	ssyncset.s32 @!p0 $0xFFFFF086;
	s6 =	sadd.s32 @!p0 s3, s7;
	s7 =	simm.s32 @!p0 $0x108  }
0x21: {  	s3 =	sadd.s32 s3, s9;
	s6 =	sadd.s32 @!p0 $0x88, s6;
	s7 =	simm.s32 @p2 $0x1082  }
0x22: {  	[simem:s7], [sflag:s8] =	dma.local @!p0 [hbm:s6], $0xF7A  }
0x23: {  	s9 =	sor.u32 $0xD0000000, s2;
	s6 =	simm.s32 $0x108;
	_ =	swait.ge @!p0 [sflag:s8], $0x0  }
0x24: {  	s3 =	sadd.s32 $0x88, s3;
	s6 =	simm.s32 @!p1 $0x1082;
	[sflag:s4] =	ssyncset.s32 $0xFFFFF086  }
0x25: {  	[simem:s6], [sflag:s4] =	dma.local [hbm:s3], $0xF7A  }
0x26: {  	[smem:$0x3F97] =	sst s1;
	(tag) =	ssettag s2;
	_ =	strace s9  }
0x27: {  	s1 =	sld [smem:$0x3FA7]  }
0x28: {  	s2 =	sld [smem:$0x3FA8]  }
0x29: {  	s4 =	sld [smem:$0x3FAA]  }
0x2a: {  	p0 =	seq.s32 s5, $0x0;
	s5 =	sld [smem:$0x3FAB]  }
0x2b: {  	s6 =	sld [smem:$0x3FAC]  }
0x2c: {  	s7 =	sld [smem:$0x3FAD]  }
0x2d: {  	s3 =	simm.s32 $0x108;
	s8 =	sld [smem:$0x3FAE]  }
0x2e: {  	s3 =	simm.s32 @!p0 $0x1082;
	s9 =	sld [smem:$0x3FAF]  }
0x2f: {  	lr =	sadd.s32 s0, s3;
	s0 =	sld [smem:$0x3FA6]  }
0x30: {  	s3 =	sld [smem:$0x3FA9]  }
0x31: {  	[smem:$0x3FB2] =	sst s10  }
0x32: {  	s10 =	sld [smem:$0x3FB0];
	_ =	sdelay $0x3  }
0x33: {  	p0 =	seq.s32 s10, $0x1;
	s10 =	sld [smem:$0x3FB2];
	_ =	sdelay $0x3  }
0x34: {  	[smem:$0x3FB2] =	sst s10  }
0x35: {  	s10 =	sld [smem:$0x3FB1];
	_ =	sdelay $0x3  }
0x36: {  	p1 =	seq.s32 s10, $0x1;
	s10 =	sld [smem:$0x3FB2];
	_ =	sdelay $0x3  }
0x37: {  	[smem:$0x3FB2] =	sst s10  }
0x38: {  	s10 =	sld [smem:$0x3FB3]  }
0x39: {  	_ = 	snop;
	(pc) =	sbr.ind lr, $3  }
0x3a: {  	_ = 	snop  }
0x3b: {  	_ = 	snop  }
0x3c: {  	p2 =	seq.s32 s10, $0x1;
	s10 =	sld [smem:$0x3FB2]  }
0x3d: {  	_ =	shalt  }
0x3e: {  	_ =	shalt  }
0x3f: {  	_ =	shalt  }
0x40: {  	_ =	shalt  }
0x41: {  	_ =	shalt  }
0x42: {  	_ =	shalt  }
0x43: {  	_ =	shalt  }
0x44: {  	_ =	shalt  }
0x45: {  	_ =	shalt  }
0x46: {  	_ =	shalt  }
0x47: {  	_ =	shalt  }
0x48: {  	_ =	shalt  }
0x49: {  	_ =	shalt  }
0x4a: {  	_ =	shalt  }
0x4b: {  	_ =	shalt  }
0x4c: {  	_ =	shalt  }
0x4d: {  	_ =	shalt  }
0x4e: {  	_ =	shalt  }
0x4f: {  	_ =	shalt  }
0x50: {  	_ =	shalt  }
0x51: {  	_ =	shalt  }
0x52: {  	_ =	shalt  }
0x53: {  	_ =	shalt  }
0x54: {  	_ =	shalt  }
0x55: {  	_ =	shalt  }
0x56: {  	_ =	shalt  }
0x57: {  	_ =	shalt  }
0x58: {  	_ =	shalt  }
0x59: {  	_ =	shalt  }
0x5a: {  	_ =	shalt  }
0x5b: {  	_ =	shalt  }
0x5c: {  	_ =	shalt  }
0x5d: {  	_ =	shalt  }
0x5e: {  	_ =	shalt  }
0x5f: {  	_ =	shalt  }
0x60: {  	_ =	shalt  }
0x61: {  	_ =	shalt  }
0x62: {  	_ =	shalt  }
0x63: {  	_ =	shalt  }
0x64: {  	_ =	shalt  }
0x65: {  	_ =	shalt  }
0x66: {  	_ =	shalt  }
0x67: {  	_ =	shalt  }
0x68: {  	_ =	shalt  }
0x69: {  	_ =	shalt  }
0x6a: {  	_ =	shalt  }
0x6b: {  	_ =	shalt  }
0x6c: {  	_ =	shalt  }
0x6d: {  	_ =	shalt  }
0x6e: {  	_ =	shalt  }
0x6f: {  	_ =	shalt  }
0x70: {  	_ =	shalt  }
0x71: {  	_ =	shalt  }
0x72: {  	_ =	shalt  }
0x73: {  	_ =	shalt  }
0x74: {  	_ =	shalt  }
0x75: {  	_ =	shalt  }
0x76: {  	_ =	shalt  }
0x77: {  	_ =	shalt  }
0x78: {  	_ =	shalt  }
0x79: {  	_ =	shalt  }
0x7a: {  	_ =	shalt  }
0x7b: {  	_ =	shalt  }
0x7c: {  	_ =	shalt  }
0x7d: {  	_ =	shalt  }
0x7e: {  	_ =	shalt  }
0x7f: {  	_ =	shalt  }
0x80: {  	_ =	shalt  }
0x81: {  	_ =	shalt  }
0x82: {  	_ =	shalt  }
0x83: {  	_ =	shalt  }
0x84: {  	_ =	shalt  }
0x85: {  	_ =	shalt  }
0x86: {  	_ =	shalt  }
0x87: {  	_ =	shalt  }
.Lfunc_end0:
.L_simem_size_0:
called_computation.2_lowered:
.L_overlay_start_0:
0x88: {  	s2 =	sld [smem:$0x3FD9]  }
0x89: {  	s3 =	sld [smem:$0x3FFE];
	_ =	sdelay $0x1  }
0x8a: {  	s1 =	srdreg.scid  }
0x8b: {  	s0 =	sand.u32 $0x1, s1  }
0x8c: {  	s17 =	sshll.u32 s0, $0xA;
	s2 =	sadd.s32 s3, s2  }
0x8d: {  	s2 =	sadd.s32 s2, s17  }
0x8e: {  	[smem:$0x3FBE] =	sst s2  }
0x8f: {  	_ = 	snop  }
0x90: {  	s2 =	sld [smem:$0x3FD0];
	(tm) =	ssettm $0x1  }
0x91: {  	s18 =	sld [smem:$0x3FFB];
	_ =	sdelay $0x3  }
0x92: {  	_ =	strace s18  }
0x93: {  	s3 =	sld [smem:$0x3FFC];
	_ =	sdelay $0x3  }
0x94: {  	_ =	strace s3  }
0x95: {  	s3 =	sld [smem:$0x3FFD];
	_ =	sdelay $0x3  }
0x96: {  	_ =	strace s3  }
0x97: {  	_ =	strace $0x8FFFFFFF  }
0x98: {  	s19 =	sld [smem:$0x3FDB];
	_ =	sdelay $0x1  }
0x99: {  	s4 =	simm.s32 $_scs_section_size  }
0x9a: {  	s5 =	simm.s32 $_size__tile_overlayer_lowered;
	s6 =	simm.s32 $_tile_overlayer_lowered  }
0x9b: {  	s22 =	simm.s32 $0x1BFF;
	s21 =	sshll.u32 s6, $0x1;
	s3 =	sadd.s32 s4, s19  }
0x9c: {  	s7 =	simm.s32 $0x0;
	s20 =	sshll.u32 s5, $0x1;
	s5 =	sadd.s32 s21, s3  }
0x9d: {  	[timem:s7], [sflag:s22] =	dma.local [hbm:s5], s20  }
0x9e: {  	_ =	swait.ge [sflag:s22], s20  }
0x9f: {  	s4 =	ssub.s32 $0x0, s20;
	[sflag:s22] =	ssyncset.done $0x0  }
0xa0: {  	[sflag:s22] =	ssyncadd.s32 s4;
	_ =	sdelay $0x1  }
0xa1: {  	s23 =	simm.s32 $0x1B8B  }
0xa2: {  	_ =	swait.ge [sflag:s23], $0x1  }
0xa3: {  	[sflag:s23] =	ssyncset.done $0x0  }
0xa4: {  	s25 =	simm.s32 $0x1B8E;
	s24 =	sld [smem:$0x3FFE];
	[sflag:s23] =	ssyncadd.s32 $0xFFFFFFFF  }
0xa5: {  	s26 =	simm.s32 $execute0_lowered;
	[smem:$0x3FD2] =	sst s25  }
0xa6: {  	s5 =	sshll.u32 s26, $0x1;
	_ =	strace $0x8000004C;
	[dreg:$0x1] =	wrdreg $0xFFFFFFFF  }
0xa7: {  	s28 =	simm.s32 $_size_execute0_lowered;
	s3 =	sadd.s32 s3, s5;
	[dreg:$0x0] =	wrdreg $0x0  }
0xa8: {  	s5 =	sshll.u32 s28, $0x1;
	[dreg:$0x2] =	wrdreg s3  }
0xa9: {  	[dreg:$0x3] =	wrdreg s5  }
0xaa: {  	[dreg:$0x4] =	wrdreg $0xC0  }
0xab: {  	_ =	task [dreg:s7], $0x5FFFF  }
0xac: {  	[dreg:$0x1] =	wrdreg $0xFFFFFFFF  }
0xad: {  	[dreg:$0x0] =	wrdreg $0x60  }
0xae: {  	[dreg:$0x2] =	wrdreg s24  }
0xaf: {  	[dreg:$0x3] =	wrdreg s2  }
0xb0: {  	[dreg:$0x4] =	wrdreg $0x9  }
0xb1: {  	_ =	task.clear_ibuf [dreg:s7], $0x5FFFF;
	_ =	strace $0x9000004C  }
0xb2: {  	s29 =	simm.s32 $0x9;
	_ =	strace $0x8000004E  }
0xb3: {  	_ =	swait.ge [sflag:s29], $0x1  }
0xb4: {  	[sflag:s29] =	ssyncadd.s32 $0xFFFFFFFF  }
0xb5: {  	_ =	strace $0x9000004E  }
0xb6: {  	_ =	sfence  }
0xb7: {  	s30 =	sld [smem:$0x0];
	_ =	sdelay $0x2  }
0xb8: {  	s31 =	sshll.u32 s1, $0xD;
	s1 =	sshrl.u32 s1, $0x2  }
0xb9: {  	s3 =	sand.u32 $0x4000, s31;
	s1 =	sadd.s32 s1, s30  }
0xba: {  	s0 =	sor.u32 s3, s0;
	s1 =	sshll.u32 s1, $0x11  }
0xbb: {  	s0 =	sor.u32 s1, s0  }
0xbc: {  	s0 =	sadd.s32 $0x8F2B, s0  }
0xbd: {  	[sflag:s0] =	ssyncadd.remote.s32 $0x1  }
0xbe: {  	_ =	sfence.sel $0xFFFF  }
0xbf: {  	[dreg:$0x0] =	wrdreg $0xFFFFFFFF;
	(pc) =	sbr.abs _section_cstart, $3  }
0xc0: {  	[dreg:$0x1] =	wrdreg $0xFFFFFFFF  }
0xc1: {  	_ =	task.clear_ibuf [dreg:s7], $0x2FFFF;
	_ =	strace $0x9FFFFFFF  }
0xc2: {  	(tm) =	ssettm $0x7FFFFFFF  }
0xc3: {  	_ =	shalt  }
tec
execute0_lowered:
.L_overlay_start_1:
0x0: {  	(tag) =	ssettag $0x1  }
0x1: {  	s4 =	rddreg [dreg:$0x0];
	s1 =	srdreg.scid  }
0x2: {  	s0 =	stileid.u32;
	s2 =	rddreg [dreg:$0x1]  }
0x3: {  	s8 =	simm.s32 $0x1;
	s9 =	simm.s32 $0x2800;
	s10 =	simm.s32 $0x5000  }
0x4: {  	s11 =	simm.s32 $0x7800;
	s5 =	sand.u32 $0x1, s1;
	s3 =	sshll.u32 s0, $0x1  }
0x5: {  	s1 =	rddreg [dreg:$0x2];
	s6 =	sor.u32 s5, s3;
	s5 =	ssub.s32 $0x2, s5  }
0x6: {  	s3 =	simm.s32 $0x0;
	s6 =	smul.u32 $0x500, s6;
	s7 =	sshrl.u32 s5, $0x1  }
0x7: {  	s12 =	simm.s32 $0x0;
	[smem:$0x7FF] =	sst s3;
	s7 =	ssub.s32 s5, s7  }
0x8: {  	_ =	strace $0x8000004D;
	s6 =	sadd.s32 s6, s4;
	s7 =	smax.u32 s7, $0x1  }
0x9: {  	v0 =	vimm.f32 $0.0e+00;
	s4 =	sadd.s32 $0x1FC00, s6;
	s5 =	sadd.s32 $0x15C00, s6;
	s6 =	sadd.s32 $0x1600, s6  }
.LBB2_1:
0xa: {  	[tilespmem:s3], [sflag:$0x1] =	stream.linear.gather [hbm4b:s4+s3], $0x2800, $0x38;
	[tilespmem:$0xA000] =	vst v63  }
0xb: {  	_ =	swait.ge [sflag:s8], $0x2800  }
0xc: {  	[sflag:s8] =	ssyncset.done $0x0  }
0xd: {  	[sflag:s8] =	ssyncadd.s32 $0xFFFFD800  }
0xe: {  	[tilespmem:s9], [sflag:$0x1] =	stream.linear.gather [hbm4b:s5+s3], $0x2800, $0x38;
	[tilespmem:$0xA000] =	vst v63  }
0xf: {  	_ =	swait.ge [sflag:s8], $0x2800  }
0x10: {  	[sflag:s8] =	ssyncset.done $0x0  }
0x11: {  	[sflag:s8] =	ssyncadd.s32 $0xFFFFD800  }
0x12: {  	[tilespmem:s10], [sflag:$0x1] =	stream.linear.gather [hbm4b:s2+s3], $0x2800, $0x38;
	[tilespmem:$0xA000] =	vst v63  }
0x13: {  	_ =	swait.ge [sflag:s8], $0x2800  }
0x14: {  	[sflag:s8] =	ssyncset.done $0x0  }
0x15: {  	s13 =	simm.s32 $0x0;
	[sflag:s8] =	ssyncadd.s32 $0xFFFFD800  }
.LBB2_2:
0x16: {  	p0 =	sne.s32 s13, $0x9FC0  }
.Ltmp0:
0x17: {  	_ = 	snop;
	(pc) =	sbr.rel @p0 .LBB2_2-.Ltmp0, $3  }
0x18: {  	_ =	sdelay $0x1  }
0x19: {  	s14 =	sshra.s32 s13, $0x2  }
0x1a: {  	s13 =	sadd.s32 $0x40, s13;
	[tilespmem:s14+$0x7800] =	vst v0  }
0x1b: {  	s14 =	simm.s32 $0x0;
	s13 =	simm.s32 $0x80  }
.LBB2_4:
0x1c: {  	p0 =	sne.s32 s13, $0x9F80;
	v1 =	vld [tilespmem:s14+$0x0]  }
0x1d: {  	v2 =	vld [tilespmem:s14+$0x2800];
	_ =	sdelay $0x6  }
0x1e: {  	v1 =	vld.idx.msk [tilespmem:v1+s10+$0x0], $0xffff;
	_ =	sdelay $0x5  }
0x1f: {  	[tilespmem:v2+s11+$0x0] =	vst.idx.add.f32.msk $0xffff, v1  }
0x20: {  	v1 =	vld [tilespmem:s14+$0x10]  }
0x21: {  	v2 =	vld [tilespmem:s14+$0x2810];
	_ =	sdelay $0x6  }
0x22: {  	v1 =	vld.idx.msk [tilespmem:v1+s10+$0x0], $0xffff;
	_ =	sdelay $0x1  }
.Ltmp1:
0x23: {  	(pc) =	sbr.rel @p0 .LBB2_4-.Ltmp1, $2  }
0x24: {  	_ =	sdelay $0x2  }
0x25: {  	s14 =	sshra.s32 s13, $0x2;
	s13 =	sadd.s32 $0x80, s13;
	[tilespmem:v2+s11+$0x0] =	vst.idx.add.f32.msk $0xffff, v1  }
0x26: {  	v1 =	vld [tilespmem:s14+$0x0];
	_ =	sdelay $0x4  }
0x27: {  	v2 =	vld [tilespmem:s14+$0x2800];
	_ =	sdelay $0x2  }
0x28: {  	v1 =	vld.idx.msk [tilespmem:v1+s10+$0x0], $0xffff;
	_ =	sdelay $0x4  }
0x29: {  	[tilespmem:v2+s11+$0x0] =	vst.idx.add.f32.msk $0xffff, v1  }
0x2a: {  	v1 =	vld [tilespmem:s14+$0x10];
	_ =	sdelay $0x4  }
0x2b: {  	v2 =	vld [tilespmem:s14+$0x2810];
	_ =	sdelay $0x2  }
0x2c: {  	v1 =	vld.idx.msk [tilespmem:v1+s10+$0x0], $0xffff;
	_ =	sdelay $0x2  }
0x2d: {  	s12 =	sadd.s32 $0x1, s12  }
0x2e: {  	p0 =	sne.s32 s12, s7  }
.Ltmp2:
0x2f: {  	[tilespmem:v2+s11+$0x0] =	vst.idx.add.f32.msk $0xffff, v1;
	(pc) =	sbr.rel @p0 .LBB2_1-.Ltmp2, $4  }
0x30: {  	[hbm4b:s6+s3] =	stream.linear.scatter [tilespmem:s11], [sflag:$0x1], $0x2800, $0x38;
	[tilespmem:$0xA000] =	vst v63  }
0x31: {  	_ =	swait.ge [sflag:s8], $0x2800  }
0x32: {  	[sflag:s8] =	ssyncset.done $0x0  }
0x33: {  	[sflag:s8] =	ssyncadd.s32 $0xFFFFD800  }
0x34: {  	_ =	sfence.sel $0x180000  }
0x35: {  	[bflag:$0x0] =	sbarrier.arrive $0xFFFF  }
0x36: {  	p0 =	sne.s32 s0, $0x0;
	_ =	strace $0x9000004D  }
0x37: {  	s0 =	sadd.s32 @!p0 $0x100000, s1;
	[bflag:$0x2] =	sbarrier.arrive $0xFFFF  }
0x38: {  	[sflag:s0] =	ssyncadd.tile.s32 @!p0 $0x1;
	_ =	shalt  }
.Lfunc_end2:
_tile_overlayer_lowered:
.L_overlay_start_2:
0x39: {  	(tag) =	ssettag $0x2  }
0x3a: {  	s0 =	rddreg [dreg:$0x0];
	s2 =	stileid.u32  }
0x3b: {  	s1 =	rddreg [dreg:$0x1];
	p0 =	sne.s32 s2, $0x0  }
0x3c: {  	s3 =	rddreg [dreg:$0x2];
	[bflag:$0x3] =	sbarrier.arrive $0xFFFF;
	s2 =	simm.s32 @!p0 $0x1C01  }
0x3d: {  	[timem:s3], [sflag:s2] =	dma.local @!p0 [hbm:s0], s1  }
0x3e: {  	s0 =	simm.s32 @!p0 $0x1  }
0x3f: {  	_ =	swait.ge @!p0 [sflag:s0], s1  }
0x40: {  	s1 =	ssub.s32 @!p0 $0x0, s1;
	[sflag:s0] =	ssyncset.done @!p0 $0x0  }
0x41: {  	[sflag:s0] =	ssyncadd.s32 @!p0 s1  }
0x42: {  	[bflag:$0x3] =	sbarrier.arrive $0xFFFF  }
0x43: {  	_ =	shalt  }

// kernel: kernel.8.cloned.1.call-start
scs
__scs_entry_jumppad:
0x0: {  	(pc) =	sbr.rel $0x88, $3  }
0x1: {  	(tag) =	ssettag $0x0;
	lr =	simm.s32 $0x1  }
0x2: {  	[smem:$0x3F97] =	sst lr;
	_ =	strace $0xD0000000  }
0x3: {  	_ = 	snop  }
0x4: {  	_ = 	snop  }
0x5: {  	_ = 	snop  }
0x6: {  	_ = 	snop  }
0x7: {  	_ = 	snop  }
__scs_overlays_trampoline_lowered:
0x8: {  	[smem:$0x3FA6] =	sst s0  }
0x9: {  	[smem:$0x3FA7] =	sst s1  }
0xa: {  	[smem:$0x3FA8] =	sst s2  }
0xb: {  	[smem:$0x3FA9] =	sst s3  }
0xc: {  	[smem:$0x3FAA] =	sst s4  }
0xd: {  	[smem:$0x3FAB] =	sst s5  }
0xe: {  	[smem:$0x3FAC] =	sst s6  }
0xf: {  	[smem:$0x3FAD] =	sst s7  }
0x10: {  	[smem:$0x3FAE] =	sst s8  }
0x11: {  	[smem:$0x3FAF] =	sst s9;
	s0 =	simm.s32 @!p0 $0x0  }
0x12: {  	s1 =	sld [smem:$0x3F95];
	s0 =	simm.s32 @p0 $0x1  }
0x13: {  	[smem:$0x3FB0] =	sst s0;
	s0 =	simm.s32 @!p1 $0x0  }
0x14: {  	s2 =	sld [smem:$0x3F94];
	s0 =	simm.s32 @p1 $0x1  }
0x15: {  	[smem:$0x3FB1] =	sst s0;
	s0 =	simm.s32 @!p2 $0x0  }
0x16: {  	s3 =	sld [smem:$0x3FDB];
	s0 =	simm.s32 @p2 $0x1  }
0x17: {  	s4 =	simm.s32 $0x1BF5;
	[smem:$0x3FB3] =	sst s0  }
0x18: {  	s0 =	sld [smem:$0x3F96];
	_ =	swait.ge [sflag:s4], $0x0  }
0x19: {  	s7 =	sld [smem:$0x3F97]  }
0x1a: {  	s8 =	sadd.s32 $0xFFFFE003, lr  }
0x1b: {  	s9 =	sadd.s32 $0xFFFFFEF7, lr;
	s5 =	simm.s32 $0xFFFFFFFF;
	p2 =	slt.u32 s8, $0xFFFFF086  }
0x1c: {  	p1 =	slt.u32 s9, $0xF7A;
	s5 =	simm.s32 @!p2 $0x0  }
0x1d: {  	s5 =	simm.s32 @p1 $0x1;
	p0 =	seq.s32 s7, s2  }
0x1e: {  	s7 =	smul.u32 @!p0 $0xF7A, s2;
	p2 =	seq.s32 @!p0 s5, $0x0  }
0x1f: {  	s9 =	smul.u32 $0xF7A, s1;
	s8 =	simm.s32 @!p0 $0x1BF5;
	p2 =	por !p2, p0  }
0x20: {  	[sflag:s8] =	ssyncset.s32 @!p0 $0xFFFFF086;
	s6 =	sadd.s32 @!p0 s3, s7;
	s7 =	simm.s32 @!p0 $0x108  }
0x21: {  	s3 =	sadd.s32 s3, s9;
	s6 =	sadd.s32 @!p0 $0x88, s6;
	s7 =	simm.s32 @p2 $0x1082  }
0x22: {  	[simem:s7], [sflag:s8] =	dma.local @!p0 [hbm:s6], $0xF7A  }
0x23: {  	s9 =	sor.u32 $0xD0000000, s2;
	s6 =	simm.s32 $0x108;
	_ =	swait.ge @!p0 [sflag:s8], $0x0  }
0x24: {  	s3 =	sadd.s32 $0x88, s3;
	s6 =	simm.s32 @!p1 $0x1082;
	[sflag:s4] =	ssyncset.s32 $0xFFFFF086  }
0x25: {  	[simem:s6], [sflag:s4] =	dma.local [hbm:s3], $0xF7A  }
0x26: {  	[smem:$0x3F97] =	sst s1;
	(tag) =	ssettag s2;
	_ =	strace s9  }
0x27: {  	s1 =	sld [smem:$0x3FA7]  }
0x28: {  	s2 =	sld [smem:$0x3FA8]  }
0x29: {  	s4 =	sld [smem:$0x3FAA]  }
0x2a: {  	p0 =	seq.s32 s5, $0x0;
	s5 =	sld [smem:$0x3FAB]  }
0x2b: {  	s6 =	sld [smem:$0x3FAC]  }
0x2c: {  	s7 =	sld [smem:$0x3FAD]  }
0x2d: {  	s3 =	simm.s32 $0x108;
	s8 =	sld [smem:$0x3FAE]  }
0x2e: {  	s3 =	simm.s32 @!p0 $0x1082;
	s9 =	sld [smem:$0x3FAF]  }
0x2f: {  	lr =	sadd.s32 s0, s3;
	s0 =	sld [smem:$0x3FA6]  }
0x30: {  	s3 =	sld [smem:$0x3FA9]  }
0x31: {  	[smem:$0x3FB2] =	sst s10  }
0x32: {  	s10 =	sld [smem:$0x3FB0];
	_ =	sdelay $0x3  }
0x33: {  	p0 =	seq.s32 s10, $0x1;
	s10 =	sld [smem:$0x3FB2];
	_ =	sdelay $0x3  }
0x34: {  	[smem:$0x3FB2] =	sst s10  }
0x35: {  	s10 =	sld [smem:$0x3FB1];
	_ =	sdelay $0x3  }
0x36: {  	p1 =	seq.s32 s10, $0x1;
	s10 =	sld [smem:$0x3FB2];
	_ =	sdelay $0x3  }
0x37: {  	[smem:$0x3FB2] =	sst s10  }
0x38: {  	s10 =	sld [smem:$0x3FB3]  }
0x39: {  	_ = 	snop;
	(pc) =	sbr.ind lr, $3  }
0x3a: {  	_ = 	snop  }
0x3b: {  	_ = 	snop  }
0x3c: {  	p2 =	seq.s32 s10, $0x1;
	s10 =	sld [smem:$0x3FB2]  }
0x3d: {  	_ =	shalt  }
0x3e: {  	_ =	shalt  }
0x3f: {  	_ =	shalt  }
0x40: {  	_ =	shalt  }
0x41: {  	_ =	shalt  }
0x42: {  	_ =	shalt  }
0x43: {  	_ =	shalt  }
0x44: {  	_ =	shalt  }
0x45: {  	_ =	shalt  }
0x46: {  	_ =	shalt  }
0x47: {  	_ =	shalt  }
0x48: {  	_ =	shalt  }
0x49: {  	_ =	shalt  }
0x4a: {  	_ =	shalt  }
0x4b: {  	_ =	shalt  }
0x4c: {  	_ =	shalt  }
0x4d: {  	_ =	shalt  }
0x4e: {  	_ =	shalt  }
0x4f: {  	_ =	shalt  }
0x50: {  	_ =	shalt  }
0x51: {  	_ =	shalt  }
0x52: {  	_ =	shalt  }
0x53: {  	_ =	shalt  }
0x54: {  	_ =	shalt  }
0x55: {  	_ =	shalt  }
0x56: {  	_ =	shalt  }
0x57: {  	_ =	shalt  }
0x58: {  	_ =	shalt  }
0x59: {  	_ =	shalt  }
0x5a: {  	_ =	shalt  }
0x5b: {  	_ =	shalt  }
0x5c: {  	_ =	shalt  }
0x5d: {  	_ =	shalt  }
0x5e: {  	_ =	shalt  }
0x5f: {  	_ =	shalt  }
0x60: {  	_ =	shalt  }
0x61: {  	_ =	shalt  }
0x62: {  	_ =	shalt  }
0x63: {  	_ =	shalt  }
0x64: {  	_ =	shalt  }
0x65: {  	_ =	shalt  }
0x66: {  	_ =	shalt  }
0x67: {  	_ =	shalt  }
0x68: {  	_ =	shalt  }
0x69: {  	_ =	shalt  }
0x6a: {  	_ =	shalt  }
0x6b: {  	_ =	shalt  }
0x6c: {  	_ =	shalt  }
0x6d: {  	_ =	shalt  }
0x6e: {  	_ =	shalt  }
0x6f: {  	_ =	shalt  }
0x70: {  	_ =	shalt  }
0x71: {  	_ =	shalt  }
0x72: {  	_ =	shalt  }
0x73: {  	_ =	shalt  }
0x74: {  	_ =	shalt  }
0x75: {  	_ =	shalt  }
0x76: {  	_ =	shalt  }
0x77: {  	_ =	shalt  }
0x78: {  	_ =	shalt  }
0x79: {  	_ =	shalt  }
0x7a: {  	_ =	shalt  }
0x7b: {  	_ =	shalt  }
0x7c: {  	_ =	shalt  }
0x7d: {  	_ =	shalt  }
0x7e: {  	_ =	shalt  }
0x7f: {  	_ =	shalt  }
0x80: {  	_ =	shalt  }
0x81: {  	_ =	shalt  }
0x82: {  	_ =	shalt  }
0x83: {  	_ =	shalt  }
0x84: {  	_ =	shalt  }
0x85: {  	_ =	shalt  }
0x86: {  	_ =	shalt  }
0x87: {  	_ =	shalt  }
.Lfunc_end0:
.L_simem_size_0:
called_computation_lowered:
.L_overlay_start_0:
0x88: {  	s2 =	sld [smem:$0x3FD9]  }
0x89: {  	s3 =	sld [smem:$0x3FFE];
	_ =	sdelay $0x1  }
0x8a: {  	s1 =	srdreg.scid  }
0x8b: {  	s0 =	sand.u32 $0x1, s1  }
0x8c: {  	s17 =	sshll.u32 s0, $0xA;
	s2 =	sadd.s32 s3, s2  }
0x8d: {  	s2 =	sadd.s32 s2, s17  }
0x8e: {  	[smem:$0x3FBE] =	sst s2  }
0x8f: {  	_ = 	snop  }
0x90: {  	s2 =	sld [smem:$0x3FD0];
	(tm) =	ssettm $0x1  }
0x91: {  	s18 =	sld [smem:$0x3FFB];
	_ =	sdelay $0x3  }
0x92: {  	_ =	strace s18  }
0x93: {  	s3 =	sld [smem:$0x3FFC];
	_ =	sdelay $0x3  }
0x94: {  	_ =	strace s3  }
0x95: {  	s3 =	sld [smem:$0x3FFD];
	_ =	sdelay $0x3  }
0x96: {  	_ =	strace s3  }
0x97: {  	_ =	strace $0x8FFFFFFF  }
0x98: {  	s19 =	sld [smem:$0x3FDB];
	_ =	sdelay $0x1  }
0x99: {  	s4 =	simm.s32 $_scs_section_size  }
0x9a: {  	s5 =	simm.s32 $_size__tile_overlayer_lowered;
	s6 =	simm.s32 $_tile_overlayer_lowered  }
0x9b: {  	s22 =	simm.s32 $0x1BFF;
	s21 =	sshll.u32 s6, $0x1;
	s3 =	sadd.s32 s4, s19  }
0x9c: {  	s7 =	simm.s32 $0x0;
	s20 =	sshll.u32 s5, $0x1;
	s5 =	sadd.s32 s21, s3  }
0x9d: {  	[timem:s7], [sflag:s22] =	dma.local [hbm:s5], s20  }
0x9e: {  	_ =	swait.ge [sflag:s22], s20  }
0x9f: {  	s4 =	ssub.s32 $0x0, s20;
	[sflag:s22] =	ssyncset.done $0x0  }
0xa0: {  	[sflag:s22] =	ssyncadd.s32 s4;
	_ =	sdelay $0x1  }
0xa1: {  	s23 =	simm.s32 $0x1B8B  }
0xa2: {  	_ =	swait.ge [sflag:s23], $0x1  }
0xa3: {  	[sflag:s23] =	ssyncset.done $0x0  }
0xa4: {  	s25 =	simm.s32 $0x1B8E;
	s24 =	sld [smem:$0x3FFE];
	[sflag:s23] =	ssyncadd.s32 $0xFFFFFFFF  }
0xa5: {  	s26 =	simm.s32 $execute0_lowered;
	[smem:$0x3FD2] =	sst s25  }
0xa6: {  	s5 =	sshll.u32 s26, $0x1;
	_ =	strace $0x80000046;
	[dreg:$0x1] =	wrdreg $0xFFFFFFFF  }
0xa7: {  	s28 =	simm.s32 $_size_execute0_lowered;
	s3 =	sadd.s32 s3, s5;
	[dreg:$0x0] =	wrdreg $0x0  }
0xa8: {  	s5 =	sshll.u32 s28, $0x1;
	[dreg:$0x2] =	wrdreg s3  }
0xa9: {  	[dreg:$0x3] =	wrdreg s5  }
0xaa: {  	[dreg:$0x4] =	wrdreg $0xC0  }
0xab: {  	_ =	task [dreg:s7], $0x5FFFF  }
0xac: {  	[dreg:$0x1] =	wrdreg $0xFFFFFFFF  }
0xad: {  	[dreg:$0x0] =	wrdreg $0x60  }
0xae: {  	[dreg:$0x2] =	wrdreg s24  }
0xaf: {  	[dreg:$0x3] =	wrdreg s2  }
0xb0: {  	[dreg:$0x4] =	wrdreg $0x9  }
0xb1: {  	_ =	task.clear_ibuf [dreg:s7], $0x5FFFF;
	_ =	strace $0x90000046  }
0xb2: {  	s29 =	simm.s32 $0x9;
	_ =	strace $0x80000048  }
0xb3: {  	_ =	swait.ge [sflag:s29], $0x1  }
0xb4: {  	[sflag:s29] =	ssyncadd.s32 $0xFFFFFFFF  }
0xb5: {  	_ =	strace $0x90000048  }
0xb6: {  	_ =	sfence  }
0xb7: {  	s30 =	sld [smem:$0x0];
	_ =	sdelay $0x2  }
0xb8: {  	s31 =	sshll.u32 s1, $0xD;
	s1 =	sshrl.u32 s1, $0x2  }
0xb9: {  	s3 =	sand.u32 $0x4000, s31;
	s1 =	sadd.s32 s1, s30  }
0xba: {  	s0 =	sor.u32 s3, s0;
	s1 =	sshll.u32 s1, $0x11  }
0xbb: {  	s0 =	sor.u32 s1, s0  }
0xbc: {  	s0 =	sadd.s32 $0x8F2B, s0  }
0xbd: {  	[sflag:s0] =	ssyncadd.remote.s32 $0x1  }
0xbe: {  	_ =	sfence.sel $0xFFFF  }
0xbf: {  	[dreg:$0x0] =	wrdreg $0xFFFFFFFF;
	(pc) =	sbr.abs _section_cstart, $3  }
0xc0: {  	[dreg:$0x1] =	wrdreg $0xFFFFFFFF  }
0xc1: {  	_ =	task.clear_ibuf [dreg:s7], $0x2FFFF;
	_ =	strace $0x9FFFFFFF  }
0xc2: {  	(tm) =	ssettm $0x7FFFFFFF  }
0xc3: {  	_ =	shalt  }
tec
execute0_lowered:
.L_overlay_start_1:
0x0: {  	(tag) =	ssettag $0x1  }
0x1: {  	s5 =	rddreg [dreg:$0x0];
	s1 =	srdreg.scid  }
0x2: {  	s0 =	stileid.u32;
	s2 =	rddreg [dreg:$0x1]  }
0x3: {  	s3 =	simm.s32 $0x0;
	s11 =	simm.s32 $0x1;
	s12 =	simm.s32 $0x2800  }
0x4: {  	s13 =	simm.s32 $0x7800;
	s14 =	simm.s32 $0xA000;
	s15 =	simm.s32 $0xC800  }
0x5: {  	s16 =	simm.s32 $0xF000;
	s4 =	sand.u32 $0x1, s1;
	s6 =	sshll.u32 s0, $0x1  }
0x6: {  	s17 =	simm.s32 $0x5000;
	s18 =	simm.s32 $0x0;
	s6 =	sor.u32 s4, s6  }
0x7: {  	[smem:$0x7FF] =	sst s3;
	s7 =	ssub.s32 $0x2, s4;
	s6 =	smul.u32 $0x500, s6  }
0x8: {  	s1 =	rddreg [dreg:$0x2];
	_ =	strace $0x80000047;
	s31 =	sshrl.u32 s7, $0x1  }
0x9: {  	s4 =	sadd.s32 $0x1600, s5;
	s10 =	ssub.s32 s7, s31;
	s9 =	sadd.s32 s6, s5  }
0xa: {  	s10 =	smax.u32 s10, $0x1;
	s5 =	sadd.s32 $0x1FC00, s9;
	s6 =	sadd.s32 $0x15C00, s9  }
0xb: {  	v0 =	vimm.f32 $0.0e+00;
	v1 =	vimm.f32 $1.000000000e+00;
	s7 =	sadd.s32 $0x3DC00, s9;
	s8 =	sadd.s32 $0x29C00, s9;
	s9 =	sadd.s32 $0x33C00, s9  }
.LBB2_1:
0xc: {  	[tilespmem:s3], [sflag:$0x1] =	stream.linear.gather [hbm4b:s5+s3], $0x2800, $0x38;
	[tilespmem:$0x11800] =	vst v63  }
0xd: {  	_ =	swait.ge [sflag:s11], $0x2800  }
0xe: {  	[sflag:s11] =	ssyncset.done $0x0  }
0xf: {  	[sflag:s11] =	ssyncadd.s32 $0xFFFFD800  }
0x10: {  	[tilespmem:s12], [sflag:$0x1] =	stream.linear.gather [hbm4b:s6+s3], $0x2800, $0x38;
	[tilespmem:$0x11800] =	vst v63  }
0x11: {  	_ =	swait.ge [sflag:s11], $0x2800  }
0x12: {  	[sflag:s11] =	ssyncset.done $0x0  }
0x13: {  	[sflag:s11] =	ssyncadd.s32 $0xFFFFD800  }
0x14: {  	[tilespmem:s13], [sflag:$0x1] =	stream.linear.gather [hbm4b:s2+s3], $0x2800, $0x38;
	[tilespmem:$0x11800] =	vst v63  }
0x15: {  	_ =	swait.ge [sflag:s11], $0x2800  }
0x16: {  	[sflag:s11] =	ssyncset.done $0x0  }
0x17: {  	[sflag:s11] =	ssyncadd.s32 $0xFFFFD800  }
0x18: {  	[tilespmem:s14], [sflag:$0x1] =	stream.linear.gather [hbm4b:s4+s3], $0x2800, $0x38;
	[tilespmem:$0x11800] =	vst v63  }
0x19: {  	_ =	swait.ge [sflag:s11], $0x2800  }
0x1a: {  	[sflag:s11] =	ssyncset.done $0x0  }
0x1b: {  	s19 =	simm.s32 $0x0;
	[sflag:s11] =	ssyncadd.s32 $0xFFFFD800  }
.LBB2_2:
0x1c: {  	p0 =	sne.s32 s19, $0x9FC0  }
.Ltmp0:
0x1d: {  	_ = 	snop;
	(pc) =	sbr.rel @p0 .LBB2_2-.Ltmp0, $4  }
0x1e: {  	_ = 	snop  }
0x1f: {  	s20 =	sshra.s32 s19, $0x2  }
0x20: {  	[tilespmem:s20+$0xC800] =	vst v0  }
0x21: {  	s19 =	sadd.s32 $0x40, s19;
	[tilespmem:s20+$0xF000] =	vst v0  }
0x22: {  	s19 =	simm.s32 $0x0  }
0x23: {  	v2 =	vld [tilespmem:s19+$0x0]  }
0x24: {  	v3 =	vld [tilespmem:s19+$0x2800];
	_ =	sdelay $0x6  }
0x25: {  	v2 =	vld.idx.msk [tilespmem:v2+s13+$0x0], $0xffff  }
0x26: {  	v4 =	vld.idx.msk [tilespmem:v3+s14+$0x0], $0xffff;
	_ =	sdelay $0x4  }
0x27: {  	v2 =	vadd.f32 v4, v2;
	_ =	sdelay $0x1  }
0x28: {  	v4 =	vmul.f32 $2.000000030e-01, v2  }
0x29: {  	vm0 =	vge.f32 v2, $0.0e+00  }
0x2a: {  	v2 =	vsel vm0, v2, v4  }
0x2b: {  	v2 =	vmul.f32 $1.442695020e+00, v2;
	_ =	sdelay $0x1  }
0x2c: {  	(erf) = vpow2.f32 v2;
	_ =	sdelay $0x8  }
0x2d: {  	v2 =	vpop (erf)  }
0x2e: {  	[tilespmem:v3+s15+$0x0] =	vst.idx.add.f32.msk $0xffff, v2  }
0x2f: {  	[tilespmem:v3+s16+$0x0] =	vst.idx.add.f32.msk $0xffff, v1  }
0x30: {  	v3 =	vld [tilespmem:s19+$0x10]  }
0x31: {  	[tilespmem:s19+$0x5000] =	vst v2;
	v2 =	vld [tilespmem:s19+$0x2810];
	_ =	sdelay $0x6  }
0x32: {  	v3 =	vld.idx.msk [tilespmem:v3+s13+$0x0], $0xffff  }
0x33: {  	v4 =	vld.idx.msk [tilespmem:v2+s14+$0x0], $0xffff;
	_ =	sdelay $0x4  }
0x34: {  	v3 =	vadd.f32 v4, v3;
	_ =	sdelay $0x1  }
0x35: {  	v4 =	vmul.f32 $2.000000030e-01, v3  }
0x36: {  	vm15 =	vge.f32 v3, $0.0e+00  }
0x37: {  	v3 =	vsel vm15, v3, v4  }
0x38: {  	v3 =	vmul.f32 $1.442695020e+00, v3;
	_ =	sdelay $0x1  }
0x39: {  	(erf) = vpow2.f32 v3;
	_ =	sdelay $0x8  }
0x3a: {  	s20 =	simm.s32 $0x80;
	v3 =	vpop (erf)  }
.LBB2_4:
0x3b: {  	p0 =	sne.s32 s20, $0x9F80;
	[tilespmem:v2+s15+$0x0] =	vst.idx.add.f32.msk $0xffff, v3;
	s21 =	smov.u32 s20;
	s20 =	sadd.s32 $0x80, s20  }
0x3c: {  	s21 =	sshra.s32 s21, $0x2;
	[tilespmem:v2+s16+$0x0] =	vst.idx.add.f32.msk $0xffff, v1  }
0x3d: {  	v2 =	vld [tilespmem:s21+$0x0];
	[tilespmem:s19+$0x5010] =	vst v3;
	s19 =	smov.u32 s21  }
0x3e: {  	v3 =	vld [tilespmem:s19+$0x2800];
	_ =	sdelay $0x6  }
0x3f: {  	v2 =	vld.idx.msk [tilespmem:v2+s13+$0x0], $0xffff  }
0x40: {  	v4 =	vld.idx.msk [tilespmem:v3+s14+$0x0], $0xffff;
	_ =	sdelay $0x5  }
0x41: {  	v2 =	vadd.f32 v4, v2;
	_ =	sdelay $0x1  }
0x42: {  	vm0 =	vge.f32 v2, $0.0e+00;
	v4 =	vmul.f32 $2.000000030e-01, v2;
	_ =	sdelay $0x1  }
0x43: {  	v2 =	vsel vm0, v2, v4  }
0x44: {  	v2 =	vmul.f32 $1.442695020e+00, v2;
	_ =	sdelay $0x1  }
0x45: {  	(erf) = vpow2.f32 v2;
	_ =	sdelay $0x8  }
0x46: {  	v2 =	vpop (erf)  }
0x47: {  	[tilespmem:v3+s15+$0x0] =	vst.idx.add.f32.msk $0xffff, v2  }
0x48: {  	[tilespmem:v3+s16+$0x0] =	vst.idx.add.f32.msk $0xffff, v1  }
0x49: {  	[tilespmem:s19+$0x5000] =	vst v2;
	v3 =	vld [tilespmem:s19+$0x10]  }
0x4a: {  	v2 =	vld [tilespmem:s19+$0x2810];
	_ =	sdelay $0x6  }
0x4b: {  	v3 =	vld.idx.msk [tilespmem:v3+s13+$0x0], $0xffff  }
0x4c: {  	v4 =	vld.idx.msk [tilespmem:v2+s14+$0x0], $0xffff;
	_ =	sdelay $0x5  }
0x4d: {  	v3 =	vadd.f32 v4, v3;
	_ =	sdelay $0x1  }
0x4e: {  	vm0 =	vge.f32 v3, $0.0e+00;
	v4 =	vmul.f32 $2.000000030e-01, v3;
	_ =	sdelay $0x1  }
0x4f: {  	v3 =	vsel vm0, v3, v4  }
0x50: {  	v3 =	vmul.f32 $1.442695020e+00, v3;
	_ =	sdelay $0x1  }
0x51: {  	(erf) = vpow2.f32 v3;
	_ =	sdelay $0x4  }
.Ltmp1:
0x52: {  	(pc) =	sbr.rel @p0 .LBB2_4-.Ltmp1, $2  }
0x53: {  	_ =	sdelay $0x2  }
0x54: {  	v3 =	vpop (erf)  }
0x55: {  	_ =	sdelay $0x3  }
0x56: {  	[tilespmem:v2+s15+$0x0] =	vst.idx.add.f32.msk $0xffff, v3  }
0x57: {  	[tilespmem:v2+s16+$0x0] =	vst.idx.add.f32.msk $0xffff, v1  }
0x58: {  	[tilespmem:s19+$0x5010] =	vst v3  }
0x59: {  	[hbm4b:s7+s3] =	stream.linear.scatter [tilespmem:s17], [sflag:$0x1], $0x2800, $0x38;
	[tilespmem:$0x11800] =	vst v63  }
0x5a: {  	_ =	swait.ge [sflag:s11], $0x2800  }
0x5b: {  	[sflag:s11] =	ssyncset.done $0x0  }
0x5c: {  	[sflag:s11] =	ssyncadd.s32 $0xFFFFD800  }
0x5d: {  	[hbm4b:s8+s3] =	stream.linear.scatter [tilespmem:s15], [sflag:$0x1], $0x2800, $0x38;
	[tilespmem:$0x11800] =	vst v63  }
0x5e: {  	s18 =	sadd.s32 $0x1, s18;
	_ =	swait.ge [sflag:s11], $0x2800  }
0x5f: {  	p0 =	sne.s32 s18, s10;
	[sflag:s11] =	ssyncset.done $0x0  }
.Ltmp2:
0x60: {  	[sflag:s11] =	ssyncadd.s32 $0xFFFFD800;
	(pc) =	sbr.rel @p0 .LBB2_1-.Ltmp2, $4  }
0x61: {  	[hbm4b:s9+s3] =	stream.linear.scatter [tilespmem:s16], [sflag:$0x1], $0x2800, $0x38;
	[tilespmem:$0x11800] =	vst v63  }
0x62: {  	_ =	swait.ge [sflag:s11], $0x2800  }
0x63: {  	[sflag:s11] =	ssyncset.done $0x0  }
0x64: {  	[sflag:s11] =	ssyncadd.s32 $0xFFFFD800  }
0x65: {  	_ =	sfence.sel $0x180000  }
0x66: {  	[bflag:$0x0] =	sbarrier.arrive $0xFFFF  }
0x67: {  	p0 =	sne.s32 s0, $0x0;
	_ =	strace $0x90000047  }
0x68: {  	s0 =	sadd.s32 @!p0 $0x100000, s1;
	[bflag:$0x2] =	sbarrier.arrive $0xFFFF  }
0x69: {  	[sflag:s0] =	ssyncadd.tile.s32 @!p0 $0x1;
	_ =	shalt  }
.Lfunc_end2:
_tile_overlayer_lowered:
.L_overlay_start_2:
0x6a: {  	(tag) =	ssettag $0x2  }
0x6b: {  	s0 =	rddreg [dreg:$0x0];
	s2 =	stileid.u32  }
0x6c: {  	s1 =	rddreg [dreg:$0x1];
	p0 =	sne.s32 s2, $0x0  }
0x6d: {  	s3 =	rddreg [dreg:$0x2];
	[bflag:$0x3] =	sbarrier.arrive $0xFFFF;
	s2 =	simm.s32 @!p0 $0x1C01  }
0x6e: {  	[timem:s3], [sflag:s2] =	dma.local @!p0 [hbm:s0], s1  }
0x6f: {  	s0 =	simm.s32 @!p0 $0x1  }
0x70: {  	_ =	swait.ge @!p0 [sflag:s0], s1  }
0x71: {  	s1 =	ssub.s32 @!p0 $0x0, s1;
	[sflag:s0] =	ssyncset.done @!p0 $0x0  }
0x72: {  	[sflag:s0] =	ssyncadd.s32 @!p0 s1  }
0x73: {  	[bflag:$0x3] =	sbarrier.arrive $0xFFFF  }
0x74: {  	_ =	shalt  }

</sc_bundles>
